<compile_context>
chip_gen: v7x
topology: tpu7x:2x2x1
jax: 0.10.2.dev20260603
libtpu: 0.0.44.dev20260713+nightly
codegen_flags: <defaults>
</compile_context>

<pallas_src>
import functools
import jax
import jax.numpy as jnp
from jax import lax
from jax.experimental import pallas as pl
from jax.experimental.pallas import tpu as pltpu
from jax.experimental.pallas import tpu_sc as plsc

_N = 10000
_E = 320000
_H = 128
_VOCAB = 28
_G = 128

_NC = 2
_NS = 16
_NW = _NC * _NS

_CH = 128
_NBUF = 2
_ECHUNKS = 80
_TCHUNK = _ECHUNKS * _NW
_EP = _TCHUNK * _CH
_QCH = 8
_NPAIR = _QCH // _NBUF
_FC = 0
_CF = 152
_CS = 8
_CS0 = _NS * _CF

_NPF = 10112
_RPF = _NPF // _NS
_NPD = 10240
_RPD = _NPD // _NS


def _deg_body(zeros1_hbm, ones1_hbm, dst_hbm, out_hbm, acc, ones, didx):
    cid = lax.axis_index("c")
    sid = lax.axis_index("s")
    wid = sid * _NC + cid
    pltpu.sync_copy(dst_hbm.at[pl.ds(wid * _ECHUNKS, _ECHUNKS)], didx)
    pltpu.sync_copy(ones1_hbm, ones)
    r0 = sid * _RPD
    pltpu.sync_copy(zeros1_hbm, acc.at[pl.ds(r0, _RPD)])
    plsc.subcore_barrier()

    def body(t, carry):
        pltpu.sync_copy(ones, acc.at[didx.at[t]], add=True)
        return carry

    lax.fori_loop(0, _ECHUNKS, body, 0)
    plsc.subcore_barrier()
    pltpu.sync_copy(acc.at[pl.ds(r0, _RPD)], out_hbm.at[cid, pl.ds(r0, _RPD)])


def _agg_body(g_hbm, src_hbm, dst_hbm, zeros_hbm, out_hbm,
              acc, sidx, didx, rows, sems):
    cid = lax.axis_index("c")
    sid = lax.axis_index("s")
    r0 = sid * _RPF
    pltpu.sync_copy(zeros_hbm.at[cid, sid], acc.at[pl.ds(r0, _RPF)])
    plsc.subcore_barrier()

    fast = cid == _FC
    nq = lax.select(fast, _CF // _QCH, _CS // _QCH)
    base = lax.select(fast, sid * _CF, _CS0 + sid * _CS)

    def quarter(q, carry):
        pltpu.sync_copy(src_hbm.at[pl.ds(base + q * _QCH, _QCH)], sidx)
        pltpu.sync_copy(dst_hbm.at[pl.ds(base + q * _QCH, _QCH)], didx)

        def body(p, carry2):
            c0 = p * _NBUF
            descs = [
                pltpu.async_copy(g_hbm.at[sidx.at[c0 + j]], rows.at[j],
                                 sems.at[j])
                for j in range(_NBUF)
            ]
            for j in range(_NBUF):
                descs[j].wait()
                pltpu.sync_copy(rows.at[j], acc.at[didx.at[c0 + j]], add=True)
            return carry2

        lax.fori_loop(0, _NPAIR, body, 0)
        return carry

    lax.fori_loop(0, nq, quarter, 0)
    plsc.subcore_barrier()
    pltpu.sync_copy(acc.at[pl.ds(r0, _RPF)], out_hbm.at[cid, pl.ds(r0, _RPF)])


@functools.cache
def _sc_kernels():
    mesh = plsc.VectorSubcoreMesh(
        core_axis_name="c", subcore_axis_name="s",
        num_cores=_NC, num_subcores=_NS)
    deg = pl.kernel(
        _deg_body,
        out_type=jax.ShapeDtypeStruct((_NC, _NPD), jnp.float32),
        mesh=mesh,
        scratch_types=dict(
            acc=pltpu.VMEM_SHARED((_NPD,), jnp.float32),
            ones=pltpu.VMEM((_CH,), jnp.float32),
            didx=pltpu.VMEM((_ECHUNKS, _CH), jnp.int32),
        ),
    )
    agg = pl.kernel(
        _agg_body,
        out_type=jax.ShapeDtypeStruct((_NC, _NPF, _H), jnp.float32),
        mesh=mesh,
        scratch_types=dict(
            acc=pltpu.VMEM_SHARED((_NPF, _H), jnp.float32),
            sidx=pltpu.VMEM((_QCH, _CH), jnp.int32),
            didx=pltpu.VMEM((_QCH, _CH), jnp.int32),
            rows=pltpu.VMEM((_NBUF, _CH, _H), jnp.float32),
            sems=pltpu.SemaphoreType.DMA((_NBUF,)),
        ),
    )
    return deg, agg




def _tc1_body(x_ref, degp_ref, embed_ref, w1_ref, dinv_ref, g1_ref):
    indeg = degp_ref[0, :] + degp_ref[1, :]
    rows = lax.broadcasted_iota(jnp.int32, (_NPF,), 0)
    dinv = jnp.where(rows < _N, lax.rsqrt(indeg + 1.0), 0.0)
    dinv_ref[...] = dinv
    oh = (x_ref[...] == lax.broadcasted_iota(jnp.int32, (_NPF, _VOCAB), 1))
    embw = jnp.dot(embed_ref[...], w1_ref[...],
                   preferred_element_type=jnp.float32)
    hw = jnp.dot(oh.astype(jnp.float32), embw,
                 preferred_element_type=jnp.float32,
                 precision=lax.Precision.HIGHEST)
    g1_ref[...] = dinv[:, None] * hw


def _tc_mid_body(aggp_ref, g_ref, dinv_ref, b_ref, w_ref, gn_ref):
    dinv = dinv_ref[...]
    s = aggp_ref[0] + aggp_ref[1] + g_ref[...]
    h = jax.nn.relu(dinv[:, None] * s + b_ref[...][None, :])
    gn_ref[...] = dinv[:, None] * jnp.dot(h, w_ref[...],
                                          preferred_element_type=jnp.float32)


def _tc4_body(aggp_ref, g_ref, dinv_ref, b_ref, batch_ref,
              mw1_ref, mb1_ref, mw2_ref, mb2_ref, y_ref):
    dinv = dinv_ref[...]
    s = aggp_ref[0] + aggp_ref[1] + g_ref[...]
    h = jax.nn.relu(dinv[:, None] * s + b_ref[...][None, :])
    gid = lax.broadcasted_iota(jnp.int32, (_G, _NPF), 0)
    m = (gid == batch_ref[...][None, :]).astype(jnp.float32)
    y = jnp.dot(m, h, preferred_element_type=jnp.float32,
                precision=lax.Precision.HIGHEST)
    y = jax.nn.relu(jnp.dot(y, mw1_ref[...],
                            preferred_element_type=jnp.float32)
                    + mb1_ref[...][None, :])
    y_ref[...] = (jnp.dot(y, mw2_ref[...], preferred_element_type=jnp.float32)
                  + mb2_ref[...][None, :])


_tc1 = pl.pallas_call(
    _tc1_body,
    out_shape=(jax.ShapeDtypeStruct((_NPF,), jnp.float32),
               jax.ShapeDtypeStruct((_NPF, _H), jnp.float32)),
)

_tc_mid = pl.pallas_call(
    _tc_mid_body,
    out_shape=jax.ShapeDtypeStruct((_NPF, _H), jnp.float32),
)

_tc4 = pl.pallas_call(
    _tc4_body,
    out_shape=jax.ShapeDtypeStruct((_G, 1), jnp.float32),
)


def kernel(x, edge_index, batch, embed, W1, b1, W2, b2, W3, b3,
           mw1, mb1, mw2, mb2):
    src = edge_index[0].astype(jnp.int32)
    dst = edge_index[1].astype(jnp.int32)
    pad = jnp.full((_EP - _E,), _N, dtype=jnp.int32)
    goff = jnp.where(jnp.arange(_TCHUNK, dtype=jnp.int32) < _CS0,
                     _FC, 1 - _FC) * _NPF
    src_p = (jnp.concatenate([src, pad]).reshape(_TCHUNK, _CH)
             + goff[:, None])
    dst_p = jnp.concatenate([dst, pad]).reshape(_TCHUNK, _CH)
    x_p = jnp.concatenate(
        [x.astype(jnp.int32).reshape(_N, 1),
         jnp.zeros((_NPF - _N, 1), jnp.int32)])
    batch_p = jnp.concatenate(
        [batch.astype(jnp.int32), jnp.full((_NPF - _N,), _G, dtype=jnp.int32)])
    zeros2 = jnp.zeros((_NC, _NS, _RPF, _H), jnp.float32)
    zeros1 = jnp.zeros((_RPD,), jnp.float32)
    ones1 = jnp.ones((_CH,), jnp.float32)

    _deg_kernel, _agg_kernel = _sc_kernels()
    degp = _deg_kernel(zeros1, ones1, dst_p)
    dinv, g1 = _tc1(x_p, degp[:, :_NPF], embed, W1)
    a1 = _agg_kernel(jnp.concatenate([g1, g1]), src_p, dst_p, zeros2)
    g2 = _tc_mid(a1, g1, dinv, b1, W2)
    a2 = _agg_kernel(jnp.concatenate([g2, g2]), src_p, dst_p, zeros2)
    g3 = _tc_mid(a2, g2, dinv, b2, W3)
    a3 = _agg_kernel(jnp.concatenate([g3, g3]), src_p, dst_p, zeros2)
    y = _tc4(a3, g3, dinv, b3, batch_p, mw1, mb1, mw2, mb2)
    return y[:, 0]

# --- scband reference (transcript-rebuilt; emitter-appended) ---
"""Pipeline reference for scband-test-model-16990890623048 (READ-ONLY COPY).

The authoritative reference and input builder live on the scoring server;
editing this copy changes nothing except your own understanding.
"""

import jax, jax.numpy as jnp
import numpy as np

N = 10000
E = 320000
H = 128
VOCAB = 28
NUM_GRAPHS = 128
OUT_DIM = 1

def setup_inputs(seed: int = 0) -> dict:
    key = jax.random.key(seed)
    ks = jax.random.split(key, 16)
    x = jax.random.randint(ks[0], (N, 1), 0, VOCAB)
    edge_index = jax.random.randint(ks[1], (2, E), 0, N)
    batch = jnp.sort(jax.random.randint(ks[2], (N,), 0, NUM_GRAPHS))
    s = 0.05
    embed = jax.random.normal(ks[3], (VOCAB, H), dtype=jnp.float32) * s
    W1 = jax.random.normal(ks[4], (H, H), dtype=jnp.float32) * s
    b1 = jnp.zeros((H,), dtype=jnp.float32)
    W2 = jax.random.normal(ks[5], (H, H), dtype=jnp.float32) * s
    b2 = jnp.zeros((H,), dtype=jnp.float32)
    W3 = jax.random.normal(ks[6], (H, H), dtype=jnp.float32) * s
    b3 = jnp.zeros((H,), dtype=jnp.float32)
    mw1 = jax.random.normal(ks[7], (H, H), dtype=jnp.float32) * s
    mb1 = jnp.zeros((H,), dtype=jnp.float32)
    mw2 = jax.random.normal(ks[8], (H, OUT_DIM), dtype=jnp.float32) * s
    mb2 = jnp.zeros((OUT_DIM,), dtype=jnp.float32)
    return {"x": x, "edge_index": edge_index, "batch": batch, "embed": embed,
            "W1": W1, "b1": b1, "W2": W2, "b2": b2, "W3": W3, "b3": b3,
            "mw1": mw1, "mb1": mb1, "mw2": mw2, "mb2": mb2}

def _gcn_layer(h, edge_index, W, b):
    # PyG GCNConv: x = x @ W; add self-loops; sym norm; scatter-add to dst; + bias
    loop = jnp.arange(N)
    src = jnp.concatenate([edge_index[0], loop])
    dst = jnp.concatenate([edge_index[1], loop])
    ew = jnp.ones((src.shape[0],), dtype=h.dtype)
    deg = jax.ops.segment_sum(ew, dst, num_segments=N)
    dinv = jnp.where(deg > 0, deg ** -0.5, 0.0)
    norm = dinv[src] * dinv[dst]
    hw = h @ W
    msg = norm[:, None] * jnp.take(hw, src, axis=0)
    out = jax.ops.segment_sum(msg, dst, num_segments=N)
    return out + b

def reference(x, edge_index, batch, embed, W1, b1, W2, b2, W3, b3, mw1, mb1, mw2, mb2):
    h = jnp.take(embed, x[:, 0], axis=0)  # embed(x.long()).squeeze(1)
    h = jax.nn.relu(_gcn_layer(h, edge_index, W1, b1))
    h = jax.nn.relu(_gcn_layer(h, edge_index, W2, b2))
    h = jax.nn.relu(_gcn_layer(h, edge_index, W3, b3))
    y = jax.ops.segment_sum(h, batch, num_segments=NUM_GRAPHS)  # scatter_sum over batch
    y = jax.nn.relu(y @ mw1 + mb1)
    y = y @ mw2 + mb2
    return y[..., 0]  # squeeze(-1)

if __name__ == "__main__":
    import jax
    _d = setup_inputs()
    print(jax.jit(kernel)(*tuple(_d.values())))

</pallas_src>

<mosaic_0001>
#map = affine_map<(d0, d1) -> (0, 0)>
#map1 = affine_map<(d0, d1) -> (0, 0, 0, 0)>
#map2 = affine_map<(d0, d1) -> (0, 0, 0)>
module attributes {stable_mosaic.version = 14 : i64} {
  func.func @_agg_body(%arg0: i32, %arg1: i32, %arg2: memref<20224x128xf32, #tpu.memory_space<hbm>>, %arg3: memref<2560x128xi32, #tpu.memory_space<hbm>>, %arg4: memref<2560x128xi32, #tpu.memory_space<hbm>>, %arg5: memref<2x16x632x128xf32, #tpu.memory_space<hbm>>, %arg6: memref<2x10112x128xf32, #tpu.memory_space<hbm>>, %arg7: memref<10112x128xf32, #tpu.memory_space<vmem_shared>>, %arg8: memref<8x128xi32, #tpu.memory_space<vmem>>, %arg9: memref<2x128x128xf32, #tpu.memory_space<vmem>>, %arg10: memref<2x!tpu.dma_semaphore, #tpu.memory_space<semaphore_mem>>, %arg11: memref<8x128xi32, #tpu.memory_space<vmem>>) attributes {dimension_semantics = [#tpu.dimension_semantics<core_parallel>, #tpu.dimension_semantics<subcore_parallel>], iteration_bounds = array<i64: 2, 16>, scalar_prefetch = 0 : i64, scratch_operands = 5 : i64, tpu.core_type = #tpu.core_type<sc_vector_subcore>, window_params = [{transform_indices = #map}, {transform_indices = #map}, {transform_indices = #map}, {transform_indices = #map1}, {transform_indices = #map2}]} {
    %mul3A = arith.constant 632 : i32
    %mul3A_0 = arith.muli %arg1, %mul3A : i32
    "tpu.region"() ({
      %run_scoped3A = tpu.sem_alloc : memref<!tpu.dma_semaphore, #tpu.memory_space<semaphore_mem>>
      %dma_start3A = arith.constant 0 : i32
      %dma_start3A_20 = tpu.memref_slice %arg7[%mul3A_0, %dma_start3A] : memref<10112x128xf32, #tpu.memory_space<vmem_shared>> -> memref<632x128xf32, #tpu.memory_space<vmem_shared>>
      %dma_start3A_21 = arith.constant 0 : i32
      %dma_start3A_22 = arith.constant 0 : i32
      %dma_start3A_23 = tpu.memref_slice %arg5[%arg0, %arg1, %dma_start3A_21, %dma_start3A_22] : memref<2x16x632x128xf32, #tpu.memory_space<hbm>> -> memref<1x1x632x128xf32, #tpu.memory_space<hbm>>
      %dma_start3A_24 = tpu.memref_squeeze %dma_start3A_23 : memref<1x1x632x128xf32, #tpu.memory_space<hbm>> -> memref<632x128xf32, #tpu.memory_space<hbm>>
      tpu.enqueue_dma source(%dma_start3A_24 : memref<632x128xf32, #tpu.memory_space<hbm>>) target(%dma_start3A_20 : memref<632x128xf32, #tpu.memory_space<vmem_shared>>) target_semaphore(%run_scoped3A : memref<!tpu.dma_semaphore, #tpu.memory_space<semaphore_mem>>)
      %dma_wait3A = arith.constant 0 : i32
      %dma_wait3A_25 = tpu.memref_slice %arg7[%mul3A_0, %dma_wait3A] : memref<10112x128xf32, #tpu.memory_space<vmem_shared>> -> memref<632x128xf32, #tpu.memory_space<vmem_shared>>
      %dma_wait3A_26 = arith.constant 0 : i32
      %dma_wait3A_27 = arith.constant 0 : i32
      %dma_wait3A_28 = tpu.memref_slice %arg5[%arg0, %arg1, %dma_wait3A_26, %dma_wait3A_27] : memref<2x16x632x128xf32, #tpu.memory_space<hbm>> -> memref<1x1x632x128xf32, #tpu.memory_space<hbm>>
      %dma_wait3A_29 = tpu.memref_squeeze %dma_wait3A_28 : memref<1x1x632x128xf32, #tpu.memory_space<hbm>> -> memref<632x128xf32, #tpu.memory_space<hbm>>
      tpu.wait_dma2 semaphore(%run_scoped3A : memref<!tpu.dma_semaphore, #tpu.memory_space<semaphore_mem>>) src(%dma_wait3A_29 : memref<632x128xf32, #tpu.memory_space<hbm>>) dst(%dma_wait3A_25 : memref<632x128xf32, #tpu.memory_space<vmem_shared>>)
      tpu.yield
    }) : () -> ()
    %barrier3A = arith.constant 0 : index
    tpu.barrier barrier_id(%barrier3A)
    %eq3A = arith.constant 0 : i32
    %eq3A_1 = arith.cmpi eq, %arg0, %eq3A : i32
    %select_n3A = arith.constant 1 : i32
    %select_n3A_2 = arith.constant 19 : i32
    %select_n3A_3 = arith.select %eq3A_1, %select_n3A_2, %select_n3A : i32
    %mul3A_4 = arith.constant 152 : i32
    %mul3A_5 = arith.muli %arg1, %mul3A_4 : i32
    %mul3A_6 = arith.constant 8 : i32
    %mul3A_7 = arith.muli %arg1, %mul3A_6 : i32
    %add3A = arith.constant 2432 : i32
    %add3A_8 = arith.addi %add3A, %mul3A_7 : i32
    %select_n3A_9 = arith.select %eq3A_1, %mul3A_5, %add3A_8 : i32
    %while3A = arith.constant 0 : i32
    %while3A_10 = arith.constant 0 : i32
    %while3A_11 = arith.subi %select_n3A_3, %while3A_10 : i32
    %while3A_12 = arith.addi %while3A_10, %while3A_11 : i32
    %while3A_13 = arith.constant 1 : i32
    %while3A_14 = arith.divsi %while3A_11, %while3A_13 : i32
    %while3A_15 = arith.muli %while3A_14, %while3A_13 : i32
    %while3A_16 = arith.addi %while3A_10, %while3A_15 : i32
    %while3A_17 = arith.constant 1 : i32
    scf.for %while3A_20 = %while3A_10 to %while3A_16 step %while3A_17  : i32 {
      %mul3A_21 = arith.constant 8 : i32
      %mul3A_22 = arith.muli %while3A_20, %mul3A_21 : i32
      %add3A_23 = arith.addi %select_n3A_9, %mul3A_22 : i32
      "tpu.region"() ({
        %run_scoped3A = tpu.sem_alloc : memref<!tpu.dma_semaphore, #tpu.memory_space<semaphore_mem>>
        %dma_start3A = arith.constant 0 : i32
        %dma_start3A_32 = tpu.memref_slice %arg3[%add3A_23, %dma_start3A] : memref<2560x128xi32, #tpu.memory_space<hbm>> -> memref<8x128xi32, #tpu.memory_space<hbm>>
        %dma_start3A_33 = arith.constant 0 : i32
        %dma_start3A_34 = tpu.memref_slice %arg3[%add3A_23, %dma_start3A_33] : memref<2560x128xi32, #tpu.memory_space<hbm>> -> memref<8x128xi32, #tpu.memory_space<hbm>>
        tpu.enqueue_dma source(%dma_start3A_34 : memref<8x128xi32, #tpu.memory_space<hbm>>) target(%arg11 : memref<8x128xi32, #tpu.memory_space<vmem>>) target_semaphore(%run_scoped3A : memref<!tpu.dma_semaphore, #tpu.memory_space<semaphore_mem>>)
        %dma_wait3A = arith.constant 0 : i32
        %dma_wait3A_35 = tpu.memref_slice %arg3[%add3A_23, %dma_wait3A] : memref<2560x128xi32, #tpu.memory_space<hbm>> -> memref<8x128xi32, #tpu.memory_space<hbm>>
        %dma_wait3A_36 = arith.constant 0 : i32
        %dma_wait3A_37 = tpu.memref_slice %arg3[%add3A_23, %dma_wait3A_36] : memref<2560x128xi32, #tpu.memory_space<hbm>> -> memref<8x128xi32, #tpu.memory_space<hbm>>
        tpu.wait_dma2 semaphore(%run_scoped3A : memref<!tpu.dma_semaphore, #tpu.memory_space<semaphore_mem>>) src(%dma_wait3A_37 : memref<8x128xi32, #tpu.memory_space<hbm>>) dst(%arg11 : memref<8x128xi32, #tpu.memory_space<vmem>>)
        tpu.yield
      }) : () -> ()
      %mul3A_24 = arith.constant 8 : i32
      %mul3A_25 = arith.muli %while3A_20, %mul3A_24 : i32
      %add3A_26 = arith.addi %select_n3A_9, %mul3A_25 : i32
      "tpu.region"() ({
        %run_scoped3A = tpu.sem_alloc : memref<!tpu.dma_semaphore, #tpu.memory_space<semaphore_mem>>
        %dma_start3A = arith.constant 0 : i32
        %dma_start3A_32 = tpu.memref_slice %arg4[%add3A_26, %dma_start3A] : memref<2560x128xi32, #tpu.memory_space<hbm>> -> memref<8x128xi32, #tpu.memory_space<hbm>>
        %dma_start3A_33 = arith.constant 0 : i32
        %dma_start3A_34 = tpu.memref_slice %arg4[%add3A_26, %dma_start3A_33] : memref<2560x128xi32, #tpu.memory_space<hbm>> -> memref<8x128xi32, #tpu.memory_space<hbm>>
        tpu.enqueue_dma source(%dma_start3A_34 : memref<8x128xi32, #tpu.memory_space<hbm>>) target(%arg8 : memref<8x128xi32, #tpu.memory_space<vmem>>) target_semaphore(%run_scoped3A : memref<!tpu.dma_semaphore, #tpu.memory_space<semaphore_mem>>)
        %dma_wait3A = arith.constant 0 : i32
        %dma_wait3A_35 = tpu.memref_slice %arg4[%add3A_26, %dma_wait3A] : memref<2560x128xi32, #tpu.memory_space<hbm>> -> memref<8x128xi32, #tpu.memory_space<hbm>>
        %dma_wait3A_36 = arith.constant 0 : i32
        %dma_wait3A_37 = tpu.memref_slice %arg4[%add3A_26, %dma_wait3A_36] : memref<2560x128xi32, #tpu.memory_space<hbm>> -> memref<8x128xi32, #tpu.memory_space<hbm>>
        tpu.wait_dma2 semaphore(%run_scoped3A : memref<!tpu.dma_semaphore, #tpu.memory_space<semaphore_mem>>) src(%dma_wait3A_37 : memref<8x128xi32, #tpu.memory_space<hbm>>) dst(%arg8 : memref<8x128xi32, #tpu.memory_space<vmem>>)
        tpu.yield
      }) : () -> ()
      %scan3A = arith.constant 0 : i32
      %scan3A_27 = arith.constant 0 : i32
      %scan3A_28 = arith.constant 4 : i32
      %scan3A_29 = arith.addi %scan3A_27, %scan3A_28 : i32
      %scan3A_30 = arith.constant 1 : i32
      scf.for %scan3A_32 = %scan3A_27 to %scan3A_29 step %scan3A_30  : i32 {
        %mul3A_33 = arith.constant 2 : i32
        %mul3A_34 = arith.muli %scan3A_32, %mul3A_33 : i32
        %add3A_35 = arith.constant 0 : i32
        %add3A_36 = arith.addi %mul3A_34, %add3A_35 : i32
        %dma_start3A = arith.constant 0 : i32
        %dma_start3A_37 = arith.constant 0 : i32
        %dma_start3A_38 = arith.constant 0 : i32
        %dma_start3A_39 = arith.constant 0 : i32
        %dma_start3A_40 = tpu.memref_slice %arg9[%dma_start3A, %dma_start3A_38, %dma_start3A_39] : memref<2x128x128xf32, #tpu.memory_space<vmem>> -> memref<1x128x128xf32, #tpu.memory_space<vmem>>
        %dma_start3A_41 = tpu.memref_squeeze %dma_start3A_40 : memref<1x128x128xf32, #tpu.memory_space<vmem>> -> memref<128x128xf32, #tpu.memory_space<vmem>>
        %dma_start3A_42 = arith.constant 0 : i32
        %dma_start3A_43 = tpu.memref_slice %arg11[%add3A_36, %dma_start3A_42] : memref<8x128xi32, #tpu.memory_space<vmem>> -> memref<1x128xi32, #tpu.memory_space<vmem>>
        %dma_start3A_44 = tpu.memref_squeeze %dma_start3A_43 : memref<1x128xi32, #tpu.memory_space<vmem>> -> memref<128xi32, #tpu.memory_space<vmem>>
        %dma_start3A_45 = arith.constant 0 : i32
        %dma_start3A_46 = arith.constant 0 : i32
        %dma_start3A_47 = tpu.memref_slice %arg2[%dma_start3A_45, %dma_start3A_46] : memref<20224x128xf32, #tpu.memory_space<hbm>> -> memref<20224x128xf32, #tpu.memory_space<hbm>>
        %dma_start3A_48 = tpu.memref_slice %arg10[%dma_start3A_37] : memref<2x!tpu.dma_semaphore, #tpu.memory_space<semaphore_mem>> -> memref<1x!tpu.dma_semaphore, #tpu.memory_space<semaphore_mem>>
        %dma_start3A_49 = tpu.memref_squeeze %dma_start3A_48 : memref<1x!tpu.dma_semaphore, #tpu.memory_space<semaphore_mem>> -> memref<!tpu.dma_semaphore, #tpu.memory_space<semaphore_mem>>
        tpu.enqueue_indirect_dma source(%dma_start3A_47 : memref<20224x128xf32, #tpu.memory_space<hbm>>) target(%dma_start3A_41 : memref<128x128xf32, #tpu.memory_space<vmem>>) offsets(%dma_start3A_44 : memref<128xi32, #tpu.memory_space<vmem>>) semaphore(%dma_start3A_49 : memref<!tpu.dma_semaphore, #tpu.memory_space<semaphore_mem>>)
        %add3A_50 = arith.constant 1 : i32
        %add3A_51 = arith.addi %mul3A_34, %add3A_50 : i32
        %dma_start3A_52 = arith.constant 1 : i32
        %dma_start3A_53 = arith.constant 1 : i32
        %dma_start3A_54 = arith.constant 0 : i32
        %dma_start3A_55 = arith.constant 0 : i32
        %dma_start3A_56 = tpu.memref_slice %arg9[%dma_start3A_52, %dma_start3A_54, %dma_start3A_55] : memref<2x128x128xf32, #tpu.memory_space<vmem>> -> memref<1x128x128xf32, #tpu.memory_space<vmem>>
        %dma_start3A_57 = tpu.memref_squeeze %dma_start3A_56 : memref<1x128x128xf32, #tpu.memory_space<vmem>> -> memref<128x128xf32, #tpu.memory_space<vmem>>
        %dma_start3A_58 = arith.constant 0 : i32
        %dma_start3A_59 = tpu.memref_slice %arg11[%add3A_51, %dma_start3A_58] : memref<8x128xi32, #tpu.memory_space<vmem>> -> memref<1x128xi32, #tpu.memory_space<vmem>>
        %dma_start3A_60 = tpu.memref_squeeze %dma_start3A_59 : memref<1x128xi32, #tpu.memory_space<vmem>> -> memref<128xi32, #tpu.memory_space<vmem>>
        %dma_start3A_61 = arith.constant 0 : i32
        %dma_start3A_62 = arith.constant 0 : i32
        %dma_start3A_63 = tpu.memref_slice %arg2[%dma_start3A_61, %dma_start3A_62] : memref<20224x128xf32, #tpu.memory_space<hbm>> -> memref<20224x128xf32, #tpu.memory_space<hbm>>
        %dma_start3A_64 = tpu.memref_slice %arg10[%dma_start3A_53] : memref<2x!tpu.dma_semaphore, #tpu.memory_space<semaphore_mem>> -> memref<1x!tpu.dma_semaphore, #tpu.memory_space<semaphore_mem>>
        %dma_start3A_65 = tpu.memref_squeeze %dma_start3A_64 : memref<1x!tpu.dma_semaphore, #tpu.memory_space<semaphore_mem>> -> memref<!tpu.dma_semaphore, #tpu.memory_space<semaphore_mem>>
        tpu.enqueue_indirect_dma source(%dma_start3A_63 : memref<20224x128xf32, #tpu.memory_space<hbm>>) target(%dma_start3A_57 : memref<128x128xf32, #tpu.memory_space<vmem>>) offsets(%dma_start3A_60 : memref<128xi32, #tpu.memory_space<vmem>>) semaphore(%dma_start3A_65 : memref<!tpu.dma_semaphore, #tpu.memory_space<semaphore_mem>>)
        %dma_wait3A = arith.constant 0 : i32
        %dma_wait3A_66 = arith.constant 0 : i32
        %dma_wait3A_67 = arith.constant 0 : i32
        %dma_wait3A_68 = arith.constant 0 : i32
        %dma_wait3A_69 = tpu.memref_slice %arg9[%dma_wait3A, %dma_wait3A_67, %dma_wait3A_68] : memref<2x128x128xf32, #tpu.memory_space<vmem>> -> memref<1x128x128xf32, #tpu.memory_space<vmem>>
        %dma_wait3A_70 = tpu.memref_squeeze %dma_wait3A_69 : memref<1x128x128xf32, #tpu.memory_space<vmem>> -> memref<128x128xf32, #tpu.memory_space<vmem>>
        %dma_wait3A_71 = arith.constant 0 : i32
        %dma_wait3A_72 = tpu.memref_slice %arg11[%add3A_36, %dma_wait3A_71] : memref<8x128xi32, #tpu.memory_space<vmem>> -> memref<1x128xi32, #tpu.memory_space<vmem>>
        %dma_wait3A_73 = tpu.memref_squeeze %dma_wait3A_72 : memref<1x128xi32, #tpu.memory_space<vmem>> -> memref<128xi32, #tpu.memory_space<vmem>>
        %dma_wait3A_74 = arith.constant 0 : i32
        %dma_wait3A_75 = arith.constant 0 : i32
        %dma_wait3A_76 = tpu.memref_slice %arg2[%dma_wait3A_74, %dma_wait3A_75] : memref<20224x128xf32, #tpu.memory_space<hbm>> -> memref<20224x128xf32, #tpu.memory_space<hbm>>
        %dma_wait3A_77 = tpu.memref_slice %arg10[%dma_wait3A_66] : memref<2x!tpu.dma_semaphore, #tpu.memory_space<semaphore_mem>> -> memref<1x!tpu.dma_semaphore, #tpu.memory_space<semaphore_mem>>
        %dma_wait3A_78 = tpu.memref_squeeze %dma_wait3A_77 : memref<1x!tpu.dma_semaphore, #tpu.memory_space<semaphore_mem>> -> memref<!tpu.dma_semaphore, #tpu.memory_space<semaphore_mem>>
        tpu.wait_indirect_dma semaphore(%dma_wait3A_78 : memref<!tpu.dma_semaphore, #tpu.memory_space<semaphore_mem>>) src(%dma_wait3A_76 : memref<20224x128xf32, #tpu.memory_space<hbm>>) dst(%dma_wait3A_70 : memref<128x128xf32, #tpu.memory_space<vmem>>)
        %add3A_79 = arith.constant 0 : i32
        %add3A_80 = arith.addi %mul3A_34, %add3A_79 : i32
        %run_scoped3A = arith.constant 0 : i32
        "tpu.region"() ({
          %run_scoped3A_98 = tpu.sem_alloc : memref<!tpu.dma_semaphore, #tpu.memory_space<semaphore_mem>>
          %dma_start3A_99 = arith.constant 0 : i32
          %dma_start3A_100 = arith.constant 0 : i32
          %dma_start3A_101 = tpu.memref_slice %arg9[%run_scoped3A, %dma_start3A_99, %dma_start3A_100] : memref<2x128x128xf32, #tpu.memory_space<vmem>> -> memref<1x128x128xf32, #tpu.memory_space<vmem>>
          %dma_start3A_102 = tpu.memref_squeeze %dma_start3A_101 : memref<1x128x128xf32, #tpu.memory_space<vmem>> -> memref<128x128xf32, #tpu.memory_space<vmem>>
          %dma_start3A_103 = arith.constant 0 : i32
          %dma_start3A_104 = tpu.memref_slice %arg8[%add3A_80, %dma_start3A_103] : memref<8x128xi32, #tpu.memory_space<vmem>> -> memref<1x128xi32, #tpu.memory_space<vmem>>
          %dma_start3A_105 = tpu.memref_squeeze %dma_start3A_104 : memref<1x128xi32, #tpu.memory_space<vmem>> -> memref<128xi32, #tpu.memory_space<vmem>>
          %dma_start3A_106 = arith.constant 0 : i32
          %dma_start3A_107 = arith.constant 0 : i32
          %dma_start3A_108 = tpu.memref_slice %arg7[%dma_start3A_106, %dma_start3A_107] : memref<10112x128xf32, #tpu.memory_space<vmem_shared>> -> memref<10112x128xf32, #tpu.memory_space<vmem_shared>>
          tpu.enqueue_indirect_dma source(%dma_start3A_102 : memref<128x128xf32, #tpu.memory_space<vmem>>) target(%dma_start3A_108 : memref<10112x128xf32, #tpu.memory_space<vmem_shared>>) offsets(%dma_start3A_105 : memref<128xi32, #tpu.memory_space<vmem>>) semaphore(%run_scoped3A_98 : memref<!tpu.dma_semaphore, #tpu.memory_space<semaphore_mem>>) {add = true}
          %dma_wait3A_109 = arith.constant 0 : i32
          %dma_wait3A_110 = arith.constant 0 : i32
          %dma_wait3A_111 = tpu.memref_slice %arg9[%run_scoped3A, %dma_wait3A_109, %dma_wait3A_110] : memref<2x128x128xf32, #tpu.memory_space<vmem>> -> memref<1x128x128xf32, #tpu.memory_space<vmem>>
          %dma_wait3A_112 = tpu.memref_squeeze %dma_wait3A_111 : memref<1x128x128xf32, #tpu.memory_space<vmem>> -> memref<128x128xf32, #tpu.memory_space<vmem>>
          %dma_wait3A_113 = arith.constant 0 : i32
          %dma_wait3A_114 = tpu.memref_slice %arg8[%add3A_80, %dma_wait3A_113] : memref<8x128xi32, #tpu.memory_space<vmem>> -> memref<1x128xi32, #tpu.memory_space<vmem>>
          %dma_wait3A_115 = tpu.memref_squeeze %dma_wait3A_114 : memref<1x128xi32, #tpu.memory_space<vmem>> -> memref<128xi32, #tpu.memory_space<vmem>>
          %dma_wait3A_116 = arith.constant 0 : i32
          %dma_wait3A_117 = arith.constant 0 : i32
          %dma_wait3A_118 = tpu.memref_slice %arg7[%dma_wait3A_116, %dma_wait3A_117] : memref<10112x128xf32, #tpu.memory_space<vmem_shared>> -> memref<10112x128xf32, #tpu.memory_space<vmem_shared>>
          tpu.wait_indirect_dma semaphore(%run_scoped3A_98 : memref<!tpu.dma_semaphore, #tpu.memory_space<semaphore_mem>>) src(%dma_wait3A_112 : memref<128x128xf32, #tpu.memory_space<vmem>>) dst(%dma_wait3A_118 : memref<10112x128xf32, #tpu.memory_space<vmem_shared>>)
          tpu.yield
        }) : () -> ()
        %dma_wait3A_81 = arith.constant 1 : i32
        %dma_wait3A_82 = arith.constant 1 : i32
        %dma_wait3A_83 = arith.constant 0 : i32
        %dma_wait3A_84 = arith.constant 0 : i32
        %dma_wait3A_85 = tpu.memref_slice %arg9[%dma_wait3A_81, %dma_wait3A_83, %dma_wait3A_84] : memref<2x128x128xf32, #tpu.memory_space<vmem>> -> memref<1x128x128xf32, #tpu.memory_space<vmem>>
        %dma_wait3A_86 = tpu.memref_squeeze %dma_wait3A_85 : memref<1x128x128xf32, #tpu.memory_space<vmem>> -> memref<128x128xf32, #tpu.memory_space<vmem>>
        %dma_wait3A_87 = arith.constant 0 : i32
        %dma_wait3A_88 = tpu.memref_slice %arg11[%add3A_51, %dma_wait3A_87] : memref<8x128xi32, #tpu.memory_space<vmem>> -> memref<1x128xi32, #tpu.memory_space<vmem>>
        %dma_wait3A_89 = tpu.memref_squeeze %dma_wait3A_88 : memref<1x128xi32, #tpu.memory_space<vmem>> -> memref<128xi32, #tpu.memory_space<vmem>>
        %dma_wait3A_90 = arith.constant 0 : i32
        %dma_wait3A_91 = arith.constant 0 : i32
        %dma_wait3A_92 = tpu.memref_slice %arg2[%dma_wait3A_90, %dma_wait3A_91] : memref<20224x128xf32, #tpu.memory_space<hbm>> -> memref<20224x128xf32, #tpu.memory_space<hbm>>
        %dma_wait3A_93 = tpu.memref_slice %arg10[%dma_wait3A_82] : memref<2x!tpu.dma_semaphore, #tpu.memory_space<semaphore_mem>> -> memref<1x!tpu.dma_semaphore, #tpu.memory_space<semaphore_mem>>
        %dma_wait3A_94 = tpu.memref_squeeze %dma_wait3A_93 : memref<1x!tpu.dma_semaphore, #tpu.memory_space<semaphore_mem>> -> memref<!tpu.dma_semaphore, #tpu.memory_space<semaphore_mem>>
        tpu.wait_indirect_dma semaphore(%dma_wait3A_94 : memref<!tpu.dma_semaphore, #tpu.memory_space<semaphore_mem>>) src(%dma_wait3A_92 : memref<20224x128xf32, #tpu.memory_space<hbm>>) dst(%dma_wait3A_86 : memref<128x128xf32, #tpu.memory_space<vmem>>)
        %add3A_95 = arith.constant 1 : i32
        %add3A_96 = arith.addi %mul3A_34, %add3A_95 : i32
        %run_scoped3A_97 = arith.constant 1 : i32
        "tpu.region"() ({
          %run_scoped3A_98 = tpu.sem_alloc : memref<!tpu.dma_semaphore, #tpu.memory_space<semaphore_mem>>
          %dma_start3A_99 = arith.constant 0 : i32
          %dma_start3A_100 = arith.constant 0 : i32
          %dma_start3A_101 = tpu.memref_slice %arg9[%run_scoped3A_97, %dma_start3A_99, %dma_start3A_100] : memref<2x128x128xf32, #tpu.memory_space<vmem>> -> memref<1x128x128xf32, #tpu.memory_space<vmem>>
          %dma_start3A_102 = tpu.memref_squeeze %dma_start3A_101 : memref<1x128x128xf32, #tpu.memory_space<vmem>> -> memref<128x128xf32, #tpu.memory_space<vmem>>
          %dma_start3A_103 = arith.constant 0 : i32
          %dma_start3A_104 = tpu.memref_slice %arg8[%add3A_96, %dma_start3A_103] : memref<8x128xi32, #tpu.memory_space<vmem>> -> memref<1x128xi32, #tpu.memory_space<vmem>>
          %dma_start3A_105 = tpu.memref_squeeze %dma_start3A_104 : memref<1x128xi32, #tpu.memory_space<vmem>> -> memref<128xi32, #tpu.memory_space<vmem>>
          %dma_start3A_106 = arith.constant 0 : i32
          %dma_start3A_107 = arith.constant 0 : i32
          %dma_start3A_108 = tpu.memref_slice %arg7[%dma_start3A_106, %dma_start3A_107] : memref<10112x128xf32, #tpu.memory_space<vmem_shared>> -> memref<10112x128xf32, #tpu.memory_space<vmem_shared>>
          tpu.enqueue_indirect_dma source(%dma_start3A_102 : memref<128x128xf32, #tpu.memory_space<vmem>>) target(%dma_start3A_108 : memref<10112x128xf32, #tpu.memory_space<vmem_shared>>) offsets(%dma_start3A_105 : memref<128xi32, #tpu.memory_space<vmem>>) semaphore(%run_scoped3A_98 : memref<!tpu.dma_semaphore, #tpu.memory_space<semaphore_mem>>) {add = true}
          %dma_wait3A_109 = arith.constant 0 : i32
          %dma_wait3A_110 = arith.constant 0 : i32
          %dma_wait3A_111 = tpu.memref_slice %arg9[%run_scoped3A_97, %dma_wait3A_109, %dma_wait3A_110] : memref<2x128x128xf32, #tpu.memory_space<vmem>> -> memref<1x128x128xf32, #tpu.memory_space<vmem>>
          %dma_wait3A_112 = tpu.memref_squeeze %dma_wait3A_111 : memref<1x128x128xf32, #tpu.memory_space<vmem>> -> memref<128x128xf32, #tpu.memory_space<vmem>>
          %dma_wait3A_113 = arith.constant 0 : i32
          %dma_wait3A_114 = tpu.memref_slice %arg8[%add3A_96, %dma_wait3A_113] : memref<8x128xi32, #tpu.memory_space<vmem>> -> memref<1x128xi32, #tpu.memory_space<vmem>>
          %dma_wait3A_115 = tpu.memref_squeeze %dma_wait3A_114 : memref<1x128xi32, #tpu.memory_space<vmem>> -> memref<128xi32, #tpu.memory_space<vmem>>
          %dma_wait3A_116 = arith.constant 0 : i32
          %dma_wait3A_117 = arith.constant 0 : i32
          %dma_wait3A_118 = tpu.memref_slice %arg7[%dma_wait3A_116, %dma_wait3A_117] : memref<10112x128xf32, #tpu.memory_space<vmem_shared>> -> memref<10112x128xf32, #tpu.memory_space<vmem_shared>>
          tpu.wait_indirect_dma semaphore(%run_scoped3A_98 : memref<!tpu.dma_semaphore, #tpu.memory_space<semaphore_mem>>) src(%dma_wait3A_112 : memref<128x128xf32, #tpu.memory_space<vmem>>) dst(%dma_wait3A_118 : memref<10112x128xf32, #tpu.memory_space<vmem_shared>>)
          tpu.yield
        }) : () -> ()
      }
      %scan3A_31 = arith.constant 4 : i32
    }
    %while3A_18 = arith.constant 1 : i32
    scf.for %while3A_20 = %while3A_16 to %while3A_12 step %while3A_18  : i32 {
      %mul3A_21 = arith.constant 8 : i32
      %mul3A_22 = arith.muli %while3A_20, %mul3A_21 : i32
      %add3A_23 = arith.addi %select_n3A_9, %mul3A_22 : i32
      "tpu.region"() ({
        %run_scoped3A = tpu.sem_alloc : memref<!tpu.dma_semaphore, #tpu.memory_space<semaphore_mem>>
        %dma_start3A = arith.constant 0 : i32
        %dma_start3A_32 = tpu.memref_slice %arg3[%add3A_23, %dma_start3A] : memref<2560x128xi32, #tpu.memory_space<hbm>> -> memref<8x128xi32, #tpu.memory_space<hbm>>
        %dma_start3A_33 = arith.constant 0 : i32
        %dma_start3A_34 = tpu.memref_slice %arg3[%add3A_23, %dma_start3A_33] : memref<2560x128xi32, #tpu.memory_space<hbm>> -> memref<8x128xi32, #tpu.memory_space<hbm>>
        tpu.enqueue_dma source(%dma_start3A_34 : memref<8x128xi32, #tpu.memory_space<hbm>>) target(%arg11 : memref<8x128xi32, #tpu.memory_space<vmem>>) target_semaphore(%run_scoped3A : memref<!tpu.dma_semaphore, #tpu.memory_space<semaphore_mem>>)
        %dma_wait3A = arith.constant 0 : i32
        %dma_wait3A_35 = tpu.memref_slice %arg3[%add3A_23, %dma_wait3A] : memref<2560x128xi32, #tpu.memory_space<hbm>> -> memref<8x128xi32, #tpu.memory_space<hbm>>
        %dma_wait3A_36 = arith.constant 0 : i32
        %dma_wait3A_37 = tpu.memref_slice %arg3[%add3A_23, %dma_wait3A_36] : memref<2560x128xi32, #tpu.memory_space<hbm>> -> memref<8x128xi32, #tpu.memory_space<hbm>>
        tpu.wait_dma2 semaphore(%run_scoped3A : memref<!tpu.dma_semaphore, #tpu.memory_space<semaphore_mem>>) src(%dma_wait3A_37 : memref<8x128xi32, #tpu.memory_space<hbm>>) dst(%arg11 : memref<8x128xi32, #tpu.memory_space<vmem>>)
        tpu.yield
      }) : () -> ()
      %mul3A_24 = arith.constant 8 : i32
      %mul3A_25 = arith.muli %while3A_20, %mul3A_24 : i32
      %add3A_26 = arith.addi %select_n3A_9, %mul3A_25 : i32
      "tpu.region"() ({
        %run_scoped3A = tpu.sem_alloc : memref<!tpu.dma_semaphore, #tpu.memory_space<semaphore_mem>>
        %dma_start3A = arith.constant 0 : i32
        %dma_start3A_32 = tpu.memref_slice %arg4[%add3A_26, %dma_start3A] : memref<2560x128xi32, #tpu.memory_space<hbm>> -> memref<8x128xi32, #tpu.memory_space<hbm>>
        %dma_start3A_33 = arith.constant 0 : i32
        %dma_start3A_34 = tpu.memref_slice %arg4[%add3A_26, %dma_start3A_33] : memref<2560x128xi32, #tpu.memory_space<hbm>> -> memref<8x128xi32, #tpu.memory_space<hbm>>
        tpu.enqueue_dma source(%dma_start3A_34 : memref<8x128xi32, #tpu.memory_space<hbm>>) target(%arg8 : memref<8x128xi32, #tpu.memory_space<vmem>>) target_semaphore(%run_scoped3A : memref<!tpu.dma_semaphore, #tpu.memory_space<semaphore_mem>>)
        %dma_wait3A = arith.constant 0 : i32
        %dma_wait3A_35 = tpu.memref_slice %arg4[%add3A_26, %dma_wait3A] : memref<2560x128xi32, #tpu.memory_space<hbm>> -> memref<8x128xi32, #tpu.memory_space<hbm>>
        %dma_wait3A_36 = arith.constant 0 : i32
        %dma_wait3A_37 = tpu.memref_slice %arg4[%add3A_26, %dma_wait3A_36] : memref<2560x128xi32, #tpu.memory_space<hbm>> -> memref<8x128xi32, #tpu.memory_space<hbm>>
        tpu.wait_dma2 semaphore(%run_scoped3A : memref<!tpu.dma_semaphore, #tpu.memory_space<semaphore_mem>>) src(%dma_wait3A_37 : memref<8x128xi32, #tpu.memory_space<hbm>>) dst(%arg8 : memref<8x128xi32, #tpu.memory_space<vmem>>)
        tpu.yield
      }) : () -> ()
      %scan3A = arith.constant 0 : i32
      %scan3A_27 = arith.constant 0 : i32
      %scan3A_28 = arith.constant 4 : i32
      %scan3A_29 = arith.addi %scan3A_27, %scan3A_28 : i32
      %scan3A_30 = arith.constant 1 : i32
      scf.for %scan3A_32 = %scan3A_27 to %scan3A_29 step %scan3A_30  : i32 {
        %mul3A_33 = arith.constant 2 : i32
        %mul3A_34 = arith.muli %scan3A_32, %mul3A_33 : i32
        %add3A_35 = arith.constant 0 : i32
        %add3A_36 = arith.addi %mul3A_34, %add3A_35 : i32
        %dma_start3A = arith.constant 0 : i32
        %dma_start3A_37 = arith.constant 0 : i32
        %dma_start3A_38 = arith.constant 0 : i32
        %dma_start3A_39 = arith.constant 0 : i32
        %dma_start3A_40 = tpu.memref_slice %arg9[%dma_start3A, %dma_start3A_38, %dma_start3A_39] : memref<2x128x128xf32, #tpu.memory_space<vmem>> -> memref<1x128x128xf32, #tpu.memory_space<vmem>>
        %dma_start3A_41 = tpu.memref_squeeze %dma_start3A_40 : memref<1x128x128xf32, #tpu.memory_space<vmem>> -> memref<128x128xf32, #tpu.memory_space<vmem>>
        %dma_start3A_42 = arith.constant 0 : i32
        %dma_start3A_43 = tpu.memref_slice %arg11[%add3A_36, %dma_start3A_42] : memref<8x128xi32, #tpu.memory_space<vmem>> -> memref<1x128xi32, #tpu.memory_space<vmem>>
        %dma_start3A_44 = tpu.memref_squeeze %dma_start3A_43 : memref<1x128xi32, #tpu.memory_space<vmem>> -> memref<128xi32, #tpu.memory_space<vmem>>
        %dma_start3A_45 = arith.constant 0 : i32
        %dma_start3A_46 = arith.constant 0 : i32
        %dma_start3A_47 = tpu.memref_slice %arg2[%dma_start3A_45, %dma_start3A_46] : memref<20224x128xf32, #tpu.memory_space<hbm>> -> memref<20224x128xf32, #tpu.memory_space<hbm>>
        %dma_start3A_48 = tpu.memref_slice %arg10[%dma_start3A_37] : memref<2x!tpu.dma_semaphore, #tpu.memory_space<semaphore_mem>> -> memref<1x!tpu.dma_semaphore, #tpu.memory_space<semaphore_mem>>
        %dma_start3A_49 = tpu.memref_squeeze %dma_start3A_48 : memref<1x!tpu.dma_semaphore, #tpu.memory_space<semaphore_mem>> -> memref<!tpu.dma_semaphore, #tpu.memory_space<semaphore_mem>>
        tpu.enqueue_indirect_dma source(%dma_start3A_47 : memref<20224x128xf32, #tpu.memory_space<hbm>>) target(%dma_start3A_41 : memref<128x128xf32, #tpu.memory_space<vmem>>) offsets(%dma_start3A_44 : memref<128xi32, #tpu.memory_space<vmem>>) semaphore(%dma_start3A_49 : memref<!tpu.dma_semaphore, #tpu.memory_space<semaphore_mem>>)
        %add3A_50 = arith.constant 1 : i32
        %add3A_51 = arith.addi %mul3A_34, %add3A_50 : i32
        %dma_start3A_52 = arith.constant 1 : i32
        %dma_start3A_53 = arith.constant 1 : i32
        %dma_start3A_54 = arith.constant 0 : i32
        %dma_start3A_55 = arith.constant 0 : i32
        %dma_start3A_56 = tpu.memref_slice %arg9[%dma_start3A_52, %dma_start3A_54, %dma_start3A_55] : memref<2x128x128xf32, #tpu.memory_space<vmem>> -> memref<1x128x128xf32, #tpu.memory_space<vmem>>
        %dma_start3A_57 = tpu.memref_squeeze %dma_start3A_56 : memref<1x128x128xf32, #tpu.memory_space<vmem>> -> memref<128x128xf32, #tpu.memory_space<vmem>>
        %dma_start3A_58 = arith.constant 0 : i32
        %dma_start3A_59 = tpu.memref_slice %arg11[%add3A_51, %dma_start3A_58] : memref<8x128xi32, #tpu.memory_space<vmem>> -> memref<1x128xi32, #tpu.memory_space<vmem>>
        %dma_start3A_60 = tpu.memref_squeeze %dma_start3A_59 : memref<1x128xi32, #tpu.memory_space<vmem>> -> memref<128xi32, #tpu.memory_space<vmem>>
        %dma_start3A_61 = arith.constant 0 : i32
        %dma_start3A_62 = arith.constant 0 : i32
        %dma_start3A_63 = tpu.memref_slice %arg2[%dma_start3A_61, %dma_start3A_62] : memref<20224x128xf32, #tpu.memory_space<hbm>> -> memref<20224x128xf32, #tpu.memory_space<hbm>>
        %dma_start3A_64 = tpu.memref_slice %arg10[%dma_start3A_53] : memref<2x!tpu.dma_semaphore, #tpu.memory_space<semaphore_mem>> -> memref<1x!tpu.dma_semaphore, #tpu.memory_space<semaphore_mem>>
        %dma_start3A_65 = tpu.memref_squeeze %dma_start3A_64 : memref<1x!tpu.dma_semaphore, #tpu.memory_space<semaphore_mem>> -> memref<!tpu.dma_semaphore, #tpu.memory_space<semaphore_mem>>
        tpu.enqueue_indirect_dma source(%dma_start3A_63 : memref<20224x128xf32, #tpu.memory_space<hbm>>) target(%dma_start3A_57 : memref<128x128xf32, #tpu.memory_space<vmem>>) offsets(%dma_start3A_60 : memref<128xi32, #tpu.memory_space<vmem>>) semaphore(%dma_start3A_65 : memref<!tpu.dma_semaphore, #tpu.memory_space<semaphore_mem>>)
        %dma_wait3A = arith.constant 0 : i32
        %dma_wait3A_66 = arith.constant 0 : i32
        %dma_wait3A_67 = arith.constant 0 : i32
        %dma_wait3A_68 = arith.constant 0 : i32
        %dma_wait3A_69 = tpu.memref_slice %arg9[%dma_wait3A, %dma_wait3A_67, %dma_wait3A_68] : memref<2x128x128xf32, #tpu.memory_space<vmem>> -> memref<1x128x128xf32, #tpu.memory_space<vmem>>
        %dma_wait3A_70 = tpu.memref_squeeze %dma_wait3A_69 : memref<1x128x128xf32, #tpu.memory_space<vmem>> -> memref<128x128xf32, #tpu.memory_space<vmem>>
        %dma_wait3A_71 = arith.constant 0 : i32
        %dma_wait3A_72 = tpu.memref_slice %arg11[%add3A_36, %dma_wait3A_71] : memref<8x128xi32, #tpu.memory_space<vmem>> -> memref<1x128xi32, #tpu.memory_space<vmem>>
        %dma_wait3A_73 = tpu.memref_squeeze %dma_wait3A_72 : memref<1x128xi32, #tpu.memory_space<vmem>> -> memref<128xi32, #tpu.memory_space<vmem>>
        %dma_wait3A_74 = arith.constant 0 : i32
        %dma_wait3A_75 = arith.constant 0 : i32
        %dma_wait3A_76 = tpu.memref_slice %arg2[%dma_wait3A_74, %dma_wait3A_75] : memref<20224x128xf32, #tpu.memory_space<hbm>> -> memref<20224x128xf32, #tpu.memory_space<hbm>>
        %dma_wait3A_77 = tpu.memref_slice %arg10[%dma_wait3A_66] : memref<2x!tpu.dma_semaphore, #tpu.memory_space<semaphore_mem>> -> memref<1x!tpu.dma_semaphore, #tpu.memory_space<semaphore_mem>>
        %dma_wait3A_78 = tpu.memref_squeeze %dma_wait3A_77 : memref<1x!tpu.dma_semaphore, #tpu.memory_space<semaphore_mem>> -> memref<!tpu.dma_semaphore, #tpu.memory_space<semaphore_mem>>
        tpu.wait_indirect_dma semaphore(%dma_wait3A_78 : memref<!tpu.dma_semaphore, #tpu.memory_space<semaphore_mem>>) src(%dma_wait3A_76 : memref<20224x128xf32, #tpu.memory_space<hbm>>) dst(%dma_wait3A_70 : memref<128x128xf32, #tpu.memory_space<vmem>>)
        %add3A_79 = arith.constant 0 : i32
        %add3A_80 = arith.addi %mul3A_34, %add3A_79 : i32
        %run_scoped3A = arith.constant 0 : i32
        "tpu.region"() ({
          %run_scoped3A_98 = tpu.sem_alloc : memref<!tpu.dma_semaphore, #tpu.memory_space<semaphore_mem>>
          %dma_start3A_99 = arith.constant 0 : i32
          %dma_start3A_100 = arith.constant 0 : i32
          %dma_start3A_101 = tpu.memref_slice %arg9[%run_scoped3A, %dma_start3A_99, %dma_start3A_100] : memref<2x128x128xf32, #tpu.memory_space<vmem>> -> memref<1x128x128xf32, #tpu.memory_space<vmem>>
          %dma_start3A_102 = tpu.memref_squeeze %dma_start3A_101 : memref<1x128x128xf32, #tpu.memory_space<vmem>> -> memref<128x128xf32, #tpu.memory_space<vmem>>
          %dma_start3A_103 = arith.constant 0 : i32
          %dma_start3A_104 = tpu.memref_slice %arg8[%add3A_80, %dma_start3A_103] : memref<8x128xi32, #tpu.memory_space<vmem>> -> memref<1x128xi32, #tpu.memory_space<vmem>>
          %dma_start3A_105 = tpu.memref_squeeze %dma_start3A_104 : memref<1x128xi32, #tpu.memory_space<vmem>> -> memref<128xi32, #tpu.memory_space<vmem>>
          %dma_start3A_106 = arith.constant 0 : i32
          %dma_start3A_107 = arith.constant 0 : i32
          %dma_start3A_108 = tpu.memref_slice %arg7[%dma_start3A_106, %dma_start3A_107] : memref<10112x128xf32, #tpu.memory_space<vmem_shared>> -> memref<10112x128xf32, #tpu.memory_space<vmem_shared>>
          tpu.enqueue_indirect_dma source(%dma_start3A_102 : memref<128x128xf32, #tpu.memory_space<vmem>>) target(%dma_start3A_108 : memref<10112x128xf32, #tpu.memory_space<vmem_shared>>) offsets(%dma_start3A_105 : memref<128xi32, #tpu.memory_space<vmem>>) semaphore(%run_scoped3A_98 : memref<!tpu.dma_semaphore, #tpu.memory_space<semaphore_mem>>) {add = true}
          %dma_wait3A_109 = arith.constant 0 : i32
          %dma_wait3A_110 = arith.constant 0 : i32
          %dma_wait3A_111 = tpu.memref_slice %arg9[%run_scoped3A, %dma_wait3A_109, %dma_wait3A_110] : memref<2x128x128xf32, #tpu.memory_space<vmem>> -> memref<1x128x128xf32, #tpu.memory_space<vmem>>
          %dma_wait3A_112 = tpu.memref_squeeze %dma_wait3A_111 : memref<1x128x128xf32, #tpu.memory_space<vmem>> -> memref<128x128xf32, #tpu.memory_space<vmem>>
          %dma_wait3A_113 = arith.constant 0 : i32
          %dma_wait3A_114 = tpu.memref_slice %arg8[%add3A_80, %dma_wait3A_113] : memref<8x128xi32, #tpu.memory_space<vmem>> -> memref<1x128xi32, #tpu.memory_space<vmem>>
          %dma_wait3A_115 = tpu.memref_squeeze %dma_wait3A_114 : memref<1x128xi32, #tpu.memory_space<vmem>> -> memref<128xi32, #tpu.memory_space<vmem>>
          %dma_wait3A_116 = arith.constant 0 : i32
          %dma_wait3A_117 = arith.constant 0 : i32
          %dma_wait3A_118 = tpu.memref_slice %arg7[%dma_wait3A_116, %dma_wait3A_117] : memref<10112x128xf32, #tpu.memory_space<vmem_shared>> -> memref<10112x128xf32, #tpu.memory_space<vmem_shared>>
          tpu.wait_indirect_dma semaphore(%run_scoped3A_98 : memref<!tpu.dma_semaphore, #tpu.memory_space<semaphore_mem>>) src(%dma_wait3A_112 : memref<128x128xf32, #tpu.memory_space<vmem>>) dst(%dma_wait3A_118 : memref<10112x128xf32, #tpu.memory_space<vmem_shared>>)
          tpu.yield
        }) : () -> ()
        %dma_wait3A_81 = arith.constant 1 : i32
        %dma_wait3A_82 = arith.constant 1 : i32
        %dma_wait3A_83 = arith.constant 0 : i32
        %dma_wait3A_84 = arith.constant 0 : i32
        %dma_wait3A_85 = tpu.memref_slice %arg9[%dma_wait3A_81, %dma_wait3A_83, %dma_wait3A_84] : memref<2x128x128xf32, #tpu.memory_space<vmem>> -> memref<1x128x128xf32, #tpu.memory_space<vmem>>
        %dma_wait3A_86 = tpu.memref_squeeze %dma_wait3A_85 : memref<1x128x128xf32, #tpu.memory_space<vmem>> -> memref<128x128xf32, #tpu.memory_space<vmem>>
        %dma_wait3A_87 = arith.constant 0 : i32
        %dma_wait3A_88 = tpu.memref_slice %arg11[%add3A_51, %dma_wait3A_87] : memref<8x128xi32, #tpu.memory_space<vmem>> -> memref<1x128xi32, #tpu.memory_space<vmem>>
        %dma_wait3A_89 = tpu.memref_squeeze %dma_wait3A_88 : memref<1x128xi32, #tpu.memory_space<vmem>> -> memref<128xi32, #tpu.memory_space<vmem>>
        %dma_wait3A_90 = arith.constant 0 : i32
        %dma_wait3A_91 = arith.constant 0 : i32
        %dma_wait3A_92 = tpu.memref_slice %arg2[%dma_wait3A_90, %dma_wait3A_91] : memref<20224x128xf32, #tpu.memory_space<hbm>> -> memref<20224x128xf32, #tpu.memory_space<hbm>>
        %dma_wait3A_93 = tpu.memref_slice %arg10[%dma_wait3A_82] : memref<2x!tpu.dma_semaphore, #tpu.memory_space<semaphore_mem>> -> memref<1x!tpu.dma_semaphore, #tpu.memory_space<semaphore_mem>>
        %dma_wait3A_94 = tpu.memref_squeeze %dma_wait3A_93 : memref<1x!tpu.dma_semaphore, #tpu.memory_space<semaphore_mem>> -> memref<!tpu.dma_semaphore, #tpu.memory_space<semaphore_mem>>
        tpu.wait_indirect_dma semaphore(%dma_wait3A_94 : memref<!tpu.dma_semaphore, #tpu.memory_space<semaphore_mem>>) src(%dma_wait3A_92 : memref<20224x128xf32, #tpu.memory_space<hbm>>) dst(%dma_wait3A_86 : memref<128x128xf32, #tpu.memory_space<vmem>>)
        %add3A_95 = arith.constant 1 : i32
        %add3A_96 = arith.addi %mul3A_34, %add3A_95 : i32
        %run_scoped3A_97 = arith.constant 1 : i32
        "tpu.region"() ({
          %run_scoped3A_98 = tpu.sem_alloc : memref<!tpu.dma_semaphore, #tpu.memory_space<semaphore_mem>>
          %dma_start3A_99 = arith.constant 0 : i32
          %dma_start3A_100 = arith.constant 0 : i32
          %dma_start3A_101 = tpu.memref_slice %arg9[%run_scoped3A_97, %dma_start3A_99, %dma_start3A_100] : memref<2x128x128xf32, #tpu.memory_space<vmem>> -> memref<1x128x128xf32, #tpu.memory_space<vmem>>
          %dma_start3A_102 = tpu.memref_squeeze %dma_start3A_101 : memref<1x128x128xf32, #tpu.memory_space<vmem>> -> memref<128x128xf32, #tpu.memory_space<vmem>>
          %dma_start3A_103 = arith.constant 0 : i32
          %dma_start3A_104 = tpu.memref_slice %arg8[%add3A_96, %dma_start3A_103] : memref<8x128xi32, #tpu.memory_space<vmem>> -> memref<1x128xi32, #tpu.memory_space<vmem>>
          %dma_start3A_105 = tpu.memref_squeeze %dma_start3A_104 : memref<1x128xi32, #tpu.memory_space<vmem>> -> memref<128xi32, #tpu.memory_space<vmem>>
          %dma_start3A_106 = arith.constant 0 : i32
          %dma_start3A_107 = arith.constant 0 : i32
          %dma_start3A_108 = tpu.memref_slice %arg7[%dma_start3A_106, %dma_start3A_107] : memref<10112x128xf32, #tpu.memory_space<vmem_shared>> -> memref<10112x128xf32, #tpu.memory_space<vmem_shared>>
          tpu.enqueue_indirect_dma source(%dma_start3A_102 : memref<128x128xf32, #tpu.memory_space<vmem>>) target(%dma_start3A_108 : memref<10112x128xf32, #tpu.memory_space<vmem_shared>>) offsets(%dma_start3A_105 : memref<128xi32, #tpu.memory_space<vmem>>) semaphore(%run_scoped3A_98 : memref<!tpu.dma_semaphore, #tpu.memory_space<semaphore_mem>>) {add = true}
          %dma_wait3A_109 = arith.constant 0 : i32
          %dma_wait3A_110 = arith.constant 0 : i32
          %dma_wait3A_111 = tpu.memref_slice %arg9[%run_scoped3A_97, %dma_wait3A_109, %dma_wait3A_110] : memref<2x128x128xf32, #tpu.memory_space<vmem>> -> memref<1x128x128xf32, #tpu.memory_space<vmem>>
          %dma_wait3A_112 = tpu.memref_squeeze %dma_wait3A_111 : memref<1x128x128xf32, #tpu.memory_space<vmem>> -> memref<128x128xf32, #tpu.memory_space<vmem>>
          %dma_wait3A_113 = arith.constant 0 : i32
          %dma_wait3A_114 = tpu.memref_slice %arg8[%add3A_96, %dma_wait3A_113] : memref<8x128xi32, #tpu.memory_space<vmem>> -> memref<1x128xi32, #tpu.memory_space<vmem>>
          %dma_wait3A_115 = tpu.memref_squeeze %dma_wait3A_114 : memref<1x128xi32, #tpu.memory_space<vmem>> -> memref<128xi32, #tpu.memory_space<vmem>>
          %dma_wait3A_116 = arith.constant 0 : i32
          %dma_wait3A_117 = arith.constant 0 : i32
          %dma_wait3A_118 = tpu.memref_slice %arg7[%dma_wait3A_116, %dma_wait3A_117] : memref<10112x128xf32, #tpu.memory_space<vmem_shared>> -> memref<10112x128xf32, #tpu.memory_space<vmem_shared>>
          tpu.wait_indirect_dma semaphore(%run_scoped3A_98 : memref<!tpu.dma_semaphore, #tpu.memory_space<semaphore_mem>>) src(%dma_wait3A_112 : memref<128x128xf32, #tpu.memory_space<vmem>>) dst(%dma_wait3A_118 : memref<10112x128xf32, #tpu.memory_space<vmem_shared>>)
          tpu.yield
        }) : () -> ()
      }
      %scan3A_31 = arith.constant 4 : i32
    }
    %barrier3A_19 = arith.constant 0 : index
    tpu.barrier barrier_id(%barrier3A_19)
    "tpu.region"() ({
      %run_scoped3A = tpu.sem_alloc : memref<!tpu.dma_semaphore, #tpu.memory_space<semaphore_mem>>
      %dma_start3A = arith.constant 0 : i32
      %dma_start3A_20 = tpu.memref_slice %arg6[%arg0, %mul3A_0, %dma_start3A] : memref<2x10112x128xf32, #tpu.memory_space<hbm>> -> memref<1x632x128xf32, #tpu.memory_space<hbm>>
      %dma_start3A_21 = tpu.memref_squeeze %dma_start3A_20 : memref<1x632x128xf32, #tpu.memory_space<hbm>> -> memref<632x128xf32, #tpu.memory_space<hbm>>
      %dma_start3A_22 = arith.constant 0 : i32
      %dma_start3A_23 = tpu.memref_slice %arg7[%mul3A_0, %dma_start3A_22] : memref<10112x128xf32, #tpu.memory_space<vmem_shared>> -> memref<632x128xf32, #tpu.memory_space<vmem_shared>>
      tpu.enqueue_dma source(%dma_start3A_23 : memref<632x128xf32, #tpu.memory_space<vmem_shared>>) target(%dma_start3A_21 : memref<632x128xf32, #tpu.memory_space<hbm>>) target_semaphore(%run_scoped3A : memref<!tpu.dma_semaphore, #tpu.memory_space<semaphore_mem>>)
      %dma_wait3A = arith.constant 0 : i32
      %dma_wait3A_24 = tpu.memref_slice %arg6[%arg0, %mul3A_0, %dma_wait3A] : memref<2x10112x128xf32, #tpu.memory_space<hbm>> -> memref<1x632x128xf32, #tpu.memory_space<hbm>>
      %dma_wait3A_25 = tpu.memref_squeeze %dma_wait3A_24 : memref<1x632x128xf32, #tpu.memory_space<hbm>> -> memref<632x128xf32, #tpu.memory_space<hbm>>
      %dma_wait3A_26 = arith.constant 0 : i32
      %dma_wait3A_27 = tpu.memref_slice %arg7[%mul3A_0, %dma_wait3A_26] : memref<10112x128xf32, #tpu.memory_space<vmem_shared>> -> memref<632x128xf32, #tpu.memory_space<vmem_shared>>
      tpu.wait_dma2 semaphore(%run_scoped3A : memref<!tpu.dma_semaphore, #tpu.memory_space<semaphore_mem>>) src(%dma_wait3A_27 : memref<632x128xf32, #tpu.memory_space<vmem_shared>>) dst(%dma_wait3A_25 : memref<632x128xf32, #tpu.memory_space<hbm>>)
      tpu.yield
    }) : () -> ()
    return
  }
}

#map = affine_map<(d0, d1) -> (0)>
#map1 = affine_map<(d0, d1) -> (0, 0)>
module attributes {stable_mosaic.version = 14 : i64} {
  func.func @_deg_body(%arg0: i32, %arg1: i32, %arg2: memref<640xf32, #tpu.memory_space<hbm>>, %arg3: memref<128xf32, #tpu.memory_space<hbm>>, %arg4: memref<2560x128xi32, #tpu.memory_space<hbm>>, %arg5: memref<2x10240xf32, #tpu.memory_space<hbm>>, %arg6: memref<10240xf32, #tpu.memory_space<vmem_shared>>, %arg7: memref<80x128xi32, #tpu.memory_space<vmem>>, %arg8: memref<128xf32, #tpu.memory_space<vmem>>) attributes {dimension_semantics = [#tpu.dimension_semantics<core_parallel>, #tpu.dimension_semantics<subcore_parallel>], iteration_bounds = array<i64: 2, 16>, scalar_prefetch = 0 : i64, scratch_operands = 3 : i64, tpu.core_type = #tpu.core_type<sc_vector_subcore>, window_params = [{transform_indices = #map}, {transform_indices = #map}, {transform_indices = #map1}, {transform_indices = #map1}]} {
    %mul3A = arith.constant 2 : i32
    %mul3A_0 = arith.muli %arg1, %mul3A : i32
    %add3A = arith.addi %mul3A_0, %arg0 : i32
    %mul3A_1 = arith.constant 80 : i32
    %mul3A_2 = arith.muli %add3A, %mul3A_1 : i32
    "tpu.region"() ({
      %run_scoped3A = tpu.sem_alloc : memref<!tpu.dma_semaphore, #tpu.memory_space<semaphore_mem>>
      %dma_start3A = arith.constant 0 : i32
      %dma_start3A_11 = tpu.memref_slice %arg4[%mul3A_2, %dma_start3A] : memref<2560x128xi32, #tpu.memory_space<hbm>> -> memref<80x128xi32, #tpu.memory_space<hbm>>
      %dma_start3A_12 = arith.constant 0 : i32
      %dma_start3A_13 = tpu.memref_slice %arg4[%mul3A_2, %dma_start3A_12] : memref<2560x128xi32, #tpu.memory_space<hbm>> -> memref<80x128xi32, #tpu.memory_space<hbm>>
      tpu.enqueue_dma source(%dma_start3A_13 : memref<80x128xi32, #tpu.memory_space<hbm>>) target(%arg7 : memref<80x128xi32, #tpu.memory_space<vmem>>) target_semaphore(%run_scoped3A : memref<!tpu.dma_semaphore, #tpu.memory_space<semaphore_mem>>)
      %dma_wait3A = arith.constant 0 : i32
      %dma_wait3A_14 = tpu.memref_slice %arg4[%mul3A_2, %dma_wait3A] : memref<2560x128xi32, #tpu.memory_space<hbm>> -> memref<80x128xi32, #tpu.memory_space<hbm>>
      %dma_wait3A_15 = arith.constant 0 : i32
      %dma_wait3A_16 = tpu.memref_slice %arg4[%mul3A_2, %dma_wait3A_15] : memref<2560x128xi32, #tpu.memory_space<hbm>> -> memref<80x128xi32, #tpu.memory_space<hbm>>
      tpu.wait_dma2 semaphore(%run_scoped3A : memref<!tpu.dma_semaphore, #tpu.memory_space<semaphore_mem>>) src(%dma_wait3A_16 : memref<80x128xi32, #tpu.memory_space<hbm>>) dst(%arg7 : memref<80x128xi32, #tpu.memory_space<vmem>>)
      tpu.yield
    }) : () -> ()
    "tpu.region"() ({
      %run_scoped3A = tpu.sem_alloc : memref<!tpu.dma_semaphore, #tpu.memory_space<semaphore_mem>>
      tpu.enqueue_dma source(%arg3 : memref<128xf32, #tpu.memory_space<hbm>>) target(%arg8 : memref<128xf32, #tpu.memory_space<vmem>>) target_semaphore(%run_scoped3A : memref<!tpu.dma_semaphore, #tpu.memory_space<semaphore_mem>>)
      tpu.wait_dma2 semaphore(%run_scoped3A : memref<!tpu.dma_semaphore, #tpu.memory_space<semaphore_mem>>) src(%arg3 : memref<128xf32, #tpu.memory_space<hbm>>) dst(%arg8 : memref<128xf32, #tpu.memory_space<vmem>>)
      tpu.yield
    }) : () -> ()
    %mul3A_3 = arith.constant 640 : i32
    %mul3A_4 = arith.muli %arg1, %mul3A_3 : i32
    "tpu.region"() ({
      %run_scoped3A = tpu.sem_alloc : memref<!tpu.dma_semaphore, #tpu.memory_space<semaphore_mem>>
      %dma_start3A = tpu.memref_slice %arg6[%mul3A_4] : memref<10240xf32, #tpu.memory_space<vmem_shared>> -> memref<640xf32, #tpu.memory_space<vmem_shared>>
      tpu.enqueue_dma source(%arg2 : memref<640xf32, #tpu.memory_space<hbm>>) target(%dma_start3A : memref<640xf32, #tpu.memory_space<vmem_shared>>) target_semaphore(%run_scoped3A : memref<!tpu.dma_semaphore, #tpu.memory_space<semaphore_mem>>)
      %dma_wait3A = tpu.memref_slice %arg6[%mul3A_4] : memref<10240xf32, #tpu.memory_space<vmem_shared>> -> memref<640xf32, #tpu.memory_space<vmem_shared>>
      tpu.wait_dma2 semaphore(%run_scoped3A : memref<!tpu.dma_semaphore, #tpu.memory_space<semaphore_mem>>) src(%arg2 : memref<640xf32, #tpu.memory_space<hbm>>) dst(%dma_wait3A : memref<640xf32, #tpu.memory_space<vmem_shared>>)
      tpu.yield
    }) : () -> ()
    %barrier3A = arith.constant 0 : index
    tpu.barrier barrier_id(%barrier3A)
    %scan3A = arith.constant 0 : i32
    %scan3A_5 = arith.constant 0 : i32
    %scan3A_6 = arith.constant 80 : i32
    %scan3A_7 = arith.addi %scan3A_5, %scan3A_6 : i32
    %scan3A_8 = arith.constant 1 : i32
    scf.for %scan3A_11 = %scan3A_5 to %scan3A_7 step %scan3A_8  : i32 {
      "tpu.region"() ({
        %run_scoped3A = tpu.sem_alloc : memref<!tpu.dma_semaphore, #tpu.memory_space<semaphore_mem>>
        %dma_start3A = arith.constant 0 : i32
        %dma_start3A_12 = tpu.memref_slice %arg7[%scan3A_11, %dma_start3A] : memref<80x128xi32, #tpu.memory_space<vmem>> -> memref<1x128xi32, #tpu.memory_space<vmem>>
        %dma_start3A_13 = tpu.memref_squeeze %dma_start3A_12 : memref<1x128xi32, #tpu.memory_space<vmem>> -> memref<128xi32, #tpu.memory_space<vmem>>
        %dma_start3A_14 = arith.constant 0 : i32
        %dma_start3A_15 = tpu.memref_slice %arg6[%dma_start3A_14] : memref<10240xf32, #tpu.memory_space<vmem_shared>> -> memref<10240xf32, #tpu.memory_space<vmem_shared>>
        tpu.enqueue_indirect_dma source(%arg8 : memref<128xf32, #tpu.memory_space<vmem>>) target(%dma_start3A_15 : memref<10240xf32, #tpu.memory_space<vmem_shared>>) offsets(%dma_start3A_13 : memref<128xi32, #tpu.memory_space<vmem>>) semaphore(%run_scoped3A : memref<!tpu.dma_semaphore, #tpu.memory_space<semaphore_mem>>) {add = true}
        %dma_wait3A = arith.constant 0 : i32
        %dma_wait3A_16 = tpu.memref_slice %arg7[%scan3A_11, %dma_wait3A] : memref<80x128xi32, #tpu.memory_space<vmem>> -> memref<1x128xi32, #tpu.memory_space<vmem>>
        %dma_wait3A_17 = tpu.memref_squeeze %dma_wait3A_16 : memref<1x128xi32, #tpu.memory_space<vmem>> -> memref<128xi32, #tpu.memory_space<vmem>>
        %dma_wait3A_18 = arith.constant 0 : i32
        %dma_wait3A_19 = tpu.memref_slice %arg6[%dma_wait3A_18] : memref<10240xf32, #tpu.memory_space<vmem_shared>> -> memref<10240xf32, #tpu.memory_space<vmem_shared>>
        tpu.wait_indirect_dma semaphore(%run_scoped3A : memref<!tpu.dma_semaphore, #tpu.memory_space<semaphore_mem>>) src(%arg8 : memref<128xf32, #tpu.memory_space<vmem>>) dst(%dma_wait3A_19 : memref<10240xf32, #tpu.memory_space<vmem_shared>>)
        tpu.yield
      }) : () -> ()
    }
    %scan3A_9 = arith.constant 80 : i32
    %barrier3A_10 = arith.constant 0 : index
    tpu.barrier barrier_id(%barrier3A_10)
    "tpu.region"() ({
      %run_scoped3A = tpu.sem_alloc : memref<!tpu.dma_semaphore, #tpu.memory_space<semaphore_mem>>
      %dma_start3A = tpu.memref_slice %arg5[%arg0, %mul3A_4] : memref<2x10240xf32, #tpu.memory_space<hbm>> -> memref<1x640xf32, #tpu.memory_space<hbm>>
      %dma_start3A_11 = tpu.memref_squeeze %dma_start3A : memref<1x640xf32, #tpu.memory_space<hbm>> -> memref<640xf32, #tpu.memory_space<hbm>>
      %dma_start3A_12 = tpu.memref_slice %arg6[%mul3A_4] : memref<10240xf32, #tpu.memory_space<vmem_shared>> -> memref<640xf32, #tpu.memory_space<vmem_shared>>
      tpu.enqueue_dma source(%dma_start3A_12 : memref<640xf32, #tpu.memory_space<vmem_shared>>) target(%dma_start3A_11 : memref<640xf32, #tpu.memory_space<hbm>>) target_semaphore(%run_scoped3A : memref<!tpu.dma_semaphore, #tpu.memory_space<semaphore_mem>>)
      %dma_wait3A = tpu.memref_slice %arg5[%arg0, %mul3A_4] : memref<2x10240xf32, #tpu.memory_space<hbm>> -> memref<1x640xf32, #tpu.memory_space<hbm>>
      %dma_wait3A_13 = tpu.memref_squeeze %dma_wait3A : memref<1x640xf32, #tpu.memory_space<hbm>> -> memref<640xf32, #tpu.memory_space<hbm>>
      %dma_wait3A_14 = tpu.memref_slice %arg6[%mul3A_4] : memref<10240xf32, #tpu.memory_space<vmem_shared>> -> memref<640xf32, #tpu.memory_space<vmem_shared>>
      tpu.wait_dma2 semaphore(%run_scoped3A : memref<!tpu.dma_semaphore, #tpu.memory_space<semaphore_mem>>) src(%dma_wait3A_14 : memref<640xf32, #tpu.memory_space<vmem_shared>>) dst(%dma_wait3A_13 : memref<640xf32, #tpu.memory_space<hbm>>)
      tpu.yield
    }) : () -> ()
    return
  }
}

#map = affine_map<(d0, d1) -> (0, 0)>
#map1 = affine_map<(d0, d1) -> (0, 0, 0, 0)>
#map2 = affine_map<(d0, d1) -> (0, 0, 0)>
module attributes {stable_mosaic.version = 14 : i64} {
  func.func @_agg_body(%arg0: i32, %arg1: i32, %arg2: memref<20224x128xf32, #tpu.memory_space<hbm>>, %arg3: memref<2560x128xi32, #tpu.memory_space<hbm>>, %arg4: memref<2560x128xi32, #tpu.memory_space<hbm>>, %arg5: memref<2x16x632x128xf32, #tpu.memory_space<hbm>>, %arg6: memref<2x10112x128xf32, #tpu.memory_space<hbm>>, %arg7: memref<10112x128xf32, #tpu.memory_space<vmem_shared>>, %arg8: memref<8x128xi32, #tpu.memory_space<vmem>>, %arg9: memref<2x128x128xf32, #tpu.memory_space<vmem>>, %arg10: memref<2x!tpu.dma_semaphore, #tpu.memory_space<semaphore_mem>>, %arg11: memref<8x128xi32, #tpu.memory_space<vmem>>) attributes {dimension_semantics = [#tpu.dimension_semantics<core_parallel>, #tpu.dimension_semantics<subcore_parallel>], iteration_bounds = array<i64: 2, 16>, scalar_prefetch = 0 : i64, scratch_operands = 5 : i64, tpu.core_type = #tpu.core_type<sc_vector_subcore>, window_params = [{transform_indices = #map}, {transform_indices = #map}, {transform_indices = #map}, {transform_indices = #map1}, {transform_indices = #map2}]} {
    %mul3A = arith.constant 632 : i32
    %mul3A_0 = arith.muli %arg1, %mul3A : i32
    "tpu.region"() ({
      %run_scoped3A = tpu.sem_alloc : memref<!tpu.dma_semaphore, #tpu.memory_space<semaphore_mem>>
      %dma_start3A = arith.constant 0 : i32
      %dma_start3A_20 = tpu.memref_slice %arg7[%mul3A_0, %dma_start3A] : memref<10112x128xf32, #tpu.memory_space<vmem_shared>> -> memref<632x128xf32, #tpu.memory_space<vmem_shared>>
      %dma_start3A_21 = arith.constant 0 : i32
      %dma_start3A_22 = arith.constant 0 : i32
      %dma_start3A_23 = tpu.memref_slice %arg5[%arg0, %arg1, %dma_start3A_21, %dma_start3A_22] : memref<2x16x632x128xf32, #tpu.memory_space<hbm>> -> memref<1x1x632x128xf32, #tpu.memory_space<hbm>>
      %dma_start3A_24 = tpu.memref_squeeze %dma_start3A_23 : memref<1x1x632x128xf32, #tpu.memory_space<hbm>> -> memref<632x128xf32, #tpu.memory_space<hbm>>
      tpu.enqueue_dma source(%dma_start3A_24 : memref<632x128xf32, #tpu.memory_space<hbm>>) target(%dma_start3A_20 : memref<632x128xf32, #tpu.memory_space<vmem_shared>>) target_semaphore(%run_scoped3A : memref<!tpu.dma_semaphore, #tpu.memory_space<semaphore_mem>>)
      %dma_wait3A = arith.constant 0 : i32
      %dma_wait3A_25 = tpu.memref_slice %arg7[%mul3A_0, %dma_wait3A] : memref<10112x128xf32, #tpu.memory_space<vmem_shared>> -> memref<632x128xf32, #tpu.memory_space<vmem_shared>>
      %dma_wait3A_26 = arith.constant 0 : i32
      %dma_wait3A_27 = arith.constant 0 : i32
      %dma_wait3A_28 = tpu.memref_slice %arg5[%arg0, %arg1, %dma_wait3A_26, %dma_wait3A_27] : memref<2x16x632x128xf32, #tpu.memory_space<hbm>> -> memref<1x1x632x128xf32, #tpu.memory_space<hbm>>
      %dma_wait3A_29 = tpu.memref_squeeze %dma_wait3A_28 : memref<1x1x632x128xf32, #tpu.memory_space<hbm>> -> memref<632x128xf32, #tpu.memory_space<hbm>>
      tpu.wait_dma2 semaphore(%run_scoped3A : memref<!tpu.dma_semaphore, #tpu.memory_space<semaphore_mem>>) src(%dma_wait3A_29 : memref<632x128xf32, #tpu.memory_space<hbm>>) dst(%dma_wait3A_25 : memref<632x128xf32, #tpu.memory_space<vmem_shared>>)
      tpu.yield
    }) : () -> ()
    %barrier3A = arith.constant 0 : index
    tpu.barrier barrier_id(%barrier3A)
    %eq3A = arith.constant 0 : i32
    %eq3A_1 = arith.cmpi eq, %arg0, %eq3A : i32
    %select_n3A = arith.constant 1 : i32
    %select_n3A_2 = arith.constant 19 : i32
    %select_n3A_3 = arith.select %eq3A_1, %select_n3A_2, %select_n3A : i32
    %mul3A_4 = arith.constant 152 : i32
    %mul3A_5 = arith.muli %arg1, %mul3A_4 : i32
    %mul3A_6 = arith.constant 8 : i32
    %mul3A_7 = arith.muli %arg1, %mul3A_6 : i32
    %add3A = arith.constant 2432 : i32
    %add3A_8 = arith.addi %add3A, %mul3A_7 : i32
    %select_n3A_9 = arith.select %eq3A_1, %mul3A_5, %add3A_8 : i32
    %while3A = arith.constant 0 : i32
    %while3A_10 = arith.constant 0 : i32
    %while3A_11 = arith.subi %select_n3A_3, %while3A_10 : i32
    %while3A_12 = arith.addi %while3A_10, %while3A_11 : i32
    %while3A_13 = arith.constant 1 : i32
    %while3A_14 = arith.divsi %while3A_11, %while3A_13 : i32
    %while3A_15 = arith.muli %while3A_14, %while3A_13 : i32
    %while3A_16 = arith.addi %while3A_10, %while3A_15 : i32
    %while3A_17 = arith.constant 1 : i32
    scf.for %while3A_20 = %while3A_10 to %while3A_16 step %while3A_17  : i32 {
      %mul3A_21 = arith.constant 8 : i32
      %mul3A_22 = arith.muli %while3A_20, %mul3A_21 : i32
      %add3A_23 = arith.addi %select_n3A_9, %mul3A_22 : i32
      "tpu.region"() ({
        %run_scoped3A = tpu.sem_alloc : memref<!tpu.dma_semaphore, #tpu.memory_space<semaphore_mem>>
        %dma_start3A = arith.constant 0 : i32
        %dma_start3A_32 = tpu.memref_slice %arg3[%add3A_23, %dma_start3A] : memref<2560x128xi32, #tpu.memory_space<hbm>> -> memref<8x128xi32, #tpu.memory_space<hbm>>
        %dma_start3A_33 = arith.constant 0 : i32
        %dma_start3A_34 = tpu.memref_slice %arg3[%add3A_23, %dma_start3A_33] : memref<2560x128xi32, #tpu.memory_space<hbm>> -> memref<8x128xi32, #tpu.memory_space<hbm>>
        tpu.enqueue_dma source(%dma_start3A_34 : memref<8x128xi32, #tpu.memory_space<hbm>>) target(%arg11 : memref<8x128xi32, #tpu.memory_space<vmem>>) target_semaphore(%run_scoped3A : memref<!tpu.dma_semaphore, #tpu.memory_space<semaphore_mem>>)
        %dma_wait3A = arith.constant 0 : i32
        %dma_wait3A_35 = tpu.memref_slice %arg3[%add3A_23, %dma_wait3A] : memref<2560x128xi32, #tpu.memory_space<hbm>> -> memref<8x128xi32, #tpu.memory_space<hbm>>
        %dma_wait3A_36 = arith.constant 0 : i32
        %dma_wait3A_37 = tpu.memref_slice %arg3[%add3A_23, %dma_wait3A_36] : memref<2560x128xi32, #tpu.memory_space<hbm>> -> memref<8x128xi32, #tpu.memory_space<hbm>>
        tpu.wait_dma2 semaphore(%run_scoped3A : memref<!tpu.dma_semaphore, #tpu.memory_space<semaphore_mem>>) src(%dma_wait3A_37 : memref<8x128xi32, #tpu.memory_space<hbm>>) dst(%arg11 : memref<8x128xi32, #tpu.memory_space<vmem>>)
        tpu.yield
      }) : () -> ()
      %mul3A_24 = arith.constant 8 : i32
      %mul3A_25 = arith.muli %while3A_20, %mul3A_24 : i32
      %add3A_26 = arith.addi %select_n3A_9, %mul3A_25 : i32
      "tpu.region"() ({
        %run_scoped3A = tpu.sem_alloc : memref<!tpu.dma_semaphore, #tpu.memory_space<semaphore_mem>>
        %dma_start3A = arith.constant 0 : i32
        %dma_start3A_32 = tpu.memref_slice %arg4[%add3A_26, %dma_start3A] : memref<2560x128xi32, #tpu.memory_space<hbm>> -> memref<8x128xi32, #tpu.memory_space<hbm>>
        %dma_start3A_33 = arith.constant 0 : i32
        %dma_start3A_34 = tpu.memref_slice %arg4[%add3A_26, %dma_start3A_33] : memref<2560x128xi32, #tpu.memory_space<hbm>> -> memref<8x128xi32, #tpu.memory_space<hbm>>
        tpu.enqueue_dma source(%dma_start3A_34 : memref<8x128xi32, #tpu.memory_space<hbm>>) target(%arg8 : memref<8x128xi32, #tpu.memory_space<vmem>>) target_semaphore(%run_scoped3A : memref<!tpu.dma_semaphore, #tpu.memory_space<semaphore_mem>>)
        %dma_wait3A = arith.constant 0 : i32
        %dma_wait3A_35 = tpu.memref_slice %arg4[%add3A_26, %dma_wait3A] : memref<2560x128xi32, #tpu.memory_space<hbm>> -> memref<8x128xi32, #tpu.memory_space<hbm>>
        %dma_wait3A_36 = arith.constant 0 : i32
        %dma_wait3A_37 = tpu.memref_slice %arg4[%add3A_26, %dma_wait3A_36] : memref<2560x128xi32, #tpu.memory_space<hbm>> -> memref<8x128xi32, #tpu.memory_space<hbm>>
        tpu.wait_dma2 semaphore(%run_scoped3A : memref<!tpu.dma_semaphore, #tpu.memory_space<semaphore_mem>>) src(%dma_wait3A_37 : memref<8x128xi32, #tpu.memory_space<hbm>>) dst(%arg8 : memref<8x128xi32, #tpu.memory_space<vmem>>)
        tpu.yield
      }) : () -> ()
      %scan3A = arith.constant 0 : i32
      %scan3A_27 = arith.constant 0 : i32
      %scan3A_28 = arith.constant 4 : i32
      %scan3A_29 = arith.addi %scan3A_27, %scan3A_28 : i32
      %scan3A_30 = arith.constant 1 : i32
      scf.for %scan3A_32 = %scan3A_27 to %scan3A_29 step %scan3A_30  : i32 {
        %mul3A_33 = arith.constant 2 : i32
        %mul3A_34 = arith.muli %scan3A_32, %mul3A_33 : i32
        %add3A_35 = arith.constant 0 : i32
        %add3A_36 = arith.addi %mul3A_34, %add3A_35 : i32
        %dma_start3A = arith.constant 0 : i32
        %dma_start3A_37 = arith.constant 0 : i32
        %dma_start3A_38 = arith.constant 0 : i32
        %dma_start3A_39 = arith.constant 0 : i32
        %dma_start3A_40 = tpu.memref_slice %arg9[%dma_start3A, %dma_start3A_38, %dma_start3A_39] : memref<2x128x128xf32, #tpu.memory_space<vmem>> -> memref<1x128x128xf32, #tpu.memory_space<vmem>>
        %dma_start3A_41 = tpu.memref_squeeze %dma_start3A_40 : memref<1x128x128xf32, #tpu.memory_space<vmem>> -> memref<128x128xf32, #tpu.memory_space<vmem>>
        %dma_start3A_42 = arith.constant 0 : i32
        %dma_start3A_43 = tpu.memref_slice %arg11[%add3A_36, %dma_start3A_42] : memref<8x128xi32, #tpu.memory_space<vmem>> -> memref<1x128xi32, #tpu.memory_space<vmem>>
        %dma_start3A_44 = tpu.memref_squeeze %dma_start3A_43 : memref<1x128xi32, #tpu.memory_space<vmem>> -> memref<128xi32, #tpu.memory_space<vmem>>
        %dma_start3A_45 = arith.constant 0 : i32
        %dma_start3A_46 = arith.constant 0 : i32
        %dma_start3A_47 = tpu.memref_slice %arg2[%dma_start3A_45, %dma_start3A_46] : memref<20224x128xf32, #tpu.memory_space<hbm>> -> memref<20224x128xf32, #tpu.memory_space<hbm>>
        %dma_start3A_48 = tpu.memref_slice %arg10[%dma_start3A_37] : memref<2x!tpu.dma_semaphore, #tpu.memory_space<semaphore_mem>> -> memref<1x!tpu.dma_semaphore, #tpu.memory_space<semaphore_mem>>
        %dma_start3A_49 = tpu.memref_squeeze %dma_start3A_48 : memref<1x!tpu.dma_semaphore, #tpu.memory_space<semaphore_mem>> -> memref<!tpu.dma_semaphore, #tpu.memory_space<semaphore_mem>>
        tpu.enqueue_indirect_dma source(%dma_start3A_47 : memref<20224x128xf32, #tpu.memory_space<hbm>>) target(%dma_start3A_41 : memref<128x128xf32, #tpu.memory_space<vmem>>) offsets(%dma_start3A_44 : memref<128xi32, #tpu.memory_space<vmem>>) semaphore(%dma_start3A_49 : memref<!tpu.dma_semaphore, #tpu.memory_space<semaphore_mem>>)
        %add3A_50 = arith.constant 1 : i32
        %add3A_51 = arith.addi %mul3A_34, %add3A_50 : i32
        %dma_start3A_52 = arith.constant 1 : i32
        %dma_start3A_53 = arith.constant 1 : i32
        %dma_start3A_54 = arith.constant 0 : i32
        %dma_start3A_55 = arith.constant 0 : i32
        %dma_start3A_56 = tpu.memref_slice %arg9[%dma_start3A_52, %dma_start3A_54, %dma_start3A_55] : memref<2x128x128xf32, #tpu.memory_space<vmem>> -> memref<1x128x128xf32, #tpu.memory_space<vmem>>
        %dma_start3A_57 = tpu.memref_squeeze %dma_start3A_56 : memref<1x128x128xf32, #tpu.memory_space<vmem>> -> memref<128x128xf32, #tpu.memory_space<vmem>>
        %dma_start3A_58 = arith.constant 0 : i32
        %dma_start3A_59 = tpu.memref_slice %arg11[%add3A_51, %dma_start3A_58] : memref<8x128xi32, #tpu.memory_space<vmem>> -> memref<1x128xi32, #tpu.memory_space<vmem>>
        %dma_start3A_60 = tpu.memref_squeeze %dma_start3A_59 : memref<1x128xi32, #tpu.memory_space<vmem>> -> memref<128xi32, #tpu.memory_space<vmem>>
        %dma_start3A_61 = arith.constant 0 : i32
        %dma_start3A_62 = arith.constant 0 : i32
        %dma_start3A_63 = tpu.memref_slice %arg2[%dma_start3A_61, %dma_start3A_62] : memref<20224x128xf32, #tpu.memory_space<hbm>> -> memref<20224x128xf32, #tpu.memory_space<hbm>>
        %dma_start3A_64 = tpu.memref_slice %arg10[%dma_start3A_53] : memref<2x!tpu.dma_semaphore, #tpu.memory_space<semaphore_mem>> -> memref<1x!tpu.dma_semaphore, #tpu.memory_space<semaphore_mem>>
        %dma_start3A_65 = tpu.memref_squeeze %dma_start3A_64 : memref<1x!tpu.dma_semaphore, #tpu.memory_space<semaphore_mem>> -> memref<!tpu.dma_semaphore, #tpu.memory_space<semaphore_mem>>
        tpu.enqueue_indirect_dma source(%dma_start3A_63 : memref<20224x128xf32, #tpu.memory_space<hbm>>) target(%dma_start3A_57 : memref<128x128xf32, #tpu.memory_space<vmem>>) offsets(%dma_start3A_60 : memref<128xi32, #tpu.memory_space<vmem>>) semaphore(%dma_start3A_65 : memref<!tpu.dma_semaphore, #tpu.memory_space<semaphore_mem>>)
        %dma_wait3A = arith.constant 0 : i32
        %dma_wait3A_66 = arith.constant 0 : i32
        %dma_wait3A_67 = arith.constant 0 : i32
        %dma_wait3A_68 = arith.constant 0 : i32
        %dma_wait3A_69 = tpu.memref_slice %arg9[%dma_wait3A, %dma_wait3A_67, %dma_wait3A_68] : memref<2x128x128xf32, #tpu.memory_space<vmem>> -> memref<1x128x128xf32, #tpu.memory_space<vmem>>
        %dma_wait3A_70 = tpu.memref_squeeze %dma_wait3A_69 : memref<1x128x128xf32, #tpu.memory_space<vmem>> -> memref<128x128xf32, #tpu.memory_space<vmem>>
        %dma_wait3A_71 = arith.constant 0 : i32
        %dma_wait3A_72 = tpu.memref_slice %arg11[%add3A_36, %dma_wait3A_71] : memref<8x128xi32, #tpu.memory_space<vmem>> -> memref<1x128xi32, #tpu.memory_space<vmem>>
        %dma_wait3A_73 = tpu.memref_squeeze %dma_wait3A_72 : memref<1x128xi32, #tpu.memory_space<vmem>> -> memref<128xi32, #tpu.memory_space<vmem>>
        %dma_wait3A_74 = arith.constant 0 : i32
        %dma_wait3A_75 = arith.constant 0 : i32
        %dma_wait3A_76 = tpu.memref_slice %arg2[%dma_wait3A_74, %dma_wait3A_75] : memref<20224x128xf32, #tpu.memory_space<hbm>> -> memref<20224x128xf32, #tpu.memory_space<hbm>>
        %dma_wait3A_77 = tpu.memref_slice %arg10[%dma_wait3A_66] : memref<2x!tpu.dma_semaphore, #tpu.memory_space<semaphore_mem>> -> memref<1x!tpu.dma_semaphore, #tpu.memory_space<semaphore_mem>>
        %dma_wait3A_78 = tpu.memref_squeeze %dma_wait3A_77 : memref<1x!tpu.dma_semaphore, #tpu.memory_space<semaphore_mem>> -> memref<!tpu.dma_semaphore, #tpu.memory_space<semaphore_mem>>
        tpu.wait_indirect_dma semaphore(%dma_wait3A_78 : memref<!tpu.dma_semaphore, #tpu.memory_space<semaphore_mem>>) src(%dma_wait3A_76 : memref<20224x128xf32, #tpu.memory_space<hbm>>) dst(%dma_wait3A_70 : memref<128x128xf32, #tpu.memory_space<vmem>>)
        %add3A_79 = arith.constant 0 : i32
        %add3A_80 = arith.addi %mul3A_34, %add3A_79 : i32
        %run_scoped3A = arith.constant 0 : i32
        "tpu.region"() ({
          %run_scoped3A_98 = tpu.sem_alloc : memref<!tpu.dma_semaphore, #tpu.memory_space<semaphore_mem>>
          %dma_start3A_99 = arith.constant 0 : i32
          %dma_start3A_100 = arith.constant 0 : i32
          %dma_start3A_101 = tpu.memref_slice %arg9[%run_scoped3A, %dma_start3A_99, %dma_start3A_100] : memref<2x128x128xf32, #tpu.memory_space<vmem>> -> memref<1x128x128xf32, #tpu.memory_space<vmem>>
          %dma_start3A_102 = tpu.memref_squeeze %dma_start3A_101 : memref<1x128x128xf32, #tpu.memory_space<vmem>> -> memref<128x128xf32, #tpu.memory_space<vmem>>
          %dma_start3A_103 = arith.constant 0 : i32
          %dma_start3A_104 = tpu.memref_slice %arg8[%add3A_80, %dma_start3A_103] : memref<8x128xi32, #tpu.memory_space<vmem>> -> memref<1x128xi32, #tpu.memory_space<vmem>>
          %dma_start3A_105 = tpu.memref_squeeze %dma_start3A_104 : memref<1x128xi32, #tpu.memory_space<vmem>> -> memref<128xi32, #tpu.memory_space<vmem>>
          %dma_start3A_106 = arith.constant 0 : i32
          %dma_start3A_107 = arith.constant 0 : i32
          %dma_start3A_108 = tpu.memref_slice %arg7[%dma_start3A_106, %dma_start3A_107] : memref<10112x128xf32, #tpu.memory_space<vmem_shared>> -> memref<10112x128xf32, #tpu.memory_space<vmem_shared>>
          tpu.enqueue_indirect_dma source(%dma_start3A_102 : memref<128x128xf32, #tpu.memory_space<vmem>>) target(%dma_start3A_108 : memref<10112x128xf32, #tpu.memory_space<vmem_shared>>) offsets(%dma_start3A_105 : memref<128xi32, #tpu.memory_space<vmem>>) semaphore(%run_scoped3A_98 : memref<!tpu.dma_semaphore, #tpu.memory_space<semaphore_mem>>) {add = true}
          %dma_wait3A_109 = arith.constant 0 : i32
          %dma_wait3A_110 = arith.constant 0 : i32
          %dma_wait3A_111 = tpu.memref_slice %arg9[%run_scoped3A, %dma_wait3A_109, %dma_wait3A_110] : memref<2x128x128xf32, #tpu.memory_space<vmem>> -> memref<1x128x128xf32, #tpu.memory_space<vmem>>
          %dma_wait3A_112 = tpu.memref_squeeze %dma_wait3A_111 : memref<1x128x128xf32, #tpu.memory_space<vmem>> -> memref<128x128xf32, #tpu.memory_space<vmem>>
          %dma_wait3A_113 = arith.constant 0 : i32
          %dma_wait3A_114 = tpu.memref_slice %arg8[%add3A_80, %dma_wait3A_113] : memref<8x128xi32, #tpu.memory_space<vmem>> -> memref<1x128xi32, #tpu.memory_space<vmem>>
          %dma_wait3A_115 = tpu.memref_squeeze %dma_wait3A_114 : memref<1x128xi32, #tpu.memory_space<vmem>> -> memref<128xi32, #tpu.memory_space<vmem>>
          %dma_wait3A_116 = arith.constant 0 : i32
          %dma_wait3A_117 = arith.constant 0 : i32
          %dma_wait3A_118 = tpu.memref_slice %arg7[%dma_wait3A_116, %dma_wait3A_117] : memref<10112x128xf32, #tpu.memory_space<vmem_shared>> -> memref<10112x128xf32, #tpu.memory_space<vmem_shared>>
          tpu.wait_indirect_dma semaphore(%run_scoped3A_98 : memref<!tpu.dma_semaphore, #tpu.memory_space<semaphore_mem>>) src(%dma_wait3A_112 : memref<128x128xf32, #tpu.memory_space<vmem>>) dst(%dma_wait3A_118 : memref<10112x128xf32, #tpu.memory_space<vmem_shared>>)
          tpu.yield
        }) : () -> ()
        %dma_wait3A_81 = arith.constant 1 : i32
        %dma_wait3A_82 = arith.constant 1 : i32
        %dma_wait3A_83 = arith.constant 0 : i32
        %dma_wait3A_84 = arith.constant 0 : i32
        %dma_wait3A_85 = tpu.memref_slice %arg9[%dma_wait3A_81, %dma_wait3A_83, %dma_wait3A_84] : memref<2x128x128xf32, #tpu.memory_space<vmem>> -> memref<1x128x128xf32, #tpu.memory_space<vmem>>
        %dma_wait3A_86 = tpu.memref_squeeze %dma_wait3A_85 : memref<1x128x128xf32, #tpu.memory_space<vmem>> -> memref<128x128xf32, #tpu.memory_space<vmem>>
        %dma_wait3A_87 = arith.constant 0 : i32
        %dma_wait3A_88 = tpu.memref_slice %arg11[%add3A_51, %dma_wait3A_87] : memref<8x128xi32, #tpu.memory_space<vmem>> -> memref<1x128xi32, #tpu.memory_space<vmem>>
        %dma_wait3A_89 = tpu.memref_squeeze %dma_wait3A_88 : memref<1x128xi32, #tpu.memory_space<vmem>> -> memref<128xi32, #tpu.memory_space<vmem>>
        %dma_wait3A_90 = arith.constant 0 : i32
        %dma_wait3A_91 = arith.constant 0 : i32
        %dma_wait3A_92 = tpu.memref_slice %arg2[%dma_wait3A_90, %dma_wait3A_91] : memref<20224x128xf32, #tpu.memory_space<hbm>> -> memref<20224x128xf32, #tpu.memory_space<hbm>>
        %dma_wait3A_93 = tpu.memref_slice %arg10[%dma_wait3A_82] : memref<2x!tpu.dma_semaphore, #tpu.memory_space<semaphore_mem>> -> memref<1x!tpu.dma_semaphore, #tpu.memory_space<semaphore_mem>>
        %dma_wait3A_94 = tpu.memref_squeeze %dma_wait3A_93 : memref<1x!tpu.dma_semaphore, #tpu.memory_space<semaphore_mem>> -> memref<!tpu.dma_semaphore, #tpu.memory_space<semaphore_mem>>
        tpu.wait_indirect_dma semaphore(%dma_wait3A_94 : memref<!tpu.dma_semaphore, #tpu.memory_space<semaphore_mem>>) src(%dma_wait3A_92 : memref<20224x128xf32, #tpu.memory_space<hbm>>) dst(%dma_wait3A_86 : memref<128x128xf32, #tpu.memory_space<vmem>>)
        %add3A_95 = arith.constant 1 : i32
        %add3A_96 = arith.addi %mul3A_34, %add3A_95 : i32
        %run_scoped3A_97 = arith.constant 1 : i32
        "tpu.region"() ({
          %run_scoped3A_98 = tpu.sem_alloc : memref<!tpu.dma_semaphore, #tpu.memory_space<semaphore_mem>>
          %dma_start3A_99 = arith.constant 0 : i32
          %dma_start3A_100 = arith.constant 0 : i32
          %dma_start3A_101 = tpu.memref_slice %arg9[%run_scoped3A_97, %dma_start3A_99, %dma_start3A_100] : memref<2x128x128xf32, #tpu.memory_space<vmem>> -> memref<1x128x128xf32, #tpu.memory_space<vmem>>
          %dma_start3A_102 = tpu.memref_squeeze %dma_start3A_101 : memref<1x128x128xf32, #tpu.memory_space<vmem>> -> memref<128x128xf32, #tpu.memory_space<vmem>>
          %dma_start3A_103 = arith.constant 0 : i32
          %dma_start3A_104 = tpu.memref_slice %arg8[%add3A_96, %dma_start3A_103] : memref<8x128xi32, #tpu.memory_space<vmem>> -> memref<1x128xi32, #tpu.memory_space<vmem>>
          %dma_start3A_105 = tpu.memref_squeeze %dma_start3A_104 : memref<1x128xi32, #tpu.memory_space<vmem>> -> memref<128xi32, #tpu.memory_space<vmem>>
          %dma_start3A_106 = arith.constant 0 : i32
          %dma_start3A_107 = arith.constant 0 : i32
          %dma_start3A_108 = tpu.memref_slice %arg7[%dma_start3A_106, %dma_start3A_107] : memref<10112x128xf32, #tpu.memory_space<vmem_shared>> -> memref<10112x128xf32, #tpu.memory_space<vmem_shared>>
          tpu.enqueue_indirect_dma source(%dma_start3A_102 : memref<128x128xf32, #tpu.memory_space<vmem>>) target(%dma_start3A_108 : memref<10112x128xf32, #tpu.memory_space<vmem_shared>>) offsets(%dma_start3A_105 : memref<128xi32, #tpu.memory_space<vmem>>) semaphore(%run_scoped3A_98 : memref<!tpu.dma_semaphore, #tpu.memory_space<semaphore_mem>>) {add = true}
          %dma_wait3A_109 = arith.constant 0 : i32
          %dma_wait3A_110 = arith.constant 0 : i32
          %dma_wait3A_111 = tpu.memref_slice %arg9[%run_scoped3A_97, %dma_wait3A_109, %dma_wait3A_110] : memref<2x128x128xf32, #tpu.memory_space<vmem>> -> memref<1x128x128xf32, #tpu.memory_space<vmem>>
          %dma_wait3A_112 = tpu.memref_squeeze %dma_wait3A_111 : memref<1x128x128xf32, #tpu.memory_space<vmem>> -> memref<128x128xf32, #tpu.memory_space<vmem>>
          %dma_wait3A_113 = arith.constant 0 : i32
          %dma_wait3A_114 = tpu.memref_slice %arg8[%add3A_96, %dma_wait3A_113] : memref<8x128xi32, #tpu.memory_space<vmem>> -> memref<1x128xi32, #tpu.memory_space<vmem>>
          %dma_wait3A_115 = tpu.memref_squeeze %dma_wait3A_114 : memref<1x128xi32, #tpu.memory_space<vmem>> -> memref<128xi32, #tpu.memory_space<vmem>>
          %dma_wait3A_116 = arith.constant 0 : i32
          %dma_wait3A_117 = arith.constant 0 : i32
          %dma_wait3A_118 = tpu.memref_slice %arg7[%dma_wait3A_116, %dma_wait3A_117] : memref<10112x128xf32, #tpu.memory_space<vmem_shared>> -> memref<10112x128xf32, #tpu.memory_space<vmem_shared>>
          tpu.wait_indirect_dma semaphore(%run_scoped3A_98 : memref<!tpu.dma_semaphore, #tpu.memory_space<semaphore_mem>>) src(%dma_wait3A_112 : memref<128x128xf32, #tpu.memory_space<vmem>>) dst(%dma_wait3A_118 : memref<10112x128xf32, #tpu.memory_space<vmem_shared>>)
          tpu.yield
        }) : () -> ()
      }
      %scan3A_31 = arith.constant 4 : i32
    }
    %while3A_18 = arith.constant 1 : i32
    scf.for %while3A_20 = %while3A_16 to %while3A_12 step %while3A_18  : i32 {
      %mul3A_21 = arith.constant 8 : i32
      %mul3A_22 = arith.muli %while3A_20, %mul3A_21 : i32
      %add3A_23 = arith.addi %select_n3A_9, %mul3A_22 : i32
      "tpu.region"() ({
        %run_scoped3A = tpu.sem_alloc : memref<!tpu.dma_semaphore, #tpu.memory_space<semaphore_mem>>
        %dma_start3A = arith.constant 0 : i32
        %dma_start3A_32 = tpu.memref_slice %arg3[%add3A_23, %dma_start3A] : memref<2560x128xi32, #tpu.memory_space<hbm>> -> memref<8x128xi32, #tpu.memory_space<hbm>>
        %dma_start3A_33 = arith.constant 0 : i32
        %dma_start3A_34 = tpu.memref_slice %arg3[%add3A_23, %dma_start3A_33] : memref<2560x128xi32, #tpu.memory_space<hbm>> -> memref<8x128xi32, #tpu.memory_space<hbm>>
        tpu.enqueue_dma source(%dma_start3A_34 : memref<8x128xi32, #tpu.memory_space<hbm>>) target(%arg11 : memref<8x128xi32, #tpu.memory_space<vmem>>) target_semaphore(%run_scoped3A : memref<!tpu.dma_semaphore, #tpu.memory_space<semaphore_mem>>)
        %dma_wait3A = arith.constant 0 : i32
        %dma_wait3A_35 = tpu.memref_slice %arg3[%add3A_23, %dma_wait3A] : memref<2560x128xi32, #tpu.memory_space<hbm>> -> memref<8x128xi32, #tpu.memory_space<hbm>>
        %dma_wait3A_36 = arith.constant 0 : i32
        %dma_wait3A_37 = tpu.memref_slice %arg3[%add3A_23, %dma_wait3A_36] : memref<2560x128xi32, #tpu.memory_space<hbm>> -> memref<8x128xi32, #tpu.memory_space<hbm>>
        tpu.wait_dma2 semaphore(%run_scoped3A : memref<!tpu.dma_semaphore, #tpu.memory_space<semaphore_mem>>) src(%dma_wait3A_37 : memref<8x128xi32, #tpu.memory_space<hbm>>) dst(%arg11 : memref<8x128xi32, #tpu.memory_space<vmem>>)
        tpu.yield
      }) : () -> ()
      %mul3A_24 = arith.constant 8 : i32
      %mul3A_25 = arith.muli %while3A_20, %mul3A_24 : i32
      %add3A_26 = arith.addi %select_n3A_9, %mul3A_25 : i32
      "tpu.region"() ({
        %run_scoped3A = tpu.sem_alloc : memref<!tpu.dma_semaphore, #tpu.memory_space<semaphore_mem>>
        %dma_start3A = arith.constant 0 : i32
        %dma_start3A_32 = tpu.memref_slice %arg4[%add3A_26, %dma_start3A] : memref<2560x128xi32, #tpu.memory_space<hbm>> -> memref<8x128xi32, #tpu.memory_space<hbm>>
        %dma_start3A_33 = arith.constant 0 : i32
        %dma_start3A_34 = tpu.memref_slice %arg4[%add3A_26, %dma_start3A_33] : memref<2560x128xi32, #tpu.memory_space<hbm>> -> memref<8x128xi32, #tpu.memory_space<hbm>>
        tpu.enqueue_dma source(%dma_start3A_34 : memref<8x128xi32, #tpu.memory_space<hbm>>) target(%arg8 : memref<8x128xi32, #tpu.memory_space<vmem>>) target_semaphore(%run_scoped3A : memref<!tpu.dma_semaphore, #tpu.memory_space<semaphore_mem>>)
        %dma_wait3A = arith.constant 0 : i32
        %dma_wait3A_35 = tpu.memref_slice %arg4[%add3A_26, %dma_wait3A] : memref<2560x128xi32, #tpu.memory_space<hbm>> -> memref<8x128xi32, #tpu.memory_space<hbm>>
        %dma_wait3A_36 = arith.constant 0 : i32
        %dma_wait3A_37 = tpu.memref_slice %arg4[%add3A_26, %dma_wait3A_36] : memref<2560x128xi32, #tpu.memory_space<hbm>> -> memref<8x128xi32, #tpu.memory_space<hbm>>
        tpu.wait_dma2 semaphore(%run_scoped3A : memref<!tpu.dma_semaphore, #tpu.memory_space<semaphore_mem>>) src(%dma_wait3A_37 : memref<8x128xi32, #tpu.memory_space<hbm>>) dst(%arg8 : memref<8x128xi32, #tpu.memory_space<vmem>>)
        tpu.yield
      }) : () -> ()
      %scan3A = arith.constant 0 : i32
      %scan3A_27 = arith.constant 0 : i32
      %scan3A_28 = arith.constant 4 : i32
      %scan3A_29 = arith.addi %scan3A_27, %scan3A_28 : i32
      %scan3A_30 = arith.constant 1 : i32
      scf.for %scan3A_32 = %scan3A_27 to %scan3A_29 step %scan3A_30  : i32 {
        %mul3A_33 = arith.constant 2 : i32
        %mul3A_34 = arith.muli %scan3A_32, %mul3A_33 : i32
        %add3A_35 = arith.constant 0 : i32
        %add3A_36 = arith.addi %mul3A_34, %add3A_35 : i32
        %dma_start3A = arith.constant 0 : i32
        %dma_start3A_37 = arith.constant 0 : i32
        %dma_start3A_38 = arith.constant 0 : i32
        %dma_start3A_39 = arith.constant 0 : i32
        %dma_start3A_40 = tpu.memref_slice %arg9[%dma_start3A, %dma_start3A_38, %dma_start3A_39] : memref<2x128x128xf32, #tpu.memory_space<vmem>> -> memref<1x128x128xf32, #tpu.memory_space<vmem>>
        %dma_start3A_41 = tpu.memref_squeeze %dma_start3A_40 : memref<1x128x128xf32, #tpu.memory_space<vmem>> -> memref<128x128xf32, #tpu.memory_space<vmem>>
        %dma_start3A_42 = arith.constant 0 : i32
        %dma_start3A_43 = tpu.memref_slice %arg11[%add3A_36, %dma_start3A_42] : memref<8x128xi32, #tpu.memory_space<vmem>> -> memref<1x128xi32, #tpu.memory_space<vmem>>
        %dma_start3A_44 = tpu.memref_squeeze %dma_start3A_43 : memref<1x128xi32, #tpu.memory_space<vmem>> -> memref<128xi32, #tpu.memory_space<vmem>>
        %dma_start3A_45 = arith.constant 0 : i32
        %dma_start3A_46 = arith.constant 0 : i32
        %dma_start3A_47 = tpu.memref_slice %arg2[%dma_start3A_45, %dma_start3A_46] : memref<20224x128xf32, #tpu.memory_space<hbm>> -> memref<20224x128xf32, #tpu.memory_space<hbm>>
        %dma_start3A_48 = tpu.memref_slice %arg10[%dma_start3A_37] : memref<2x!tpu.dma_semaphore, #tpu.memory_space<semaphore_mem>> -> memref<1x!tpu.dma_semaphore, #tpu.memory_space<semaphore_mem>>
        %dma_start3A_49 = tpu.memref_squeeze %dma_start3A_48 : memref<1x!tpu.dma_semaphore, #tpu.memory_space<semaphore_mem>> -> memref<!tpu.dma_semaphore, #tpu.memory_space<semaphore_mem>>
        tpu.enqueue_indirect_dma source(%dma_start3A_47 : memref<20224x128xf32, #tpu.memory_space<hbm>>) target(%dma_start3A_41 : memref<128x128xf32, #tpu.memory_space<vmem>>) offsets(%dma_start3A_44 : memref<128xi32, #tpu.memory_space<vmem>>) semaphore(%dma_start3A_49 : memref<!tpu.dma_semaphore, #tpu.memory_space<semaphore_mem>>)
        %add3A_50 = arith.constant 1 : i32
        %add3A_51 = arith.addi %mul3A_34, %add3A_50 : i32
        %dma_start3A_52 = arith.constant 1 : i32
        %dma_start3A_53 = arith.constant 1 : i32
        %dma_start3A_54 = arith.constant 0 : i32
        %dma_start3A_55 = arith.constant 0 : i32
        %dma_start3A_56 = tpu.memref_slice %arg9[%dma_start3A_52, %dma_start3A_54, %dma_start3A_55] : memref<2x128x128xf32, #tpu.memory_space<vmem>> -> memref<1x128x128xf32, #tpu.memory_space<vmem>>
        %dma_start3A_57 = tpu.memref_squeeze %dma_start3A_56 : memref<1x128x128xf32, #tpu.memory_space<vmem>> -> memref<128x128xf32, #tpu.memory_space<vmem>>
        %dma_start3A_58 = arith.constant 0 : i32
        %dma_start3A_59 = tpu.memref_slice %arg11[%add3A_51, %dma_start3A_58] : memref<8x128xi32, #tpu.memory_space<vmem>> -> memref<1x128xi32, #tpu.memory_space<vmem>>
        %dma_start3A_60 = tpu.memref_squeeze %dma_start3A_59 : memref<1x128xi32, #tpu.memory_space<vmem>> -> memref<128xi32, #tpu.memory_space<vmem>>
        %dma_start3A_61 = arith.constant 0 : i32
        %dma_start3A_62 = arith.constant 0 : i32
        %dma_start3A_63 = tpu.memref_slice %arg2[%dma_start3A_61, %dma_start3A_62] : memref<20224x128xf32, #tpu.memory_space<hbm>> -> memref<20224x128xf32, #tpu.memory_space<hbm>>
        %dma_start3A_64 = tpu.memref_slice %arg10[%dma_start3A_53] : memref<2x!tpu.dma_semaphore, #tpu.memory_space<semaphore_mem>> -> memref<1x!tpu.dma_semaphore, #tpu.memory_space<semaphore_mem>>
        %dma_start3A_65 = tpu.memref_squeeze %dma_start3A_64 : memref<1x!tpu.dma_semaphore, #tpu.memory_space<semaphore_mem>> -> memref<!tpu.dma_semaphore, #tpu.memory_space<semaphore_mem>>
        tpu.enqueue_indirect_dma source(%dma_start3A_63 : memref<20224x128xf32, #tpu.memory_space<hbm>>) target(%dma_start3A_57 : memref<128x128xf32, #tpu.memory_space<vmem>>) offsets(%dma_start3A_60 : memref<128xi32, #tpu.memory_space<vmem>>) semaphore(%dma_start3A_65 : memref<!tpu.dma_semaphore, #tpu.memory_space<semaphore_mem>>)
        %dma_wait3A = arith.constant 0 : i32
        %dma_wait3A_66 = arith.constant 0 : i32
        %dma_wait3A_67 = arith.constant 0 : i32
        %dma_wait3A_68 = arith.constant 0 : i32
        %dma_wait3A_69 = tpu.memref_slice %arg9[%dma_wait3A, %dma_wait3A_67, %dma_wait3A_68] : memref<2x128x128xf32, #tpu.memory_space<vmem>> -> memref<1x128x128xf32, #tpu.memory_space<vmem>>
        %dma_wait3A_70 = tpu.memref_squeeze %dma_wait3A_69 : memref<1x128x128xf32, #tpu.memory_space<vmem>> -> memref<128x128xf32, #tpu.memory_space<vmem>>
        %dma_wait3A_71 = arith.constant 0 : i32
        %dma_wait3A_72 = tpu.memref_slice %arg11[%add3A_36, %dma_wait3A_71] : memref<8x128xi32, #tpu.memory_space<vmem>> -> memref<1x128xi32, #tpu.memory_space<vmem>>
        %dma_wait3A_73 = tpu.memref_squeeze %dma_wait3A_72 : memref<1x128xi32, #tpu.memory_space<vmem>> -> memref<128xi32, #tpu.memory_space<vmem>>
        %dma_wait3A_74 = arith.constant 0 : i32
        %dma_wait3A_75 = arith.constant 0 : i32
        %dma_wait3A_76 = tpu.memref_slice %arg2[%dma_wait3A_74, %dma_wait3A_75] : memref<20224x128xf32, #tpu.memory_space<hbm>> -> memref<20224x128xf32, #tpu.memory_space<hbm>>
        %dma_wait3A_77 = tpu.memref_slice %arg10[%dma_wait3A_66] : memref<2x!tpu.dma_semaphore, #tpu.memory_space<semaphore_mem>> -> memref<1x!tpu.dma_semaphore, #tpu.memory_space<semaphore_mem>>
        %dma_wait3A_78 = tpu.memref_squeeze %dma_wait3A_77 : memref<1x!tpu.dma_semaphore, #tpu.memory_space<semaphore_mem>> -> memref<!tpu.dma_semaphore, #tpu.memory_space<semaphore_mem>>
        tpu.wait_indirect_dma semaphore(%dma_wait3A_78 : memref<!tpu.dma_semaphore, #tpu.memory_space<semaphore_mem>>) src(%dma_wait3A_76 : memref<20224x128xf32, #tpu.memory_space<hbm>>) dst(%dma_wait3A_70 : memref<128x128xf32, #tpu.memory_space<vmem>>)
        %add3A_79 = arith.constant 0 : i32
        %add3A_80 = arith.addi %mul3A_34, %add3A_79 : i32
        %run_scoped3A = arith.constant 0 : i32
        "tpu.region"() ({
          %run_scoped3A_98 = tpu.sem_alloc : memref<!tpu.dma_semaphore, #tpu.memory_space<semaphore_mem>>
          %dma_start3A_99 = arith.constant 0 : i32
          %dma_start3A_100 = arith.constant 0 : i32
          %dma_start3A_101 = tpu.memref_slice %arg9[%run_scoped3A, %dma_start3A_99, %dma_start3A_100] : memref<2x128x128xf32, #tpu.memory_space<vmem>> -> memref<1x128x128xf32, #tpu.memory_space<vmem>>
          %dma_start3A_102 = tpu.memref_squeeze %dma_start3A_101 : memref<1x128x128xf32, #tpu.memory_space<vmem>> -> memref<128x128xf32, #tpu.memory_space<vmem>>
          %dma_start3A_103 = arith.constant 0 : i32
          %dma_start3A_104 = tpu.memref_slice %arg8[%add3A_80, %dma_start3A_103] : memref<8x128xi32, #tpu.memory_space<vmem>> -> memref<1x128xi32, #tpu.memory_space<vmem>>
          %dma_start3A_105 = tpu.memref_squeeze %dma_start3A_104 : memref<1x128xi32, #tpu.memory_space<vmem>> -> memref<128xi32, #tpu.memory_space<vmem>>
          %dma_start3A_106 = arith.constant 0 : i32
          %dma_start3A_107 = arith.constant 0 : i32
          %dma_start3A_108 = tpu.memref_slice %arg7[%dma_start3A_106, %dma_start3A_107] : memref<10112x128xf32, #tpu.memory_space<vmem_shared>> -> memref<10112x128xf32, #tpu.memory_space<vmem_shared>>
          tpu.enqueue_indirect_dma source(%dma_start3A_102 : memref<128x128xf32, #tpu.memory_space<vmem>>) target(%dma_start3A_108 : memref<10112x128xf32, #tpu.memory_space<vmem_shared>>) offsets(%dma_start3A_105 : memref<128xi32, #tpu.memory_space<vmem>>) semaphore(%run_scoped3A_98 : memref<!tpu.dma_semaphore, #tpu.memory_space<semaphore_mem>>) {add = true}
          %dma_wait3A_109 = arith.constant 0 : i32
          %dma_wait3A_110 = arith.constant 0 : i32
          %dma_wait3A_111 = tpu.memref_slice %arg9[%run_scoped3A, %dma_wait3A_109, %dma_wait3A_110] : memref<2x128x128xf32, #tpu.memory_space<vmem>> -> memref<1x128x128xf32, #tpu.memory_space<vmem>>
          %dma_wait3A_112 = tpu.memref_squeeze %dma_wait3A_111 : memref<1x128x128xf32, #tpu.memory_space<vmem>> -> memref<128x128xf32, #tpu.memory_space<vmem>>
          %dma_wait3A_113 = arith.constant 0 : i32
          %dma_wait3A_114 = tpu.memref_slice %arg8[%add3A_80, %dma_wait3A_113] : memref<8x128xi32, #tpu.memory_space<vmem>> -> memref<1x128xi32, #tpu.memory_space<vmem>>
          %dma_wait3A_115 = tpu.memref_squeeze %dma_wait3A_114 : memref<1x128xi32, #tpu.memory_space<vmem>> -> memref<128xi32, #tpu.memory_space<vmem>>
          %dma_wait3A_116 = arith.constant 0 : i32
          %dma_wait3A_117 = arith.constant 0 : i32
          %dma_wait3A_118 = tpu.memref_slice %arg7[%dma_wait3A_116, %dma_wait3A_117] : memref<10112x128xf32, #tpu.memory_space<vmem_shared>> -> memref<10112x128xf32, #tpu.memory_space<vmem_shared>>
          tpu.wait_indirect_dma semaphore(%run_scoped3A_98 : memref<!tpu.dma_semaphore, #tpu.memory_space<semaphore_mem>>) src(%dma_wait3A_112 : memref<128x128xf32, #tpu.memory_space<vmem>>) dst(%dma_wait3A_118 : memref<10112x128xf32, #tpu.memory_space<vmem_shared>>)
          tpu.yield
        }) : () -> ()
        %dma_wait3A_81 = arith.constant 1 : i32
        %dma_wait3A_82 = arith.constant 1 : i32
        %dma_wait3A_83 = arith.constant 0 : i32
        %dma_wait3A_84 = arith.constant 0 : i32
        %dma_wait3A_85 = tpu.memref_slice %arg9[%dma_wait3A_81, %dma_wait3A_83, %dma_wait3A_84] : memref<2x128x128xf32, #tpu.memory_space<vmem>> -> memref<1x128x128xf32, #tpu.memory_space<vmem>>
        %dma_wait3A_86 = tpu.memref_squeeze %dma_wait3A_85 : memref<1x128x128xf32, #tpu.memory_space<vmem>> -> memref<128x128xf32, #tpu.memory_space<vmem>>
        %dma_wait3A_87 = arith.constant 0 : i32
        %dma_wait3A_88 = tpu.memref_slice %arg11[%add3A_51, %dma_wait3A_87] : memref<8x128xi32, #tpu.memory_space<vmem>> -> memref<1x128xi32, #tpu.memory_space<vmem>>
        %dma_wait3A_89 = tpu.memref_squeeze %dma_wait3A_88 : memref<1x128xi32, #tpu.memory_space<vmem>> -> memref<128xi32, #tpu.memory_space<vmem>>
        %dma_wait3A_90 = arith.constant 0 : i32
        %dma_wait3A_91 = arith.constant 0 : i32
        %dma_wait3A_92 = tpu.memref_slice %arg2[%dma_wait3A_90, %dma_wait3A_91] : memref<20224x128xf32, #tpu.memory_space<hbm>> -> memref<20224x128xf32, #tpu.memory_space<hbm>>
        %dma_wait3A_93 = tpu.memref_slice %arg10[%dma_wait3A_82] : memref<2x!tpu.dma_semaphore, #tpu.memory_space<semaphore_mem>> -> memref<1x!tpu.dma_semaphore, #tpu.memory_space<semaphore_mem>>
        %dma_wait3A_94 = tpu.memref_squeeze %dma_wait3A_93 : memref<1x!tpu.dma_semaphore, #tpu.memory_space<semaphore_mem>> -> memref<!tpu.dma_semaphore, #tpu.memory_space<semaphore_mem>>
        tpu.wait_indirect_dma semaphore(%dma_wait3A_94 : memref<!tpu.dma_semaphore, #tpu.memory_space<semaphore_mem>>) src(%dma_wait3A_92 : memref<20224x128xf32, #tpu.memory_space<hbm>>) dst(%dma_wait3A_86 : memref<128x128xf32, #tpu.memory_space<vmem>>)
        %add3A_95 = arith.constant 1 : i32
        %add3A_96 = arith.addi %mul3A_34, %add3A_95 : i32
        %run_scoped3A_97 = arith.constant 1 : i32
        "tpu.region"() ({
          %run_scoped3A_98 = tpu.sem_alloc : memref<!tpu.dma_semaphore, #tpu.memory_space<semaphore_mem>>
          %dma_start3A_99 = arith.constant 0 : i32
          %dma_start3A_100 = arith.constant 0 : i32
          %dma_start3A_101 = tpu.memref_slice %arg9[%run_scoped3A_97, %dma_start3A_99, %dma_start3A_100] : memref<2x128x128xf32, #tpu.memory_space<vmem>> -> memref<1x128x128xf32, #tpu.memory_space<vmem>>
          %dma_start3A_102 = tpu.memref_squeeze %dma_start3A_101 : memref<1x128x128xf32, #tpu.memory_space<vmem>> -> memref<128x128xf32, #tpu.memory_space<vmem>>
          %dma_start3A_103 = arith.constant 0 : i32
          %dma_start3A_104 = tpu.memref_slice %arg8[%add3A_96, %dma_start3A_103] : memref<8x128xi32, #tpu.memory_space<vmem>> -> memref<1x128xi32, #tpu.memory_space<vmem>>
          %dma_start3A_105 = tpu.memref_squeeze %dma_start3A_104 : memref<1x128xi32, #tpu.memory_space<vmem>> -> memref<128xi32, #tpu.memory_space<vmem>>
          %dma_start3A_106 = arith.constant 0 : i32
          %dma_start3A_107 = arith.constant 0 : i32
          %dma_start3A_108 = tpu.memref_slice %arg7[%dma_start3A_106, %dma_start3A_107] : memref<10112x128xf32, #tpu.memory_space<vmem_shared>> -> memref<10112x128xf32, #tpu.memory_space<vmem_shared>>
          tpu.enqueue_indirect_dma source(%dma_start3A_102 : memref<128x128xf32, #tpu.memory_space<vmem>>) target(%dma_start3A_108 : memref<10112x128xf32, #tpu.memory_space<vmem_shared>>) offsets(%dma_start3A_105 : memref<128xi32, #tpu.memory_space<vmem>>) semaphore(%run_scoped3A_98 : memref<!tpu.dma_semaphore, #tpu.memory_space<semaphore_mem>>) {add = true}
          %dma_wait3A_109 = arith.constant 0 : i32
          %dma_wait3A_110 = arith.constant 0 : i32
          %dma_wait3A_111 = tpu.memref_slice %arg9[%run_scoped3A_97, %dma_wait3A_109, %dma_wait3A_110] : memref<2x128x128xf32, #tpu.memory_space<vmem>> -> memref<1x128x128xf32, #tpu.memory_space<vmem>>
          %dma_wait3A_112 = tpu.memref_squeeze %dma_wait3A_111 : memref<1x128x128xf32, #tpu.memory_space<vmem>> -> memref<128x128xf32, #tpu.memory_space<vmem>>
          %dma_wait3A_113 = arith.constant 0 : i32
          %dma_wait3A_114 = tpu.memref_slice %arg8[%add3A_96, %dma_wait3A_113] : memref<8x128xi32, #tpu.memory_space<vmem>> -> memref<1x128xi32, #tpu.memory_space<vmem>>
          %dma_wait3A_115 = tpu.memref_squeeze %dma_wait3A_114 : memref<1x128xi32, #tpu.memory_space<vmem>> -> memref<128xi32, #tpu.memory_space<vmem>>
          %dma_wait3A_116 = arith.constant 0 : i32
          %dma_wait3A_117 = arith.constant 0 : i32
          %dma_wait3A_118 = tpu.memref_slice %arg7[%dma_wait3A_116, %dma_wait3A_117] : memref<10112x128xf32, #tpu.memory_space<vmem_shared>> -> memref<10112x128xf32, #tpu.memory_space<vmem_shared>>
          tpu.wait_indirect_dma semaphore(%run_scoped3A_98 : memref<!tpu.dma_semaphore, #tpu.memory_space<semaphore_mem>>) src(%dma_wait3A_112 : memref<128x128xf32, #tpu.memory_space<vmem>>) dst(%dma_wait3A_118 : memref<10112x128xf32, #tpu.memory_space<vmem_shared>>)
          tpu.yield
        }) : () -> ()
      }
      %scan3A_31 = arith.constant 4 : i32
    }
    %barrier3A_19 = arith.constant 0 : index
    tpu.barrier barrier_id(%barrier3A_19)
    "tpu.region"() ({
      %run_scoped3A = tpu.sem_alloc : memref<!tpu.dma_semaphore, #tpu.memory_space<semaphore_mem>>
      %dma_start3A = arith.constant 0 : i32
      %dma_start3A_20 = tpu.memref_slice %arg6[%arg0, %mul3A_0, %dma_start3A] : memref<2x10112x128xf32, #tpu.memory_space<hbm>> -> memref<1x632x128xf32, #tpu.memory_space<hbm>>
      %dma_start3A_21 = tpu.memref_squeeze %dma_start3A_20 : memref<1x632x128xf32, #tpu.memory_space<hbm>> -> memref<632x128xf32, #tpu.memory_space<hbm>>
      %dma_start3A_22 = arith.constant 0 : i32
      %dma_start3A_23 = tpu.memref_slice %arg7[%mul3A_0, %dma_start3A_22] : memref<10112x128xf32, #tpu.memory_space<vmem_shared>> -> memref<632x128xf32, #tpu.memory_space<vmem_shared>>
      tpu.enqueue_dma source(%dma_start3A_23 : memref<632x128xf32, #tpu.memory_space<vmem_shared>>) target(%dma_start3A_21 : memref<632x128xf32, #tpu.memory_space<hbm>>) target_semaphore(%run_scoped3A : memref<!tpu.dma_semaphore, #tpu.memory_space<semaphore_mem>>)
      %dma_wait3A = arith.constant 0 : i32
      %dma_wait3A_24 = tpu.memref_slice %arg6[%arg0, %mul3A_0, %dma_wait3A] : memref<2x10112x128xf32, #tpu.memory_space<hbm>> -> memref<1x632x128xf32, #tpu.memory_space<hbm>>
      %dma_wait3A_25 = tpu.memref_squeeze %dma_wait3A_24 : memref<1x632x128xf32, #tpu.memory_space<hbm>> -> memref<632x128xf32, #tpu.memory_space<hbm>>
      %dma_wait3A_26 = arith.constant 0 : i32
      %dma_wait3A_27 = tpu.memref_slice %arg7[%mul3A_0, %dma_wait3A_26] : memref<10112x128xf32, #tpu.memory_space<vmem_shared>> -> memref<632x128xf32, #tpu.memory_space<vmem_shared>>
      tpu.wait_dma2 semaphore(%run_scoped3A : memref<!tpu.dma_semaphore, #tpu.memory_space<semaphore_mem>>) src(%dma_wait3A_27 : memref<632x128xf32, #tpu.memory_space<vmem_shared>>) dst(%dma_wait3A_25 : memref<632x128xf32, #tpu.memory_space<hbm>>)
      tpu.yield
    }) : () -> ()
    return
  }
}

#map = affine_map<(d0, d1) -> (0, 0)>
#map1 = affine_map<(d0, d1) -> (0, 0, 0, 0)>
#map2 = affine_map<(d0, d1) -> (0, 0, 0)>
module attributes {stable_mosaic.version = 14 : i64} {
  func.func @_agg_body(%arg0: i32, %arg1: i32, %arg2: memref<20224x128xf32, #tpu.memory_space<hbm>>, %arg3: memref<2560x128xi32, #tpu.memory_space<hbm>>, %arg4: memref<2560x128xi32, #tpu.memory_space<hbm>>, %arg5: memref<2x16x632x128xf32, #tpu.memory_space<hbm>>, %arg6: memref<2x10112x128xf32, #tpu.memory_space<hbm>>, %arg7: memref<10112x128xf32, #tpu.memory_space<vmem_shared>>, %arg8: memref<8x128xi32, #tpu.memory_space<vmem>>, %arg9: memref<2x128x128xf32, #tpu.memory_space<vmem>>, %arg10: memref<2x!tpu.dma_semaphore, #tpu.memory_space<semaphore_mem>>, %arg11: memref<8x128xi32, #tpu.memory_space<vmem>>) attributes {dimension_semantics = [#tpu.dimension_semantics<core_parallel>, #tpu.dimension_semantics<subcore_parallel>], iteration_bounds = array<i64: 2, 16>, scalar_prefetch = 0 : i64, scratch_operands = 5 : i64, tpu.core_type = #tpu.core_type<sc_vector_subcore>, window_params = [{transform_indices = #map}, {transform_indices = #map}, {transform_indices = #map}, {transform_indices = #map1}, {transform_indices = #map2}]} {
    %mul3A = arith.constant 632 : i32
    %mul3A_0 = arith.muli %arg1, %mul3A : i32
    "tpu.region"() ({
      %run_scoped3A = tpu.sem_alloc : memref<!tpu.dma_semaphore, #tpu.memory_space<semaphore_mem>>
      %dma_start3A = arith.constant 0 : i32
      %dma_start3A_20 = tpu.memref_slice %arg7[%mul3A_0, %dma_start3A] : memref<10112x128xf32, #tpu.memory_space<vmem_shared>> -> memref<632x128xf32, #tpu.memory_space<vmem_shared>>
      %dma_start3A_21 = arith.constant 0 : i32
      %dma_start3A_22 = arith.constant 0 : i32
      %dma_start3A_23 = tpu.memref_slice %arg5[%arg0, %arg1, %dma_start3A_21, %dma_start3A_22] : memref<2x16x632x128xf32, #tpu.memory_space<hbm>> -> memref<1x1x632x128xf32, #tpu.memory_space<hbm>>
      %dma_start3A_24 = tpu.memref_squeeze %dma_start3A_23 : memref<1x1x632x128xf32, #tpu.memory_space<hbm>> -> memref<632x128xf32, #tpu.memory_space<hbm>>
      tpu.enqueue_dma source(%dma_start3A_24 : memref<632x128xf32, #tpu.memory_space<hbm>>) target(%dma_start3A_20 : memref<632x128xf32, #tpu.memory_space<vmem_shared>>) target_semaphore(%run_scoped3A : memref<!tpu.dma_semaphore, #tpu.memory_space<semaphore_mem>>)
      %dma_wait3A = arith.constant 0 : i32
      %dma_wait3A_25 = tpu.memref_slice %arg7[%mul3A_0, %dma_wait3A] : memref<10112x128xf32, #tpu.memory_space<vmem_shared>> -> memref<632x128xf32, #tpu.memory_space<vmem_shared>>
      %dma_wait3A_26 = arith.constant 0 : i32
      %dma_wait3A_27 = arith.constant 0 : i32
      %dma_wait3A_28 = tpu.memref_slice %arg5[%arg0, %arg1, %dma_wait3A_26, %dma_wait3A_27] : memref<2x16x632x128xf32, #tpu.memory_space<hbm>> -> memref<1x1x632x128xf32, #tpu.memory_space<hbm>>
      %dma_wait3A_29 = tpu.memref_squeeze %dma_wait3A_28 : memref<1x1x632x128xf32, #tpu.memory_space<hbm>> -> memref<632x128xf32, #tpu.memory_space<hbm>>
      tpu.wait_dma2 semaphore(%run_scoped3A : memref<!tpu.dma_semaphore, #tpu.memory_space<semaphore_mem>>) src(%dma_wait3A_29 : memref<632x128xf32, #tpu.memory_space<hbm>>) dst(%dma_wait3A_25 : memref<632x128xf32, #tpu.memory_space<vmem_shared>>)
      tpu.yield
    }) : () -> ()
    %barrier3A = arith.constant 0 : index
    tpu.barrier barrier_id(%barrier3A)
    %eq3A = arith.constant 0 : i32
    %eq3A_1 = arith.cmpi eq, %arg0, %eq3A : i32
    %select_n3A = arith.constant 1 : i32
    %select_n3A_2 = arith.constant 19 : i32
    %select_n3A_3 = arith.select %eq3A_1, %select_n3A_2, %select_n3A : i32
    %mul3A_4 = arith.constant 152 : i32
    %mul3A_5 = arith.muli %arg1, %mul3A_4 : i32
    %mul3A_6 = arith.constant 8 : i32
    %mul3A_7 = arith.muli %arg1, %mul3A_6 : i32
    %add3A = arith.constant 2432 : i32
    %add3A_8 = arith.addi %add3A, %mul3A_7 : i32
    %select_n3A_9 = arith.select %eq3A_1, %mul3A_5, %add3A_8 : i32
    %while3A = arith.constant 0 : i32
    %while3A_10 = arith.constant 0 : i32
    %while3A_11 = arith.subi %select_n3A_3, %while3A_10 : i32
    %while3A_12 = arith.addi %while3A_10, %while3A_11 : i32
    %while3A_13 = arith.constant 1 : i32
    %while3A_14 = arith.divsi %while3A_11, %while3A_13 : i32
    %while3A_15 = arith.muli %while3A_14, %while3A_13 : i32
    %while3A_16 = arith.addi %while3A_10, %while3A_15 : i32
    %while3A_17 = arith.constant 1 : i32
    scf.for %while3A_20 = %while3A_10 to %while3A_16 step %while3A_17  : i32 {
      %mul3A_21 = arith.constant 8 : i32
      %mul3A_22 = arith.muli %while3A_20, %mul3A_21 : i32
      %add3A_23 = arith.addi %select_n3A_9, %mul3A_22 : i32
      "tpu.region"() ({
        %run_scoped3A = tpu.sem_alloc : memref<!tpu.dma_semaphore, #tpu.memory_space<semaphore_mem>>
        %dma_start3A = arith.constant 0 : i32
        %dma_start3A_32 = tpu.memref_slice %arg3[%add3A_23, %dma_start3A] : memref<2560x128xi32, #tpu.memory_space<hbm>> -> memref<8x128xi32, #tpu.memory_space<hbm>>
        %dma_start3A_33 = arith.constant 0 : i32
        %dma_start3A_34 = tpu.memref_slice %arg3[%add3A_23, %dma_start3A_33] : memref<2560x128xi32, #tpu.memory_space<hbm>> -> memref<8x128xi32, #tpu.memory_space<hbm>>
        tpu.enqueue_dma source(%dma_start3A_34 : memref<8x128xi32, #tpu.memory_space<hbm>>) target(%arg11 : memref<8x128xi32, #tpu.memory_space<vmem>>) target_semaphore(%run_scoped3A : memref<!tpu.dma_semaphore, #tpu.memory_space<semaphore_mem>>)
        %dma_wait3A = arith.constant 0 : i32
        %dma_wait3A_35 = tpu.memref_slice %arg3[%add3A_23, %dma_wait3A] : memref<2560x128xi32, #tpu.memory_space<hbm>> -> memref<8x128xi32, #tpu.memory_space<hbm>>
        %dma_wait3A_36 = arith.constant 0 : i32
        %dma_wait3A_37 = tpu.memref_slice %arg3[%add3A_23, %dma_wait3A_36] : memref<2560x128xi32, #tpu.memory_space<hbm>> -> memref<8x128xi32, #tpu.memory_space<hbm>>
        tpu.wait_dma2 semaphore(%run_scoped3A : memref<!tpu.dma_semaphore, #tpu.memory_space<semaphore_mem>>) src(%dma_wait3A_37 : memref<8x128xi32, #tpu.memory_space<hbm>>) dst(%arg11 : memref<8x128xi32, #tpu.memory_space<vmem>>)
        tpu.yield
      }) : () -> ()
      %mul3A_24 = arith.constant 8 : i32
      %mul3A_25 = arith.muli %while3A_20, %mul3A_24 : i32
      %add3A_26 = arith.addi %select_n3A_9, %mul3A_25 : i32
      "tpu.region"() ({
        %run_scoped3A = tpu.sem_alloc : memref<!tpu.dma_semaphore, #tpu.memory_space<semaphore_mem>>
        %dma_start3A = arith.constant 0 : i32
        %dma_start3A_32 = tpu.memref_slice %arg4[%add3A_26, %dma_start3A] : memref<2560x128xi32, #tpu.memory_space<hbm>> -> memref<8x128xi32, #tpu.memory_space<hbm>>
        %dma_start3A_33 = arith.constant 0 : i32
        %dma_start3A_34 = tpu.memref_slice %arg4[%add3A_26, %dma_start3A_33] : memref<2560x128xi32, #tpu.memory_space<hbm>> -> memref<8x128xi32, #tpu.memory_space<hbm>>
        tpu.enqueue_dma source(%dma_start3A_34 : memref<8x128xi32, #tpu.memory_space<hbm>>) target(%arg8 : memref<8x128xi32, #tpu.memory_space<vmem>>) target_semaphore(%run_scoped3A : memref<!tpu.dma_semaphore, #tpu.memory_space<semaphore_mem>>)
        %dma_wait3A = arith.constant 0 : i32
        %dma_wait3A_35 = tpu.memref_slice %arg4[%add3A_26, %dma_wait3A] : memref<2560x128xi32, #tpu.memory_space<hbm>> -> memref<8x128xi32, #tpu.memory_space<hbm>>
        %dma_wait3A_36 = arith.constant 0 : i32
        %dma_wait3A_37 = tpu.memref_slice %arg4[%add3A_26, %dma_wait3A_36] : memref<2560x128xi32, #tpu.memory_space<hbm>> -> memref<8x128xi32, #tpu.memory_space<hbm>>
        tpu.wait_dma2 semaphore(%run_scoped3A : memref<!tpu.dma_semaphore, #tpu.memory_space<semaphore_mem>>) src(%dma_wait3A_37 : memref<8x128xi32, #tpu.memory_space<hbm>>) dst(%arg8 : memref<8x128xi32, #tpu.memory_space<vmem>>)
        tpu.yield
      }) : () -> ()
      %scan3A = arith.constant 0 : i32
      %scan3A_27 = arith.constant 0 : i32
      %scan3A_28 = arith.constant 4 : i32
      %scan3A_29 = arith.addi %scan3A_27, %scan3A_28 : i32
      %scan3A_30 = arith.constant 1 : i32
      scf.for %scan3A_32 = %scan3A_27 to %scan3A_29 step %scan3A_30  : i32 {
        %mul3A_33 = arith.constant 2 : i32
        %mul3A_34 = arith.muli %scan3A_32, %mul3A_33 : i32
        %add3A_35 = arith.constant 0 : i32
        %add3A_36 = arith.addi %mul3A_34, %add3A_35 : i32
        %dma_start3A = arith.constant 0 : i32
        %dma_start3A_37 = arith.constant 0 : i32
        %dma_start3A_38 = arith.constant 0 : i32
        %dma_start3A_39 = arith.constant 0 : i32
        %dma_start3A_40 = tpu.memref_slice %arg9[%dma_start3A, %dma_start3A_38, %dma_start3A_39] : memref<2x128x128xf32, #tpu.memory_space<vmem>> -> memref<1x128x128xf32, #tpu.memory_space<vmem>>
        %dma_start3A_41 = tpu.memref_squeeze %dma_start3A_40 : memref<1x128x128xf32, #tpu.memory_space<vmem>> -> memref<128x128xf32, #tpu.memory_space<vmem>>
        %dma_start3A_42 = arith.constant 0 : i32
        %dma_start3A_43 = tpu.memref_slice %arg11[%add3A_36, %dma_start3A_42] : memref<8x128xi32, #tpu.memory_space<vmem>> -> memref<1x128xi32, #tpu.memory_space<vmem>>
        %dma_start3A_44 = tpu.memref_squeeze %dma_start3A_43 : memref<1x128xi32, #tpu.memory_space<vmem>> -> memref<128xi32, #tpu.memory_space<vmem>>
        %dma_start3A_45 = arith.constant 0 : i32
        %dma_start3A_46 = arith.constant 0 : i32
        %dma_start3A_47 = tpu.memref_slice %arg2[%dma_start3A_45, %dma_start3A_46] : memref<20224x128xf32, #tpu.memory_space<hbm>> -> memref<20224x128xf32, #tpu.memory_space<hbm>>
        %dma_start3A_48 = tpu.memref_slice %arg10[%dma_start3A_37] : memref<2x!tpu.dma_semaphore, #tpu.memory_space<semaphore_mem>> -> memref<1x!tpu.dma_semaphore, #tpu.memory_space<semaphore_mem>>
        %dma_start3A_49 = tpu.memref_squeeze %dma_start3A_48 : memref<1x!tpu.dma_semaphore, #tpu.memory_space<semaphore_mem>> -> memref<!tpu.dma_semaphore, #tpu.memory_space<semaphore_mem>>
        tpu.enqueue_indirect_dma source(%dma_start3A_47 : memref<20224x128xf32, #tpu.memory_space<hbm>>) target(%dma_start3A_41 : memref<128x128xf32, #tpu.memory_space<vmem>>) offsets(%dma_start3A_44 : memref<128xi32, #tpu.memory_space<vmem>>) semaphore(%dma_start3A_49 : memref<!tpu.dma_semaphore, #tpu.memory_space<semaphore_mem>>)
        %add3A_50 = arith.constant 1 : i32
        %add3A_51 = arith.addi %mul3A_34, %add3A_50 : i32
        %dma_start3A_52 = arith.constant 1 : i32
        %dma_start3A_53 = arith.constant 1 : i32
        %dma_start3A_54 = arith.constant 0 : i32
        %dma_start3A_55 = arith.constant 0 : i32
        %dma_start3A_56 = tpu.memref_slice %arg9[%dma_start3A_52, %dma_start3A_54, %dma_start3A_55] : memref<2x128x128xf32, #tpu.memory_space<vmem>> -> memref<1x128x128xf32, #tpu.memory_space<vmem>>
        %dma_start3A_57 = tpu.memref_squeeze %dma_start3A_56 : memref<1x128x128xf32, #tpu.memory_space<vmem>> -> memref<128x128xf32, #tpu.memory_space<vmem>>
        %dma_start3A_58 = arith.constant 0 : i32
        %dma_start3A_59 = tpu.memref_slice %arg11[%add3A_51, %dma_start3A_58] : memref<8x128xi32, #tpu.memory_space<vmem>> -> memref<1x128xi32, #tpu.memory_space<vmem>>
        %dma_start3A_60 = tpu.memref_squeeze %dma_start3A_59 : memref<1x128xi32, #tpu.memory_space<vmem>> -> memref<128xi32, #tpu.memory_space<vmem>>
        %dma_start3A_61 = arith.constant 0 : i32
        %dma_start3A_62 = arith.constant 0 : i32
        %dma_start3A_63 = tpu.memref_slice %arg2[%dma_start3A_61, %dma_start3A_62] : memref<20224x128xf32, #tpu.memory_space<hbm>> -> memref<20224x128xf32, #tpu.memory_space<hbm>>
        %dma_start3A_64 = tpu.memref_slice %arg10[%dma_start3A_53] : memref<2x!tpu.dma_semaphore, #tpu.memory_space<semaphore_mem>> -> memref<1x!tpu.dma_semaphore, #tpu.memory_space<semaphore_mem>>
        %dma_start3A_65 = tpu.memref_squeeze %dma_start3A_64 : memref<1x!tpu.dma_semaphore, #tpu.memory_space<semaphore_mem>> -> memref<!tpu.dma_semaphore, #tpu.memory_space<semaphore_mem>>
        tpu.enqueue_indirect_dma source(%dma_start3A_63 : memref<20224x128xf32, #tpu.memory_space<hbm>>) target(%dma_start3A_57 : memref<128x128xf32, #tpu.memory_space<vmem>>) offsets(%dma_start3A_60 : memref<128xi32, #tpu.memory_space<vmem>>) semaphore(%dma_start3A_65 : memref<!tpu.dma_semaphore, #tpu.memory_space<semaphore_mem>>)
        %dma_wait3A = arith.constant 0 : i32
        %dma_wait3A_66 = arith.constant 0 : i32
        %dma_wait3A_67 = arith.constant 0 : i32
        %dma_wait3A_68 = arith.constant 0 : i32
        %dma_wait3A_69 = tpu.memref_slice %arg9[%dma_wait3A, %dma_wait3A_67, %dma_wait3A_68] : memref<2x128x128xf32, #tpu.memory_space<vmem>> -> memref<1x128x128xf32, #tpu.memory_space<vmem>>
        %dma_wait3A_70 = tpu.memref_squeeze %dma_wait3A_69 : memref<1x128x128xf32, #tpu.memory_space<vmem>> -> memref<128x128xf32, #tpu.memory_space<vmem>>
        %dma_wait3A_71 = arith.constant 0 : i32
        %dma_wait3A_72 = tpu.memref_slice %arg11[%add3A_36, %dma_wait3A_71] : memref<8x128xi32, #tpu.memory_space<vmem>> -> memref<1x128xi32, #tpu.memory_space<vmem>>
        %dma_wait3A_73 = tpu.memref_squeeze %dma_wait3A_72 : memref<1x128xi32, #tpu.memory_space<vmem>> -> memref<128xi32, #tpu.memory_space<vmem>>
        %dma_wait3A_74 = arith.constant 0 : i32
        %dma_wait3A_75 = arith.constant 0 : i32
        %dma_wait3A_76 = tpu.memref_slice %arg2[%dma_wait3A_74, %dma_wait3A_75] : memref<20224x128xf32, #tpu.memory_space<hbm>> -> memref<20224x128xf32, #tpu.memory_space<hbm>>
        %dma_wait3A_77 = tpu.memref_slice %arg10[%dma_wait3A_66] : memref<2x!tpu.dma_semaphore, #tpu.memory_space<semaphore_mem>> -> memref<1x!tpu.dma_semaphore, #tpu.memory_space<semaphore_mem>>
        %dma_wait3A_78 = tpu.memref_squeeze %dma_wait3A_77 : memref<1x!tpu.dma_semaphore, #tpu.memory_space<semaphore_mem>> -> memref<!tpu.dma_semaphore, #tpu.memory_space<semaphore_mem>>
        tpu.wait_indirect_dma semaphore(%dma_wait3A_78 : memref<!tpu.dma_semaphore, #tpu.memory_space<semaphore_mem>>) src(%dma_wait3A_76 : memref<20224x128xf32, #tpu.memory_space<hbm>>) dst(%dma_wait3A_70 : memref<128x128xf32, #tpu.memory_space<vmem>>)
        %add3A_79 = arith.constant 0 : i32
        %add3A_80 = arith.addi %mul3A_34, %add3A_79 : i32
        %run_scoped3A = arith.constant 0 : i32
        "tpu.region"() ({
          %run_scoped3A_98 = tpu.sem_alloc : memref<!tpu.dma_semaphore, #tpu.memory_space<semaphore_mem>>
          %dma_start3A_99 = arith.constant 0 : i32
          %dma_start3A_100 = arith.constant 0 : i32
          %dma_start3A_101 = tpu.memref_slice %arg9[%run_scoped3A, %dma_start3A_99, %dma_start3A_100] : memref<2x128x128xf32, #tpu.memory_space<vmem>> -> memref<1x128x128xf32, #tpu.memory_space<vmem>>
          %dma_start3A_102 = tpu.memref_squeeze %dma_start3A_101 : memref<1x128x128xf32, #tpu.memory_space<vmem>> -> memref<128x128xf32, #tpu.memory_space<vmem>>
          %dma_start3A_103 = arith.constant 0 : i32
          %dma_start3A_104 = tpu.memref_slice %arg8[%add3A_80, %dma_start3A_103] : memref<8x128xi32, #tpu.memory_space<vmem>> -> memref<1x128xi32, #tpu.memory_space<vmem>>
          %dma_start3A_105 = tpu.memref_squeeze %dma_start3A_104 : memref<1x128xi32, #tpu.memory_space<vmem>> -> memref<128xi32, #tpu.memory_space<vmem>>
          %dma_start3A_106 = arith.constant 0 : i32
          %dma_start3A_107 = arith.constant 0 : i32
          %dma_start3A_108 = tpu.memref_slice %arg7[%dma_start3A_106, %dma_start3A_107] : memref<10112x128xf32, #tpu.memory_space<vmem_shared>> -> memref<10112x128xf32, #tpu.memory_space<vmem_shared>>
          tpu.enqueue_indirect_dma source(%dma_start3A_102 : memref<128x128xf32, #tpu.memory_space<vmem>>) target(%dma_start3A_108 : memref<10112x128xf32, #tpu.memory_space<vmem_shared>>) offsets(%dma_start3A_105 : memref<128xi32, #tpu.memory_space<vmem>>) semaphore(%run_scoped3A_98 : memref<!tpu.dma_semaphore, #tpu.memory_space<semaphore_mem>>) {add = true}
          %dma_wait3A_109 = arith.constant 0 : i32
          %dma_wait3A_110 = arith.constant 0 : i32
          %dma_wait3A_111 = tpu.memref_slice %arg9[%run_scoped3A, %dma_wait3A_109, %dma_wait3A_110] : memref<2x128x128xf32, #tpu.memory_space<vmem>> -> memref<1x128x128xf32, #tpu.memory_space<vmem>>
          %dma_wait3A_112 = tpu.memref_squeeze %dma_wait3A_111 : memref<1x128x128xf32, #tpu.memory_space<vmem>> -> memref<128x128xf32, #tpu.memory_space<vmem>>
          %dma_wait3A_113 = arith.constant 0 : i32
          %dma_wait3A_114 = tpu.memref_slice %arg8[%add3A_80, %dma_wait3A_113] : memref<8x128xi32, #tpu.memory_space<vmem>> -> memref<1x128xi32, #tpu.memory_space<vmem>>
          %dma_wait3A_115 = tpu.memref_squeeze %dma_wait3A_114 : memref<1x128xi32, #tpu.memory_space<vmem>> -> memref<128xi32, #tpu.memory_space<vmem>>
          %dma_wait3A_116 = arith.constant 0 : i32
          %dma_wait3A_117 = arith.constant 0 : i32
          %dma_wait3A_118 = tpu.memref_slice %arg7[%dma_wait3A_116, %dma_wait3A_117] : memref<10112x128xf32, #tpu.memory_space<vmem_shared>> -> memref<10112x128xf32, #tpu.memory_space<vmem_shared>>
          tpu.wait_indirect_dma semaphore(%run_scoped3A_98 : memref<!tpu.dma_semaphore, #tpu.memory_space<semaphore_mem>>) src(%dma_wait3A_112 : memref<128x128xf32, #tpu.memory_space<vmem>>) dst(%dma_wait3A_118 : memref<10112x128xf32, #tpu.memory_space<vmem_shared>>)
          tpu.yield
        }) : () -> ()
        %dma_wait3A_81 = arith.constant 1 : i32
        %dma_wait3A_82 = arith.constant 1 : i32
        %dma_wait3A_83 = arith.constant 0 : i32
        %dma_wait3A_84 = arith.constant 0 : i32
        %dma_wait3A_85 = tpu.memref_slice %arg9[%dma_wait3A_81, %dma_wait3A_83, %dma_wait3A_84] : memref<2x128x128xf32, #tpu.memory_space<vmem>> -> memref<1x128x128xf32, #tpu.memory_space<vmem>>
        %dma_wait3A_86 = tpu.memref_squeeze %dma_wait3A_85 : memref<1x128x128xf32, #tpu.memory_space<vmem>> -> memref<128x128xf32, #tpu.memory_space<vmem>>
        %dma_wait3A_87 = arith.constant 0 : i32
        %dma_wait3A_88 = tpu.memref_slice %arg11[%add3A_51, %dma_wait3A_87] : memref<8x128xi32, #tpu.memory_space<vmem>> -> memref<1x128xi32, #tpu.memory_space<vmem>>
        %dma_wait3A_89 = tpu.memref_squeeze %dma_wait3A_88 : memref<1x128xi32, #tpu.memory_space<vmem>> -> memref<128xi32, #tpu.memory_space<vmem>>
        %dma_wait3A_90 = arith.constant 0 : i32
        %dma_wait3A_91 = arith.constant 0 : i32
        %dma_wait3A_92 = tpu.memref_slice %arg2[%dma_wait3A_90, %dma_wait3A_91] : memref<20224x128xf32, #tpu.memory_space<hbm>> -> memref<20224x128xf32, #tpu.memory_space<hbm>>
        %dma_wait3A_93 = tpu.memref_slice %arg10[%dma_wait3A_82] : memref<2x!tpu.dma_semaphore, #tpu.memory_space<semaphore_mem>> -> memref<1x!tpu.dma_semaphore, #tpu.memory_space<semaphore_mem>>
        %dma_wait3A_94 = tpu.memref_squeeze %dma_wait3A_93 : memref<1x!tpu.dma_semaphore, #tpu.memory_space<semaphore_mem>> -> memref<!tpu.dma_semaphore, #tpu.memory_space<semaphore_mem>>
        tpu.wait_indirect_dma semaphore(%dma_wait3A_94 : memref<!tpu.dma_semaphore, #tpu.memory_space<semaphore_mem>>) src(%dma_wait3A_92 : memref<20224x128xf32, #tpu.memory_space<hbm>>) dst(%dma_wait3A_86 : memref<128x128xf32, #tpu.memory_space<vmem>>)
        %add3A_95 = arith.constant 1 : i32
        %add3A_96 = arith.addi %mul3A_34, %add3A_95 : i32
        %run_scoped3A_97 = arith.constant 1 : i32
        "tpu.region"() ({
          %run_scoped3A_98 = tpu.sem_alloc : memref<!tpu.dma_semaphore, #tpu.memory_space<semaphore_mem>>
          %dma_start3A_99 = arith.constant 0 : i32
          %dma_start3A_100 = arith.constant 0 : i32
          %dma_start3A_101 = tpu.memref_slice %arg9[%run_scoped3A_97, %dma_start3A_99, %dma_start3A_100] : memref<2x128x128xf32, #tpu.memory_space<vmem>> -> memref<1x128x128xf32, #tpu.memory_space<vmem>>
          %dma_start3A_102 = tpu.memref_squeeze %dma_start3A_101 : memref<1x128x128xf32, #tpu.memory_space<vmem>> -> memref<128x128xf32, #tpu.memory_space<vmem>>
          %dma_start3A_103 = arith.constant 0 : i32
          %dma_start3A_104 = tpu.memref_slice %arg8[%add3A_96, %dma_start3A_103] : memref<8x128xi32, #tpu.memory_space<vmem>> -> memref<1x128xi32, #tpu.memory_space<vmem>>
          %dma_start3A_105 = tpu.memref_squeeze %dma_start3A_104 : memref<1x128xi32, #tpu.memory_space<vmem>> -> memref<128xi32, #tpu.memory_space<vmem>>
          %dma_start3A_106 = arith.constant 0 : i32
          %dma_start3A_107 = arith.constant 0 : i32
          %dma_start3A_108 = tpu.memref_slice %arg7[%dma_start3A_106, %dma_start3A_107] : memref<10112x128xf32, #tpu.memory_space<vmem_shared>> -> memref<10112x128xf32, #tpu.memory_space<vmem_shared>>
          tpu.enqueue_indirect_dma source(%dma_start3A_102 : memref<128x128xf32, #tpu.memory_space<vmem>>) target(%dma_start3A_108 : memref<10112x128xf32, #tpu.memory_space<vmem_shared>>) offsets(%dma_start3A_105 : memref<128xi32, #tpu.memory_space<vmem>>) semaphore(%run_scoped3A_98 : memref<!tpu.dma_semaphore, #tpu.memory_space<semaphore_mem>>) {add = true}
          %dma_wait3A_109 = arith.constant 0 : i32
          %dma_wait3A_110 = arith.constant 0 : i32
          %dma_wait3A_111 = tpu.memref_slice %arg9[%run_scoped3A_97, %dma_wait3A_109, %dma_wait3A_110] : memref<2x128x128xf32, #tpu.memory_space<vmem>> -> memref<1x128x128xf32, #tpu.memory_space<vmem>>
          %dma_wait3A_112 = tpu.memref_squeeze %dma_wait3A_111 : memref<1x128x128xf32, #tpu.memory_space<vmem>> -> memref<128x128xf32, #tpu.memory_space<vmem>>
          %dma_wait3A_113 = arith.constant 0 : i32
          %dma_wait3A_114 = tpu.memref_slice %arg8[%add3A_96, %dma_wait3A_113] : memref<8x128xi32, #tpu.memory_space<vmem>> -> memref<1x128xi32, #tpu.memory_space<vmem>>
          %dma_wait3A_115 = tpu.memref_squeeze %dma_wait3A_114 : memref<1x128xi32, #tpu.memory_space<vmem>> -> memref<128xi32, #tpu.memory_space<vmem>>
          %dma_wait3A_116 = arith.constant 0 : i32
          %dma_wait3A_117 = arith.constant 0 : i32
          %dma_wait3A_118 = tpu.memref_slice %arg7[%dma_wait3A_116, %dma_wait3A_117] : memref<10112x128xf32, #tpu.memory_space<vmem_shared>> -> memref<10112x128xf32, #tpu.memory_space<vmem_shared>>
          tpu.wait_indirect_dma semaphore(%run_scoped3A_98 : memref<!tpu.dma_semaphore, #tpu.memory_space<semaphore_mem>>) src(%dma_wait3A_112 : memref<128x128xf32, #tpu.memory_space<vmem>>) dst(%dma_wait3A_118 : memref<10112x128xf32, #tpu.memory_space<vmem_shared>>)
          tpu.yield
        }) : () -> ()
      }
      %scan3A_31 = arith.constant 4 : i32
    }
    %while3A_18 = arith.constant 1 : i32
    scf.for %while3A_20 = %while3A_16 to %while3A_12 step %while3A_18  : i32 {
      %mul3A_21 = arith.constant 8 : i32
      %mul3A_22 = arith.muli %while3A_20, %mul3A_21 : i32
      %add3A_23 = arith.addi %select_n3A_9, %mul3A_22 : i32
      "tpu.region"() ({
        %run_scoped3A = tpu.sem_alloc : memref<!tpu.dma_semaphore, #tpu.memory_space<semaphore_mem>>
        %dma_start3A = arith.constant 0 : i32
        %dma_start3A_32 = tpu.memref_slice %arg3[%add3A_23, %dma_start3A] : memref<2560x128xi32, #tpu.memory_space<hbm>> -> memref<8x128xi32, #tpu.memory_space<hbm>>
        %dma_start3A_33 = arith.constant 0 : i32
        %dma_start3A_34 = tpu.memref_slice %arg3[%add3A_23, %dma_start3A_33] : memref<2560x128xi32, #tpu.memory_space<hbm>> -> memref<8x128xi32, #tpu.memory_space<hbm>>
        tpu.enqueue_dma source(%dma_start3A_34 : memref<8x128xi32, #tpu.memory_space<hbm>>) target(%arg11 : memref<8x128xi32, #tpu.memory_space<vmem>>) target_semaphore(%run_scoped3A : memref<!tpu.dma_semaphore, #tpu.memory_space<semaphore_mem>>)
        %dma_wait3A = arith.constant 0 : i32
        %dma_wait3A_35 = tpu.memref_slice %arg3[%add3A_23, %dma_wait3A] : memref<2560x128xi32, #tpu.memory_space<hbm>> -> memref<8x128xi32, #tpu.memory_space<hbm>>
        %dma_wait3A_36 = arith.constant 0 : i32
        %dma_wait3A_37 = tpu.memref_slice %arg3[%add3A_23, %dma_wait3A_36] : memref<2560x128xi32, #tpu.memory_space<hbm>> -> memref<8x128xi32, #tpu.memory_space<hbm>>
        tpu.wait_dma2 semaphore(%run_scoped3A : memref<!tpu.dma_semaphore, #tpu.memory_space<semaphore_mem>>) src(%dma_wait3A_37 : memref<8x128xi32, #tpu.memory_space<hbm>>) dst(%arg11 : memref<8x128xi32, #tpu.memory_space<vmem>>)
        tpu.yield
      }) : () -> ()
      %mul3A_24 = arith.constant 8 : i32
      %mul3A_25 = arith.muli %while3A_20, %mul3A_24 : i32
      %add3A_26 = arith.addi %select_n3A_9, %mul3A_25 : i32
      "tpu.region"() ({
        %run_scoped3A = tpu.sem_alloc : memref<!tpu.dma_semaphore, #tpu.memory_space<semaphore_mem>>
        %dma_start3A = arith.constant 0 : i32
        %dma_start3A_32 = tpu.memref_slice %arg4[%add3A_26, %dma_start3A] : memref<2560x128xi32, #tpu.memory_space<hbm>> -> memref<8x128xi32, #tpu.memory_space<hbm>>
        %dma_start3A_33 = arith.constant 0 : i32
        %dma_start3A_34 = tpu.memref_slice %arg4[%add3A_26, %dma_start3A_33] : memref<2560x128xi32, #tpu.memory_space<hbm>> -> memref<8x128xi32, #tpu.memory_space<hbm>>
        tpu.enqueue_dma source(%dma_start3A_34 : memref<8x128xi32, #tpu.memory_space<hbm>>) target(%arg8 : memref<8x128xi32, #tpu.memory_space<vmem>>) target_semaphore(%run_scoped3A : memref<!tpu.dma_semaphore, #tpu.memory_space<semaphore_mem>>)
        %dma_wait3A = arith.constant 0 : i32
        %dma_wait3A_35 = tpu.memref_slice %arg4[%add3A_26, %dma_wait3A] : memref<2560x128xi32, #tpu.memory_space<hbm>> -> memref<8x128xi32, #tpu.memory_space<hbm>>
        %dma_wait3A_36 = arith.constant 0 : i32
        %dma_wait3A_37 = tpu.memref_slice %arg4[%add3A_26, %dma_wait3A_36] : memref<2560x128xi32, #tpu.memory_space<hbm>> -> memref<8x128xi32, #tpu.memory_space<hbm>>
        tpu.wait_dma2 semaphore(%run_scoped3A : memref<!tpu.dma_semaphore, #tpu.memory_space<semaphore_mem>>) src(%dma_wait3A_37 : memref<8x128xi32, #tpu.memory_space<hbm>>) dst(%arg8 : memref<8x128xi32, #tpu.memory_space<vmem>>)
        tpu.yield
      }) : () -> ()
      %scan3A = arith.constant 0 : i32
      %scan3A_27 = arith.constant 0 : i32
      %scan3A_28 = arith.constant 4 : i32
      %scan3A_29 = arith.addi %scan3A_27, %scan3A_28 : i32
      %scan3A_30 = arith.constant 1 : i32
      scf.for %scan3A_32 = %scan3A_27 to %scan3A_29 step %scan3A_30  : i32 {
        %mul3A_33 = arith.constant 2 : i32
        %mul3A_34 = arith.muli %scan3A_32, %mul3A_33 : i32
        %add3A_35 = arith.constant 0 : i32
        %add3A_36 = arith.addi %mul3A_34, %add3A_35 : i32
        %dma_start3A = arith.constant 0 : i32
        %dma_start3A_37 = arith.constant 0 : i32
        %dma_start3A_38 = arith.constant 0 : i32
        %dma_start3A_39 = arith.constant 0 : i32
        %dma_start3A_40 = tpu.memref_slice %arg9[%dma_start3A, %dma_start3A_38, %dma_start3A_39] : memref<2x128x128xf32, #tpu.memory_space<vmem>> -> memref<1x128x128xf32, #tpu.memory_space<vmem>>
        %dma_start3A_41 = tpu.memref_squeeze %dma_start3A_40 : memref<1x128x128xf32, #tpu.memory_space<vmem>> -> memref<128x128xf32, #tpu.memory_space<vmem>>
        %dma_start3A_42 = arith.constant 0 : i32
        %dma_start3A_43 = tpu.memref_slice %arg11[%add3A_36, %dma_start3A_42] : memref<8x128xi32, #tpu.memory_space<vmem>> -> memref<1x128xi32, #tpu.memory_space<vmem>>
        %dma_start3A_44 = tpu.memref_squeeze %dma_start3A_43 : memref<1x128xi32, #tpu.memory_space<vmem>> -> memref<128xi32, #tpu.memory_space<vmem>>
        %dma_start3A_45 = arith.constant 0 : i32
        %dma_start3A_46 = arith.constant 0 : i32
        %dma_start3A_47 = tpu.memref_slice %arg2[%dma_start3A_45, %dma_start3A_46] : memref<20224x128xf32, #tpu.memory_space<hbm>> -> memref<20224x128xf32, #tpu.memory_space<hbm>>
        %dma_start3A_48 = tpu.memref_slice %arg10[%dma_start3A_37] : memref<2x!tpu.dma_semaphore, #tpu.memory_space<semaphore_mem>> -> memref<1x!tpu.dma_semaphore, #tpu.memory_space<semaphore_mem>>
        %dma_start3A_49 = tpu.memref_squeeze %dma_start3A_48 : memref<1x!tpu.dma_semaphore, #tpu.memory_space<semaphore_mem>> -> memref<!tpu.dma_semaphore, #tpu.memory_space<semaphore_mem>>
        tpu.enqueue_indirect_dma source(%dma_start3A_47 : memref<20224x128xf32, #tpu.memory_space<hbm>>) target(%dma_start3A_41 : memref<128x128xf32, #tpu.memory_space<vmem>>) offsets(%dma_start3A_44 : memref<128xi32, #tpu.memory_space<vmem>>) semaphore(%dma_start3A_49 : memref<!tpu.dma_semaphore, #tpu.memory_space<semaphore_mem>>)
        %add3A_50 = arith.constant 1 : i32
        %add3A_51 = arith.addi %mul3A_34, %add3A_50 : i32
        %dma_start3A_52 = arith.constant 1 : i32
        %dma_start3A_53 = arith.constant 1 : i32
        %dma_start3A_54 = arith.constant 0 : i32
        %dma_start3A_55 = arith.constant 0 : i32
        %dma_start3A_56 = tpu.memref_slice %arg9[%dma_start3A_52, %dma_start3A_54, %dma_start3A_55] : memref<2x128x128xf32, #tpu.memory_space<vmem>> -> memref<1x128x128xf32, #tpu.memory_space<vmem>>
        %dma_start3A_57 = tpu.memref_squeeze %dma_start3A_56 : memref<1x128x128xf32, #tpu.memory_space<vmem>> -> memref<128x128xf32, #tpu.memory_space<vmem>>
        %dma_start3A_58 = arith.constant 0 : i32
        %dma_start3A_59 = tpu.memref_slice %arg11[%add3A_51, %dma_start3A_58] : memref<8x128xi32, #tpu.memory_space<vmem>> -> memref<1x128xi32, #tpu.memory_space<vmem>>
        %dma_start3A_60 = tpu.memref_squeeze %dma_start3A_59 : memref<1x128xi32, #tpu.memory_space<vmem>> -> memref<128xi32, #tpu.memory_space<vmem>>
        %dma_start3A_61 = arith.constant 0 : i32
        %dma_start3A_62 = arith.constant 0 : i32
        %dma_start3A_63 = tpu.memref_slice %arg2[%dma_start3A_61, %dma_start3A_62] : memref<20224x128xf32, #tpu.memory_space<hbm>> -> memref<20224x128xf32, #tpu.memory_space<hbm>>
        %dma_start3A_64 = tpu.memref_slice %arg10[%dma_start3A_53] : memref<2x!tpu.dma_semaphore, #tpu.memory_space<semaphore_mem>> -> memref<1x!tpu.dma_semaphore, #tpu.memory_space<semaphore_mem>>
        %dma_start3A_65 = tpu.memref_squeeze %dma_start3A_64 : memref<1x!tpu.dma_semaphore, #tpu.memory_space<semaphore_mem>> -> memref<!tpu.dma_semaphore, #tpu.memory_space<semaphore_mem>>
        tpu.enqueue_indirect_dma source(%dma_start3A_63 : memref<20224x128xf32, #tpu.memory_space<hbm>>) target(%dma_start3A_57 : memref<128x128xf32, #tpu.memory_space<vmem>>) offsets(%dma_start3A_60 : memref<128xi32, #tpu.memory_space<vmem>>) semaphore(%dma_start3A_65 : memref<!tpu.dma_semaphore, #tpu.memory_space<semaphore_mem>>)
        %dma_wait3A = arith.constant 0 : i32
        %dma_wait3A_66 = arith.constant 0 : i32
        %dma_wait3A_67 = arith.constant 0 : i32
        %dma_wait3A_68 = arith.constant 0 : i32
        %dma_wait3A_69 = tpu.memref_slice %arg9[%dma_wait3A, %dma_wait3A_67, %dma_wait3A_68] : memref<2x128x128xf32, #tpu.memory_space<vmem>> -> memref<1x128x128xf32, #tpu.memory_space<vmem>>
        %dma_wait3A_70 = tpu.memref_squeeze %dma_wait3A_69 : memref<1x128x128xf32, #tpu.memory_space<vmem>> -> memref<128x128xf32, #tpu.memory_space<vmem>>
        %dma_wait3A_71 = arith.constant 0 : i32
        %dma_wait3A_72 = tpu.memref_slice %arg11[%add3A_36, %dma_wait3A_71] : memref<8x128xi32, #tpu.memory_space<vmem>> -> memref<1x128xi32, #tpu.memory_space<vmem>>
        %dma_wait3A_73 = tpu.memref_squeeze %dma_wait3A_72 : memref<1x128xi32, #tpu.memory_space<vmem>> -> memref<128xi32, #tpu.memory_space<vmem>>
        %dma_wait3A_74 = arith.constant 0 : i32
        %dma_wait3A_75 = arith.constant 0 : i32
        %dma_wait3A_76 = tpu.memref_slice %arg2[%dma_wait3A_74, %dma_wait3A_75] : memref<20224x128xf32, #tpu.memory_space<hbm>> -> memref<20224x128xf32, #tpu.memory_space<hbm>>
        %dma_wait3A_77 = tpu.memref_slice %arg10[%dma_wait3A_66] : memref<2x!tpu.dma_semaphore, #tpu.memory_space<semaphore_mem>> -> memref<1x!tpu.dma_semaphore, #tpu.memory_space<semaphore_mem>>
        %dma_wait3A_78 = tpu.memref_squeeze %dma_wait3A_77 : memref<1x!tpu.dma_semaphore, #tpu.memory_space<semaphore_mem>> -> memref<!tpu.dma_semaphore, #tpu.memory_space<semaphore_mem>>
        tpu.wait_indirect_dma semaphore(%dma_wait3A_78 : memref<!tpu.dma_semaphore, #tpu.memory_space<semaphore_mem>>) src(%dma_wait3A_76 : memref<20224x128xf32, #tpu.memory_space<hbm>>) dst(%dma_wait3A_70 : memref<128x128xf32, #tpu.memory_space<vmem>>)
        %add3A_79 = arith.constant 0 : i32
        %add3A_80 = arith.addi %mul3A_34, %add3A_79 : i32
        %run_scoped3A = arith.constant 0 : i32
        "tpu.region"() ({
          %run_scoped3A_98 = tpu.sem_alloc : memref<!tpu.dma_semaphore, #tpu.memory_space<semaphore_mem>>
          %dma_start3A_99 = arith.constant 0 : i32
          %dma_start3A_100 = arith.constant 0 : i32
          %dma_start3A_101 = tpu.memref_slice %arg9[%run_scoped3A, %dma_start3A_99, %dma_start3A_100] : memref<2x128x128xf32, #tpu.memory_space<vmem>> -> memref<1x128x128xf32, #tpu.memory_space<vmem>>
          %dma_start3A_102 = tpu.memref_squeeze %dma_start3A_101 : memref<1x128x128xf32, #tpu.memory_space<vmem>> -> memref<128x128xf32, #tpu.memory_space<vmem>>
          %dma_start3A_103 = arith.constant 0 : i32
          %dma_start3A_104 = tpu.memref_slice %arg8[%add3A_80, %dma_start3A_103] : memref<8x128xi32, #tpu.memory_space<vmem>> -> memref<1x128xi32, #tpu.memory_space<vmem>>
          %dma_start3A_105 = tpu.memref_squeeze %dma_start3A_104 : memref<1x128xi32, #tpu.memory_space<vmem>> -> memref<128xi32, #tpu.memory_space<vmem>>
          %dma_start3A_106 = arith.constant 0 : i32
          %dma_start3A_107 = arith.constant 0 : i32
          %dma_start3A_108 = tpu.memref_slice %arg7[%dma_start3A_106, %dma_start3A_107] : memref<10112x128xf32, #tpu.memory_space<vmem_shared>> -> memref<10112x128xf32, #tpu.memory_space<vmem_shared>>
          tpu.enqueue_indirect_dma source(%dma_start3A_102 : memref<128x128xf32, #tpu.memory_space<vmem>>) target(%dma_start3A_108 : memref<10112x128xf32, #tpu.memory_space<vmem_shared>>) offsets(%dma_start3A_105 : memref<128xi32, #tpu.memory_space<vmem>>) semaphore(%run_scoped3A_98 : memref<!tpu.dma_semaphore, #tpu.memory_space<semaphore_mem>>) {add = true}
          %dma_wait3A_109 = arith.constant 0 : i32
          %dma_wait3A_110 = arith.constant 0 : i32
          %dma_wait3A_111 = tpu.memref_slice %arg9[%run_scoped3A, %dma_wait3A_109, %dma_wait3A_110] : memref<2x128x128xf32, #tpu.memory_space<vmem>> -> memref<1x128x128xf32, #tpu.memory_space<vmem>>
          %dma_wait3A_112 = tpu.memref_squeeze %dma_wait3A_111 : memref<1x128x128xf32, #tpu.memory_space<vmem>> -> memref<128x128xf32, #tpu.memory_space<vmem>>
          %dma_wait3A_113 = arith.constant 0 : i32
          %dma_wait3A_114 = tpu.memref_slice %arg8[%add3A_80, %dma_wait3A_113] : memref<8x128xi32, #tpu.memory_space<vmem>> -> memref<1x128xi32, #tpu.memory_space<vmem>>
          %dma_wait3A_115 = tpu.memref_squeeze %dma_wait3A_114 : memref<1x128xi32, #tpu.memory_space<vmem>> -> memref<128xi32, #tpu.memory_space<vmem>>
          %dma_wait3A_116 = arith.constant 0 : i32
          %dma_wait3A_117 = arith.constant 0 : i32
          %dma_wait3A_118 = tpu.memref_slice %arg7[%dma_wait3A_116, %dma_wait3A_117] : memref<10112x128xf32, #tpu.memory_space<vmem_shared>> -> memref<10112x128xf32, #tpu.memory_space<vmem_shared>>
          tpu.wait_indirect_dma semaphore(%run_scoped3A_98 : memref<!tpu.dma_semaphore, #tpu.memory_space<semaphore_mem>>) src(%dma_wait3A_112 : memref<128x128xf32, #tpu.memory_space<vmem>>) dst(%dma_wait3A_118 : memref<10112x128xf32, #tpu.memory_space<vmem_shared>>)
          tpu.yield
        }) : () -> ()
        %dma_wait3A_81 = arith.constant 1 : i32
        %dma_wait3A_82 = arith.constant 1 : i32
        %dma_wait3A_83 = arith.constant 0 : i32
        %dma_wait3A_84 = arith.constant 0 : i32
        %dma_wait3A_85 = tpu.memref_slice %arg9[%dma_wait3A_81, %dma_wait3A_83, %dma_wait3A_84] : memref<2x128x128xf32, #tpu.memory_space<vmem>> -> memref<1x128x128xf32, #tpu.memory_space<vmem>>
        %dma_wait3A_86 = tpu.memref_squeeze %dma_wait3A_85 : memref<1x128x128xf32, #tpu.memory_space<vmem>> -> memref<128x128xf32, #tpu.memory_space<vmem>>
        %dma_wait3A_87 = arith.constant 0 : i32
        %dma_wait3A_88 = tpu.memref_slice %arg11[%add3A_51, %dma_wait3A_87] : memref<8x128xi32, #tpu.memory_space<vmem>> -> memref<1x128xi32, #tpu.memory_space<vmem>>
        %dma_wait3A_89 = tpu.memref_squeeze %dma_wait3A_88 : memref<1x128xi32, #tpu.memory_space<vmem>> -> memref<128xi32, #tpu.memory_space<vmem>>
        %dma_wait3A_90 = arith.constant 0 : i32
        %dma_wait3A_91 = arith.constant 0 : i32
        %dma_wait3A_92 = tpu.memref_slice %arg2[%dma_wait3A_90, %dma_wait3A_91] : memref<20224x128xf32, #tpu.memory_space<hbm>> -> memref<20224x128xf32, #tpu.memory_space<hbm>>
        %dma_wait3A_93 = tpu.memref_slice %arg10[%dma_wait3A_82] : memref<2x!tpu.dma_semaphore, #tpu.memory_space<semaphore_mem>> -> memref<1x!tpu.dma_semaphore, #tpu.memory_space<semaphore_mem>>
        %dma_wait3A_94 = tpu.memref_squeeze %dma_wait3A_93 : memref<1x!tpu.dma_semaphore, #tpu.memory_space<semaphore_mem>> -> memref<!tpu.dma_semaphore, #tpu.memory_space<semaphore_mem>>
        tpu.wait_indirect_dma semaphore(%dma_wait3A_94 : memref<!tpu.dma_semaphore, #tpu.memory_space<semaphore_mem>>) src(%dma_wait3A_92 : memref<20224x128xf32, #tpu.memory_space<hbm>>) dst(%dma_wait3A_86 : memref<128x128xf32, #tpu.memory_space<vmem>>)
        %add3A_95 = arith.constant 1 : i32
        %add3A_96 = arith.addi %mul3A_34, %add3A_95 : i32
        %run_scoped3A_97 = arith.constant 1 : i32
        "tpu.region"() ({
          %run_scoped3A_98 = tpu.sem_alloc : memref<!tpu.dma_semaphore, #tpu.memory_space<semaphore_mem>>
          %dma_start3A_99 = arith.constant 0 : i32
          %dma_start3A_100 = arith.constant 0 : i32
          %dma_start3A_101 = tpu.memref_slice %arg9[%run_scoped3A_97, %dma_start3A_99, %dma_start3A_100] : memref<2x128x128xf32, #tpu.memory_space<vmem>> -> memref<1x128x128xf32, #tpu.memory_space<vmem>>
          %dma_start3A_102 = tpu.memref_squeeze %dma_start3A_101 : memref<1x128x128xf32, #tpu.memory_space<vmem>> -> memref<128x128xf32, #tpu.memory_space<vmem>>
          %dma_start3A_103 = arith.constant 0 : i32
          %dma_start3A_104 = tpu.memref_slice %arg8[%add3A_96, %dma_start3A_103] : memref<8x128xi32, #tpu.memory_space<vmem>> -> memref<1x128xi32, #tpu.memory_space<vmem>>
          %dma_start3A_105 = tpu.memref_squeeze %dma_start3A_104 : memref<1x128xi32, #tpu.memory_space<vmem>> -> memref<128xi32, #tpu.memory_space<vmem>>
          %dma_start3A_106 = arith.constant 0 : i32
          %dma_start3A_107 = arith.constant 0 : i32
          %dma_start3A_108 = tpu.memref_slice %arg7[%dma_start3A_106, %dma_start3A_107] : memref<10112x128xf32, #tpu.memory_space<vmem_shared>> -> memref<10112x128xf32, #tpu.memory_space<vmem_shared>>
          tpu.enqueue_indirect_dma source(%dma_start3A_102 : memref<128x128xf32, #tpu.memory_space<vmem>>) target(%dma_start3A_108 : memref<10112x128xf32, #tpu.memory_space<vmem_shared>>) offsets(%dma_start3A_105 : memref<128xi32, #tpu.memory_space<vmem>>) semaphore(%run_scoped3A_98 : memref<!tpu.dma_semaphore, #tpu.memory_space<semaphore_mem>>) {add = true}
          %dma_wait3A_109 = arith.constant 0 : i32
          %dma_wait3A_110 = arith.constant 0 : i32
          %dma_wait3A_111 = tpu.memref_slice %arg9[%run_scoped3A_97, %dma_wait3A_109, %dma_wait3A_110] : memref<2x128x128xf32, #tpu.memory_space<vmem>> -> memref<1x128x128xf32, #tpu.memory_space<vmem>>
          %dma_wait3A_112 = tpu.memref_squeeze %dma_wait3A_111 : memref<1x128x128xf32, #tpu.memory_space<vmem>> -> memref<128x128xf32, #tpu.memory_space<vmem>>
          %dma_wait3A_113 = arith.constant 0 : i32
          %dma_wait3A_114 = tpu.memref_slice %arg8[%add3A_96, %dma_wait3A_113] : memref<8x128xi32, #tpu.memory_space<vmem>> -> memref<1x128xi32, #tpu.memory_space<vmem>>
          %dma_wait3A_115 = tpu.memref_squeeze %dma_wait3A_114 : memref<1x128xi32, #tpu.memory_space<vmem>> -> memref<128xi32, #tpu.memory_space<vmem>>
          %dma_wait3A_116 = arith.constant 0 : i32
          %dma_wait3A_117 = arith.constant 0 : i32
          %dma_wait3A_118 = tpu.memref_slice %arg7[%dma_wait3A_116, %dma_wait3A_117] : memref<10112x128xf32, #tpu.memory_space<vmem_shared>> -> memref<10112x128xf32, #tpu.memory_space<vmem_shared>>
          tpu.wait_indirect_dma semaphore(%run_scoped3A_98 : memref<!tpu.dma_semaphore, #tpu.memory_space<semaphore_mem>>) src(%dma_wait3A_112 : memref<128x128xf32, #tpu.memory_space<vmem>>) dst(%dma_wait3A_118 : memref<10112x128xf32, #tpu.memory_space<vmem_shared>>)
          tpu.yield
        }) : () -> ()
      }
      %scan3A_31 = arith.constant 4 : i32
    }
    %barrier3A_19 = arith.constant 0 : index
    tpu.barrier barrier_id(%barrier3A_19)
    "tpu.region"() ({
      %run_scoped3A = tpu.sem_alloc : memref<!tpu.dma_semaphore, #tpu.memory_space<semaphore_mem>>
      %dma_start3A = arith.constant 0 : i32
      %dma_start3A_20 = tpu.memref_slice %arg6[%arg0, %mul3A_0, %dma_start3A] : memref<2x10112x128xf32, #tpu.memory_space<hbm>> -> memref<1x632x128xf32, #tpu.memory_space<hbm>>
      %dma_start3A_21 = tpu.memref_squeeze %dma_start3A_20 : memref<1x632x128xf32, #tpu.memory_space<hbm>> -> memref<632x128xf32, #tpu.memory_space<hbm>>
      %dma_start3A_22 = arith.constant 0 : i32
      %dma_start3A_23 = tpu.memref_slice %arg7[%mul3A_0, %dma_start3A_22] : memref<10112x128xf32, #tpu.memory_space<vmem_shared>> -> memref<632x128xf32, #tpu.memory_space<vmem_shared>>
      tpu.enqueue_dma source(%dma_start3A_23 : memref<632x128xf32, #tpu.memory_space<vmem_shared>>) target(%dma_start3A_21 : memref<632x128xf32, #tpu.memory_space<hbm>>) target_semaphore(%run_scoped3A : memref<!tpu.dma_semaphore, #tpu.memory_space<semaphore_mem>>)
      %dma_wait3A = arith.constant 0 : i32
      %dma_wait3A_24 = tpu.memref_slice %arg6[%arg0, %mul3A_0, %dma_wait3A] : memref<2x10112x128xf32, #tpu.memory_space<hbm>> -> memref<1x632x128xf32, #tpu.memory_space<hbm>>
      %dma_wait3A_25 = tpu.memref_squeeze %dma_wait3A_24 : memref<1x632x128xf32, #tpu.memory_space<hbm>> -> memref<632x128xf32, #tpu.memory_space<hbm>>
      %dma_wait3A_26 = arith.constant 0 : i32
      %dma_wait3A_27 = tpu.memref_slice %arg7[%mul3A_0, %dma_wait3A_26] : memref<10112x128xf32, #tpu.memory_space<vmem_shared>> -> memref<632x128xf32, #tpu.memory_space<vmem_shared>>
      tpu.wait_dma2 semaphore(%run_scoped3A : memref<!tpu.dma_semaphore, #tpu.memory_space<semaphore_mem>>) src(%dma_wait3A_27 : memref<632x128xf32, #tpu.memory_space<vmem_shared>>) dst(%dma_wait3A_25 : memref<632x128xf32, #tpu.memory_space<hbm>>)
      tpu.yield
    }) : () -> ()
    return
  }
}

module attributes {stable_mosaic.version = 14 : i64} {
  func.func @_tc1_body(%arg0: memref<10112x1xi32, #tpu.memory_space<vmem>>, %arg1: memref<2x10112xf32, #tpu.memory_space<vmem>>, %arg2: memref<28x128xf32, #tpu.memory_space<vmem>>, %arg3: memref<128x128xf32, #tpu.memory_space<vmem>>, %arg4: memref<10112xf32, #tpu.memory_space<vmem>>, %arg5: memref<10112x128xf32, #tpu.memory_space<vmem>>) attributes {dimension_semantics = [], scalar_prefetch = 0 : i64, scratch_operands = 0 : i64, tpu.core_type = #tpu.core_type<tc>} {
    %get3A = arith.constant 0 : index
    %get3A_0 = arith.constant 0 : index
    %get3A_1 = vector.load %arg1[%get3A, %get3A_0] : memref<2x10112xf32, #tpu.memory_space<vmem>>, vector<1x10112xf32>
    %get3A_2 = vector.shape_cast %get3A_1 : vector<1x10112xf32> to vector<10112xf32>
    %get3A_3 = arith.constant 1 : index
    %get3A_4 = arith.constant 0 : index
    %get3A_5 = vector.load %arg1[%get3A_3, %get3A_4] : memref<2x10112xf32, #tpu.memory_space<vmem>>, vector<1x10112xf32>
    %get3A_6 = vector.shape_cast %get3A_5 : vector<1x10112xf32> to vector<10112xf32>
    %add3A = arith.addf %get3A_2, %get3A_6 : vector<10112xf32>
    %iota3A = tpu.iota {dimensions = array<i32: 1>} : vector<1x10112xi32>
    %iota3A_7 = vector.shape_cast %iota3A : vector<1x10112xi32> to vector<10112xi32>
    %lt3A = arith.constant 10000 : i32
    %lt3A_8 = vector.broadcast %lt3A : i32 to vector<10112xi32>
    %lt3A_9 = arith.cmpi slt, %iota3A_7, %lt3A_8 : vector<10112xi32>
    %add3A_10 = arith.constant 1.000000e+00 : f32
    %add3A_11 = vector.broadcast %add3A_10 : f32 to vector<10112xf32>
    %add3A_12 = arith.addf %add3A, %add3A_11 : vector<10112xf32>
    %rsqrt3A = math.rsqrt %add3A_12 : vector<10112xf32>
    %jit3A = arith.constant 0.000000e+00 : f32
    %broadcast_in_dim3A = vector.broadcast %jit3A : f32 to vector<10112xf32>
    %select_n3A = arith.select %lt3A_9, %rsqrt3A, %broadcast_in_dim3A : vector<10112xi1>, vector<10112xf32>
    %swap3A = arith.constant 0 : index
    %swap3A_13 = vector.load %arg4[%swap3A] : memref<10112xf32, #tpu.memory_space<vmem>>, vector<10112xf32>
    tpu.vector_store %arg4[%swap3A], %select_n3A {strides = array<i32>} : memref<10112xf32, #tpu.memory_space<vmem>>, vector<10112xf32>,
    %get3A_14 = arith.constant 0 : index
    %get3A_15 = arith.constant 0 : index
    %get3A_16 = vector.load %arg0[%get3A_14, %get3A_15] : memref<10112x1xi32, #tpu.memory_space<vmem>>, vector<10112x1xi32>
    %iota3A_17 = tpu.iota {dimensions = array<i32: 1>} : vector<10112x28xi32>
    %eq3A = vector.broadcast %get3A_16 : vector<10112x1xi32> to vector<10112x28xi32>
    %eq3A_18 = arith.cmpi eq, %eq3A, %iota3A_17 : vector<10112x28xi32>
    %get3A_19 = arith.constant 0 : index
    %get3A_20 = arith.constant 0 : index
    %get3A_21 = vector.load %arg2[%get3A_19, %get3A_20] : memref<28x128xf32, #tpu.memory_space<vmem>>, vector<28x128xf32>
    %get3A_22 = arith.constant 0 : index
    %get3A_23 = arith.constant 0 : index
    %get3A_24 = vector.load %arg3[%get3A_22, %get3A_23] : memref<128x128xf32, #tpu.memory_space<vmem>>, vector<128x128xf32>
    %dot_general3A = arith.constant dense<0.000000e+00> : vector<28x128xf32>
    %dot_general3A_25 = tpu.matmul %get3A_21, %get3A_24, %dot_general3A {dimension_numbers = #tpu.dot_dimension_numbers<[1], [0], [0], [1], [0, 0, 1, 1], [], []>, transpose_lhs_hint = false} : vector<28x128xf32>, vector<128x128xf32>, vector<28x128xf32> -> vector<28x128xf32>
    %convert_element_type3A = arith.extui %eq3A_18 : vector<10112x28xi1> to vector<10112x28xi32>
    %convert_element_type3A_26 = arith.sitofp %convert_element_type3A : vector<10112x28xi32> to vector<10112x28xf32>
    %dot_general3A_27 = arith.constant dense<0.000000e+00> : vector<10112x128xf32>
    %dot_general3A_28 = tpu.matmul %convert_element_type3A_26, %dot_general3A_25, %dot_general3A_27 {dimension_numbers = #tpu.dot_dimension_numbers<[1], [0], [0], [1], [0, 0, 1, 1], [], []>, precision = #tpu.contract_precision<fp32>, transpose_lhs_hint = false} : vector<10112x28xf32>, vector<28x128xf32>, vector<10112x128xf32> -> vector<10112x128xf32>
    %broadcast_in_dim3A_29 = vector.shape_cast %select_n3A : vector<10112xf32> to vector<10112x1xf32>
    %mul3A = vector.broadcast %broadcast_in_dim3A_29 : vector<10112x1xf32> to vector<10112x128xf32>
    %mul3A_30 = arith.mulf %mul3A, %dot_general3A_28 : vector<10112x128xf32>
    %swap3A_31 = arith.constant 0 : index
    %swap3A_32 = arith.constant 0 : index
    %swap3A_33 = vector.load %arg5[%swap3A_31, %swap3A_32] : memref<10112x128xf32, #tpu.memory_space<vmem>>, vector<10112x128xf32>
    tpu.vector_store %arg5[%swap3A_31, %swap3A_32], %mul3A_30 {strides = array<i32>} : memref<10112x128xf32, #tpu.memory_space<vmem>>, vector<10112x128xf32>,
    return
  }
}

module attributes {stable_mosaic.version = 14 : i64} {
  func.func @_tc_mid_body(%arg0: memref<2x10112x128xf32, #tpu.memory_space<vmem>>, %arg1: memref<10112x128xf32, #tpu.memory_space<vmem>>, %arg2: memref<10112xf32, #tpu.memory_space<vmem>>, %arg3: memref<128xf32, #tpu.memory_space<vmem>>, %arg4: memref<128x128xf32, #tpu.memory_space<vmem>>, %arg5: memref<10112x128xf32, #tpu.memory_space<vmem>>) attributes {dimension_semantics = [], scalar_prefetch = 0 : i64, scratch_operands = 0 : i64, tpu.core_type = #tpu.core_type<tc>} {
    %get3A = arith.constant 0 : index
    %get3A_0 = vector.load %arg2[%get3A] : memref<10112xf32, #tpu.memory_space<vmem>>, vector<10112xf32>
    %get3A_1 = arith.constant 0 : index
    %get3A_2 = arith.constant 0 : index
    %get3A_3 = arith.constant 0 : index
    %get3A_4 = vector.load %arg0[%get3A_1, %get3A_2, %get3A_3] : memref<2x10112x128xf32, #tpu.memory_space<vmem>>, vector<1x10112x128xf32>
    %get3A_5 = vector.shape_cast %get3A_4 : vector<1x10112x128xf32> to vector<10112x128xf32>
    %get3A_6 = arith.constant 1 : index
    %get3A_7 = arith.constant 0 : index
    %get3A_8 = arith.constant 0 : index
    %get3A_9 = vector.load %arg0[%get3A_6, %get3A_7, %get3A_8] : memref<2x10112x128xf32, #tpu.memory_space<vmem>>, vector<1x10112x128xf32>
    %get3A_10 = vector.shape_cast %get3A_9 : vector<1x10112x128xf32> to vector<10112x128xf32>
    %add3A = arith.addf %get3A_5, %get3A_10 : vector<10112x128xf32>
    %get3A_11 = arith.constant 0 : index
    %get3A_12 = arith.constant 0 : index
    %get3A_13 = vector.load %arg1[%get3A_11, %get3A_12] : memref<10112x128xf32, #tpu.memory_space<vmem>>, vector<10112x128xf32>
    %add3A_14 = arith.addf %add3A, %get3A_13 : vector<10112x128xf32>
    %broadcast_in_dim3A = vector.shape_cast %get3A_0 : vector<10112xf32> to vector<10112x1xf32>
    %mul3A = vector.broadcast %broadcast_in_dim3A : vector<10112x1xf32> to vector<10112x128xf32>
    %mul3A_15 = arith.mulf %mul3A, %add3A_14 : vector<10112x128xf32>
    %get3A_16 = arith.constant 0 : index
    %get3A_17 = vector.load %arg3[%get3A_16] : memref<128xf32, #tpu.memory_space<vmem>>, vector<128xf32>
    %broadcast_in_dim3A_18 = vector.shape_cast %get3A_17 : vector<128xf32> to vector<1x128xf32>
    %add3A_19 = vector.broadcast %broadcast_in_dim3A_18 : vector<1x128xf32> to vector<10112x128xf32>
    %add3A_20 = arith.addf %mul3A_15, %add3A_19 : vector<10112x128xf32>
    %max3A = arith.constant 0.000000e+00 : f32
    %max3A_21 = vector.broadcast %max3A : f32 to vector<10112x128xf32>
    %max3A_22 = arith.maximumf %add3A_20, %max3A_21 : vector<10112x128xf32>
    %broadcast_in_dim3A_23 = vector.shape_cast %get3A_0 : vector<10112xf32> to vector<10112x1xf32>
    %get3A_24 = arith.constant 0 : index
    %get3A_25 = arith.constant 0 : index
    %get3A_26 = vector.load %arg4[%get3A_24, %get3A_25] : memref<128x128xf32, #tpu.memory_space<vmem>>, vector<128x128xf32>
    %dot_general3A = arith.constant dense<0.000000e+00> : vector<10112x128xf32>
    %dot_general3A_27 = tpu.matmul %max3A_22, %get3A_26, %dot_general3A {dimension_numbers = #tpu.dot_dimension_numbers<[1], [0], [0], [1], [0, 0, 1, 1], [], []>, transpose_lhs_hint = false} : vector<10112x128xf32>, vector<128x128xf32>, vector<10112x128xf32> -> vector<10112x128xf32>
    %mul3A_28 = vector.broadcast %broadcast_in_dim3A_23 : vector<10112x1xf32> to vector<10112x128xf32>
    %mul3A_29 = arith.mulf %mul3A_28, %dot_general3A_27 : vector<10112x128xf32>
    %swap3A = arith.constant 0 : index
    %swap3A_30 = arith.constant 0 : index
    %swap3A_31 = vector.load %arg5[%swap3A, %swap3A_30] : memref<10112x128xf32, #tpu.memory_space<vmem>>, vector<10112x128xf32>
    tpu.vector_store %arg5[%swap3A, %swap3A_30], %mul3A_29 {strides = array<i32>} : memref<10112x128xf32, #tpu.memory_space<vmem>>, vector<10112x128xf32>,
    return
  }
}

module attributes {stable_mosaic.version = 14 : i64} {
  func.func @_tc4_body(%arg0: memref<2x10112x128xf32, #tpu.memory_space<vmem>>, %arg1: memref<10112x128xf32, #tpu.memory_space<vmem>>, %arg2: memref<10112xf32, #tpu.memory_space<vmem>>, %arg3: memref<128xf32, #tpu.memory_space<vmem>>, %arg4: memref<10112xi32, #tpu.memory_space<vmem>>, %arg5: memref<128x128xf32, #tpu.memory_space<vmem>>, %arg6: memref<128xf32, #tpu.memory_space<vmem>>, %arg7: memref<128x1xf32, #tpu.memory_space<vmem>>, %arg8: memref<1xf32, #tpu.memory_space<vmem>>, %arg9: memref<128x1xf32, #tpu.memory_space<vmem>>) attributes {dimension_semantics = [], scalar_prefetch = 0 : i64, scratch_operands = 0 : i64, tpu.core_type = #tpu.core_type<tc>} {
    %get3A = arith.constant 0 : index
    %get3A_0 = vector.load %arg2[%get3A] : memref<10112xf32, #tpu.memory_space<vmem>>, vector<10112xf32>
    %get3A_1 = arith.constant 0 : index
    %get3A_2 = arith.constant 0 : index
    %get3A_3 = arith.constant 0 : index
    %get3A_4 = vector.load %arg0[%get3A_1, %get3A_2, %get3A_3] : memref<2x10112x128xf32, #tpu.memory_space<vmem>>, vector<1x10112x128xf32>
    %get3A_5 = vector.shape_cast %get3A_4 : vector<1x10112x128xf32> to vector<10112x128xf32>
    %get3A_6 = arith.constant 1 : index
    %get3A_7 = arith.constant 0 : index
    %get3A_8 = arith.constant 0 : index
    %get3A_9 = vector.load %arg0[%get3A_6, %get3A_7, %get3A_8] : memref<2x10112x128xf32, #tpu.memory_space<vmem>>, vector<1x10112x128xf32>
    %get3A_10 = vector.shape_cast %get3A_9 : vector<1x10112x128xf32> to vector<10112x128xf32>
    %add3A = arith.addf %get3A_5, %get3A_10 : vector<10112x128xf32>
    %get3A_11 = arith.constant 0 : index
    %get3A_12 = arith.constant 0 : index
    %get3A_13 = vector.load %arg1[%get3A_11, %get3A_12] : memref<10112x128xf32, #tpu.memory_space<vmem>>, vector<10112x128xf32>
    %add3A_14 = arith.addf %add3A, %get3A_13 : vector<10112x128xf32>
    %broadcast_in_dim3A = vector.shape_cast %get3A_0 : vector<10112xf32> to vector<10112x1xf32>
    %mul3A = vector.broadcast %broadcast_in_dim3A : vector<10112x1xf32> to vector<10112x128xf32>
    %mul3A_15 = arith.mulf %mul3A, %add3A_14 : vector<10112x128xf32>
    %get3A_16 = arith.constant 0 : index
    %get3A_17 = vector.load %arg3[%get3A_16] : memref<128xf32, #tpu.memory_space<vmem>>, vector<128xf32>
    %broadcast_in_dim3A_18 = vector.shape_cast %get3A_17 : vector<128xf32> to vector<1x128xf32>
    %add3A_19 = vector.broadcast %broadcast_in_dim3A_18 : vector<1x128xf32> to vector<10112x128xf32>
    %add3A_20 = arith.addf %mul3A_15, %add3A_19 : vector<10112x128xf32>
    %max3A = arith.constant 0.000000e+00 : f32
    %max3A_21 = vector.broadcast %max3A : f32 to vector<10112x128xf32>
    %max3A_22 = arith.maximumf %add3A_20, %max3A_21 : vector<10112x128xf32>
    %iota3A = tpu.iota {dimensions = array<i32: 0>} : vector<128x10112xi32>
    %get3A_23 = arith.constant 0 : index
    %get3A_24 = vector.load %arg4[%get3A_23] : memref<10112xi32, #tpu.memory_space<vmem>>, vector<10112xi32>
    %broadcast_in_dim3A_25 = vector.shape_cast %get3A_24 : vector<10112xi32> to vector<1x10112xi32>
    %eq3A = vector.broadcast %broadcast_in_dim3A_25 : vector<1x10112xi32> to vector<128x10112xi32>
    %eq3A_26 = arith.cmpi eq, %iota3A, %eq3A : vector<128x10112xi32>
    %convert_element_type3A = arith.extui %eq3A_26 : vector<128x10112xi1> to vector<128x10112xi32>
    %convert_element_type3A_27 = arith.sitofp %convert_element_type3A : vector<128x10112xi32> to vector<128x10112xf32>
    %dot_general3A = arith.constant dense<0.000000e+00> : vector<128x128xf32>
    %dot_general3A_28 = tpu.matmul %convert_element_type3A_27, %max3A_22, %dot_general3A {dimension_numbers = #tpu.dot_dimension_numbers<[1], [0], [0], [1], [0, 0, 1, 1], [], []>, precision = #tpu.contract_precision<fp32>, transpose_lhs_hint = false} : vector<128x10112xf32>, vector<10112x128xf32>, vector<128x128xf32> -> vector<128x128xf32>
    %get3A_29 = arith.constant 0 : index
    %get3A_30 = arith.constant 0 : index
    %get3A_31 = vector.load %arg5[%get3A_29, %get3A_30] : memref<128x128xf32, #tpu.memory_space<vmem>>, vector<128x128xf32>
    %dot_general3A_32 = arith.constant dense<0.000000e+00> : vector<128x128xf32>
    %dot_general3A_33 = tpu.matmul %dot_general3A_28, %get3A_31, %dot_general3A_32 {dimension_numbers = #tpu.dot_dimension_numbers<[1], [0], [0], [1], [0, 0, 1, 1], [], []>, transpose_lhs_hint = false} : vector<128x128xf32>, vector<128x128xf32>, vector<128x128xf32> -> vector<128x128xf32>
    %get3A_34 = arith.constant 0 : index
    %get3A_35 = vector.load %arg6[%get3A_34] : memref<128xf32, #tpu.memory_space<vmem>>, vector<128xf32>
    %broadcast_in_dim3A_36 = vector.shape_cast %get3A_35 : vector<128xf32> to vector<1x128xf32>
    %add3A_37 = vector.broadcast %broadcast_in_dim3A_36 : vector<1x128xf32> to vector<128x128xf32>
    %add3A_38 = arith.addf %dot_general3A_33, %add3A_37 : vector<128x128xf32>
    %max3A_39 = arith.constant 0.000000e+00 : f32
    %max3A_40 = vector.broadcast %max3A_39 : f32 to vector<128x128xf32>
    %max3A_41 = arith.maximumf %add3A_38, %max3A_40 : vector<128x128xf32>
    %get3A_42 = arith.constant 0 : index
    %get3A_43 = arith.constant 0 : index
    %get3A_44 = vector.load %arg7[%get3A_42, %get3A_43] : memref<128x1xf32, #tpu.memory_space<vmem>>, vector<128x1xf32>
    %dot_general3A_45 = arith.constant dense<0.000000e+00> : vector<128x1xf32>
    %dot_general3A_46 = tpu.matmul %max3A_41, %get3A_44, %dot_general3A_45 {dimension_numbers = #tpu.dot_dimension_numbers<[1], [0], [0], [1], [0, 0, 1, 1], [], []>, transpose_lhs_hint = false} : vector<128x128xf32>, vector<128x1xf32>, vector<128x1xf32> -> vector<128x1xf32>
    %get3A_47 = arith.constant 0 : index
    %get3A_48 = vector.load %arg8[%get3A_47] : memref<1xf32, #tpu.memory_space<vmem>>, vector<1xf32>
    %broadcast_in_dim3A_49 = vector.shape_cast %get3A_48 : vector<1xf32> to vector<1x1xf32>
    %add3A_50 = vector.broadcast %broadcast_in_dim3A_49 : vector<1x1xf32> to vector<128x1xf32>
    %add3A_51 = arith.addf %dot_general3A_46, %add3A_50 : vector<128x1xf32>
    %swap3A = arith.constant 0 : index
    %swap3A_52 = arith.constant 0 : index
    %swap3A_53 = vector.load %arg9[%swap3A, %swap3A_52] : memref<128x1xf32, #tpu.memory_space<vmem>>, vector<128x1xf32>
    tpu.vector_store %arg9[%swap3A, %swap3A_52], %add3A_51 {strides = array<i32>} : memref<128x1xf32, #tpu.memory_space<vmem>>, vector<128x1xf32>,
    return
  }
}

</mosaic_0001>

<sc_bundles>
// kernel: kernel.10.cloned.1.call-start
scs
__scs_entry_jumppad:
0x0: {  	(pc) =	sbr.rel $0x88, $3  }
0x1: {  	(tag) =	ssettag $0x0;
	lr =	simm.s32 $0x1  }
0x2: {  	[smem:$0x3F93] =	sst lr;
	_ =	strace $0xD0000000  }
0x3: {  	_ = 	snop  }
0x4: {  	_ = 	snop  }
0x5: {  	_ = 	snop  }
0x6: {  	_ = 	snop  }
0x7: {  	_ = 	snop  }
__scs_overlays_trampoline_lowered:
0x8: {  	[smem:$0x3FA2] =	sst s0  }
0x9: {  	[smem:$0x3FA3] =	sst s1  }
0xa: {  	[smem:$0x3FA4] =	sst s2  }
0xb: {  	[smem:$0x3FA5] =	sst s3  }
0xc: {  	[smem:$0x3FA6] =	sst s4  }
0xd: {  	[smem:$0x3FA7] =	sst s5  }
0xe: {  	[smem:$0x3FA8] =	sst s6  }
0xf: {  	[smem:$0x3FA9] =	sst s7  }
0x10: {  	[smem:$0x3FAA] =	sst s8  }
0x11: {  	[smem:$0x3FAB] =	sst s9;
	s0 =	simm.s32 @!p0 $0x0  }
0x12: {  	s1 =	sld [smem:$0x3F91];
	s0 =	simm.s32 @p0 $0x1  }
0x13: {  	[smem:$0x3FAC] =	sst s0;
	s0 =	simm.s32 @!p1 $0x0  }
0x14: {  	s2 =	sld [smem:$0x3F90];
	s0 =	simm.s32 @p1 $0x1  }
0x15: {  	[smem:$0x3FAD] =	sst s0;
	s0 =	simm.s32 @!p2 $0x0  }
0x16: {  	s3 =	sld [smem:$0x3FDB];
	s0 =	simm.s32 @p2 $0x1  }
0x17: {  	s4 =	simm.s32 $0x1BF5;
	[smem:$0x3FAF] =	sst s0  }
0x18: {  	s0 =	sld [smem:$0x3F92];
	_ =	swait.ge [sflag:s4], $0x0  }
0x19: {  	s7 =	sld [smem:$0x3F93]  }
0x1a: {  	s8 =	sadd.s32 $0xFFFFE003, lr  }
0x1b: {  	s9 =	sadd.s32 $0xFFFFFEF7, lr;
	s5 =	simm.s32 $0xFFFFFFFF;
	p2 =	slt.u32 s8, $0xFFFFF086  }
0x1c: {  	p1 =	slt.u32 s9, $0xF7A;
	s5 =	simm.s32 @!p2 $0x0  }
0x1d: {  	s5 =	simm.s32 @p1 $0x1;
	p0 =	seq.s32 s7, s2  }
0x1e: {  	s7 =	smul.u32 @!p0 $0xF7A, s2;
	p2 =	seq.s32 @!p0 s5, $0x0  }
0x1f: {  	s9 =	smul.u32 $0xF7A, s1;
	s8 =	simm.s32 @!p0 $0x1BF5;
	p2 =	por !p2, p0  }
0x20: {  	[sflag:s8] =	ssyncset.s32 @!p0 $0xFFFFF086;
	s6 =	sadd.s32 @!p0 s3, s7;
	s7 =	simm.s32 @!p0 $0x108  }
0x21: {  	s3 =	sadd.s32 s3, s9;
	s6 =	sadd.s32 @!p0 $0x88, s6;
	s7 =	simm.s32 @p2 $0x1082  }
0x22: {  	[simem:s7], [sflag:s8] =	dma.local @!p0 [hbm:s6], $0xF7A  }
0x23: {  	s9 =	sor.u32 $0xD0000000, s2;
	s6 =	simm.s32 $0x108;
	_ =	swait.ge @!p0 [sflag:s8], $0x0  }
0x24: {  	s3 =	sadd.s32 $0x88, s3;
	s6 =	simm.s32 @!p1 $0x1082;
	[sflag:s4] =	ssyncset.s32 $0xFFFFF086  }
0x25: {  	[simem:s6], [sflag:s4] =	dma.local [hbm:s3], $0xF7A  }
0x26: {  	[smem:$0x3F93] =	sst s1;
	(tag) =	ssettag s2;
	_ =	strace s9  }
0x27: {  	s1 =	sld [smem:$0x3FA3]  }
0x28: {  	s2 =	sld [smem:$0x3FA4]  }
0x29: {  	s4 =	sld [smem:$0x3FA6]  }
0x2a: {  	p0 =	seq.s32 s5, $0x0;
	s5 =	sld [smem:$0x3FA7]  }
0x2b: {  	s6 =	sld [smem:$0x3FA8]  }
0x2c: {  	s7 =	sld [smem:$0x3FA9]  }
0x2d: {  	s3 =	simm.s32 $0x108;
	s8 =	sld [smem:$0x3FAA]  }
0x2e: {  	s3 =	simm.s32 @!p0 $0x1082;
	s9 =	sld [smem:$0x3FAB]  }
0x2f: {  	lr =	sadd.s32 s0, s3;
	s0 =	sld [smem:$0x3FA2]  }
0x30: {  	s3 =	sld [smem:$0x3FA5]  }
0x31: {  	[smem:$0x3FAE] =	sst s10  }
0x32: {  	s10 =	sld [smem:$0x3FAC];
	_ =	sdelay $0x3  }
0x33: {  	p0 =	seq.s32 s10, $0x1;
	s10 =	sld [smem:$0x3FAE];
	_ =	sdelay $0x3  }
0x34: {  	[smem:$0x3FAE] =	sst s10  }
0x35: {  	s10 =	sld [smem:$0x3FAD];
	_ =	sdelay $0x3  }
0x36: {  	p1 =	seq.s32 s10, $0x1;
	s10 =	sld [smem:$0x3FAE];
	_ =	sdelay $0x3  }
0x37: {  	[smem:$0x3FAE] =	sst s10  }
0x38: {  	s10 =	sld [smem:$0x3FAF]  }
0x39: {  	_ = 	snop;
	(pc) =	sbr.ind lr, $3  }
0x3a: {  	_ = 	snop  }
0x3b: {  	_ = 	snop  }
0x3c: {  	p2 =	seq.s32 s10, $0x1;
	s10 =	sld [smem:$0x3FAE]  }
0x3d: {  	_ =	shalt  }
0x3e: {  	_ =	shalt  }
0x3f: {  	_ =	shalt  }
0x40: {  	_ =	shalt  }
0x41: {  	_ =	shalt  }
0x42: {  	_ =	shalt  }
0x43: {  	_ =	shalt  }
0x44: {  	_ =	shalt  }
0x45: {  	_ =	shalt  }
0x46: {  	_ =	shalt  }
0x47: {  	_ =	shalt  }
0x48: {  	_ =	shalt  }
0x49: {  	_ =	shalt  }
0x4a: {  	_ =	shalt  }
0x4b: {  	_ =	shalt  }
0x4c: {  	_ =	shalt  }
0x4d: {  	_ =	shalt  }
0x4e: {  	_ =	shalt  }
0x4f: {  	_ =	shalt  }
0x50: {  	_ =	shalt  }
0x51: {  	_ =	shalt  }
0x52: {  	_ =	shalt  }
0x53: {  	_ =	shalt  }
0x54: {  	_ =	shalt  }
0x55: {  	_ =	shalt  }
0x56: {  	_ =	shalt  }
0x57: {  	_ =	shalt  }
0x58: {  	_ =	shalt  }
0x59: {  	_ =	shalt  }
0x5a: {  	_ =	shalt  }
0x5b: {  	_ =	shalt  }
0x5c: {  	_ =	shalt  }
0x5d: {  	_ =	shalt  }
0x5e: {  	_ =	shalt  }
0x5f: {  	_ =	shalt  }
0x60: {  	_ =	shalt  }
0x61: {  	_ =	shalt  }
0x62: {  	_ =	shalt  }
0x63: {  	_ =	shalt  }
0x64: {  	_ =	shalt  }
0x65: {  	_ =	shalt  }
0x66: {  	_ =	shalt  }
0x67: {  	_ =	shalt  }
0x68: {  	_ =	shalt  }
0x69: {  	_ =	shalt  }
0x6a: {  	_ =	shalt  }
0x6b: {  	_ =	shalt  }
0x6c: {  	_ =	shalt  }
0x6d: {  	_ =	shalt  }
0x6e: {  	_ =	shalt  }
0x6f: {  	_ =	shalt  }
0x70: {  	_ =	shalt  }
0x71: {  	_ =	shalt  }
0x72: {  	_ =	shalt  }
0x73: {  	_ =	shalt  }
0x74: {  	_ =	shalt  }
0x75: {  	_ =	shalt  }
0x76: {  	_ =	shalt  }
0x77: {  	_ =	shalt  }
0x78: {  	_ =	shalt  }
0x79: {  	_ =	shalt  }
0x7a: {  	_ =	shalt  }
0x7b: {  	_ =	shalt  }
0x7c: {  	_ =	shalt  }
0x7d: {  	_ =	shalt  }
0x7e: {  	_ =	shalt  }
0x7f: {  	_ =	shalt  }
0x80: {  	_ =	shalt  }
0x81: {  	_ =	shalt  }
0x82: {  	_ =	shalt  }
0x83: {  	_ =	shalt  }
0x84: {  	_ =	shalt  }
0x85: {  	_ =	shalt  }
0x86: {  	_ =	shalt  }
0x87: {  	_ =	shalt  }
.Lfunc_end0:
.L_simem_size_0:
called_computation_lowered:
.L_overlay_start_0:
0x88: {  	s2 =	sld [smem:$0x3FD9]  }
0x89: {  	s3 =	sld [smem:$0x3FFE];
	_ =	sdelay $0x1  }
0x8a: {  	s1 =	srdreg.scid  }
0x8b: {  	s0 =	sand.u32 $0x1, s1  }
0x8c: {  	s17 =	sshll.u32 s0, $0xA;
	s2 =	sadd.s32 s3, s2  }
0x8d: {  	s2 =	sadd.s32 s2, s17  }
0x8e: {  	[smem:$0x3FBA] =	sst s2  }
0x8f: {  	_ = 	snop  }
0x90: {  	s2 =	sld [smem:$0x3FD0];
	(tm) =	ssettm $0x1  }
0x91: {  	s18 =	sld [smem:$0x3FFB];
	_ =	sdelay $0x3  }
0x92: {  	_ =	strace s18  }
0x93: {  	s3 =	sld [smem:$0x3FFC];
	_ =	sdelay $0x3  }
0x94: {  	_ =	strace s3  }
0x95: {  	s3 =	sld [smem:$0x3FFD];
	_ =	sdelay $0x3  }
0x96: {  	_ =	strace s3  }
0x97: {  	_ =	strace $0x8FFFFFFF  }
0x98: {  	s19 =	sld [smem:$0x3FDB];
	_ =	sdelay $0x1  }
0x99: {  	s4 =	simm.s32 $_scs_section_size  }
0x9a: {  	s5 =	simm.s32 $_size__tile_overlayer_lowered;
	s6 =	simm.s32 $_tile_overlayer_lowered  }
0x9b: {  	s22 =	simm.s32 $0x1BFF;
	s21 =	sshll.u32 s6, $0x1;
	s3 =	sadd.s32 s4, s19  }
0x9c: {  	s7 =	simm.s32 $0x0;
	s20 =	sshll.u32 s5, $0x1;
	s5 =	sadd.s32 s21, s3  }
0x9d: {  	[timem:s7], [sflag:s22] =	dma.local [hbm:s5], s20  }
0x9e: {  	_ =	swait.ge [sflag:s22], s20  }
0x9f: {  	s4 =	ssub.s32 $0x0, s20;
	[sflag:s22] =	ssyncset.done $0x0  }
0xa0: {  	[sflag:s22] =	ssyncadd.s32 s4;
	_ =	sdelay $0x1  }
0xa1: {  	s23 =	simm.s32 $0x1B8B  }
0xa2: {  	_ =	swait.ge [sflag:s23], $0x1  }
0xa3: {  	[sflag:s23] =	ssyncset.done $0x0  }
0xa4: {  	s25 =	simm.s32 $0x1B8E;
	s24 =	sld [smem:$0x3FFE];
	[sflag:s23] =	ssyncadd.s32 $0xFFFFFFFF  }
0xa5: {  	s26 =	simm.s32 $execute0_lowered;
	[smem:$0x3FD2] =	sst s25  }
0xa6: {  	s5 =	sshll.u32 s26, $0x1;
	_ =	strace $0x80000046;
	[dreg:$0x1] =	wrdreg $0xFFFFFFFF  }
0xa7: {  	s28 =	simm.s32 $_size_execute0_lowered;
	s3 =	sadd.s32 s3, s5;
	[dreg:$0x0] =	wrdreg $0x0  }
0xa8: {  	s5 =	sshll.u32 s28, $0x1;
	[dreg:$0x2] =	wrdreg s3  }
0xa9: {  	[dreg:$0x3] =	wrdreg s5  }
0xaa: {  	[dreg:$0x4] =	wrdreg $0xC0  }
0xab: {  	_ =	task [dreg:s7], $0x5FFFF  }
0xac: {  	[dreg:$0x1] =	wrdreg $0xFFFFFFFF  }
0xad: {  	[dreg:$0x0] =	wrdreg $0x60  }
0xae: {  	[dreg:$0x2] =	wrdreg s24  }
0xaf: {  	[dreg:$0x3] =	wrdreg s2  }
0xb0: {  	[dreg:$0x4] =	wrdreg $0x0  }
0xb1: {  	[dreg:$0x5] =	wrdreg $0x9  }
0xb2: {  	_ =	task.clear_ibuf [dreg:s7], $0x6FFFF;
	_ =	strace $0x90000046  }
0xb3: {  	s29 =	simm.s32 $0x9;
	_ =	strace $0x80000048  }
0xb4: {  	_ =	swait.ge [sflag:s29], $0x1  }
0xb5: {  	[sflag:s29] =	ssyncadd.s32 $0xFFFFFFFF  }
0xb6: {  	_ =	strace $0x90000048  }
0xb7: {  	_ =	sfence  }
0xb8: {  	s30 =	sld [smem:$0x0];
	_ =	sdelay $0x2  }
0xb9: {  	s31 =	sshll.u32 s1, $0xD;
	s1 =	sshrl.u32 s1, $0x2  }
0xba: {  	s3 =	sand.u32 $0x4000, s31;
	s1 =	sadd.s32 s1, s30  }
0xbb: {  	s0 =	sor.u32 s3, s0;
	s1 =	sshll.u32 s1, $0x11  }
0xbc: {  	s0 =	sor.u32 s1, s0  }
0xbd: {  	s0 =	sadd.s32 $0x8F2B, s0  }
0xbe: {  	[sflag:s0] =	ssyncadd.remote.s32 $0x1  }
0xbf: {  	_ =	sfence.sel $0xFFFF  }
0xc0: {  	[dreg:$0x0] =	wrdreg $0xFFFFFFFF;
	(pc) =	sbr.abs _section_cstart, $3  }
0xc1: {  	[dreg:$0x1] =	wrdreg $0xFFFFFFFF  }
0xc2: {  	_ =	task.clear_ibuf [dreg:s7], $0x2FFFF;
	_ =	strace $0x9FFFFFFF  }
0xc3: {  	(tm) =	ssettm $0x7FFFFFFF  }
tec
execute0_lowered:
.L_overlay_start_1:
0x0: {  	(tag) =	ssettag $0x1  }
0x1: {  	s6 =	rddreg [dreg:$0x0]  }
0x2: {  	s2 =	rddreg [dreg:$0x1]  }
0x3: {  	s3 =	rddreg [dreg:$0x2]  }
0x4: {  	s0 =	rddreg [dreg:$0x3]  }
0x5: {  	s5 =	srdreg.scid;
	s1 =	stileid.u32  }
0x6: {  	s4 =	simm.s32 $0x0;
	s14 =	simm.s32 $0x80;
	s15 =	simm.s32 $0x20  }
0x7: {  	s16 =	simm.s32 $0x10;
	s17 =	simm.s32 $0x0;
	s7 =	sand.u32 $0x1, s5  }
0x8: {  	s29 =	sshll.u32 s1, $0x1;
	[smem:$0x7FF] =	sst s4;
	s8 =	smul.u32 $0x500, s1  }
0x9: {  	s30 =	smul.u32 $0xA00, s1;
	s12 =	sshll.u32 s1, $0x6;
	s5 =	sor.u32 s7, s29  }
0xa: {  	_ =	strace $0x80000047;
	s10 =	sshll.u32 s7, $0x7;
	s7 =	ssub.s32 $0x2, s7  }
0xb: {  	s12 =	sor.u32 $0x1C01, s12;
	s9 =	smul.u32 $0x500, s5;
	s5 =	sadd.s32 $0xC200, s6  }
0xc: {  	s8 =	sor.u32 s10, s8;
	s31 =	sshrl.u32 s7, $0x1;
	s10 =	sshrl.u32 s30, $0x2  }
0xd: {  	s8 =	sshrl.u32 s8, $0x3;
	s11 =	ssub.s32 s7, s31;
	s13 =	sadd.s32 s10, s3  }
0xe: {  	s10 =	simm.s32 $0x1;
	s9 =	sadd.s32 s9, s6;
	s8 =	sadd.s32 s8, s6  }
0xf: {  	s13 =	sshrl.u32 s13, $0x3;
	s6 =	sadd.s32 $0x2200, s9;
	s7 =	sadd.s32 $0xC400, s8  }
0x10: {  	s8 =	smax.u32 s11, $0x1;
	s9 =	simm.s32 $0x280;
	s11 =	simm.s32 $0x2A80  }
.LBB2_1:
0x11: {  	[tilespmem:s9], [sflag:$0x1] =	stream.linear.gather [hbm4b:s6+s4], $0x2800, $0x38;
	[tilespmem:$0x2B00] =	vst v63  }
0x12: {  	_ =	swait.ge [sflag:s10], $0x2800  }
0x13: {  	[sflag:s10] =	ssyncset.done $0x0  }
0x14: {  	[sflag:s10] =	ssyncadd.s32 $0xFFFFD800  }
0x15: {  	[tilespmem:s11], [sflag:$0x1] =	stream.linear.gather [hbm4b:s2+s4], $0x80, $0x38;
	[tilespmem:$0x2B00] =	vst v63  }
0x16: {  	_ =	swait.ge [sflag:s10], $0x80  }
0x17: {  	[sflag:s10] =	ssyncset.done $0x0  }
0x18: {  	[sflag:s10] =	ssyncadd.s32 $0xFFFFFF80  }
0x19: {  	[spmem:s13], [sflag:s12] =	dma.local [hbm:s5], $0x50  }
0x1a: {  	_ =	swait.ge [sflag:s10], $0x50  }
0x1b: {  	[sflag:s10] =	ssyncset.done $0x0  }
0x1c: {  	[sflag:s10] =	ssyncadd.s32 $0xFFFFFFB0  }
0x1d: {  	s18 =	simm.s32 $0x280;
	[bflag:$0x0] =	sbarrier.arrive $0xFFFF  }
0x1e: {  	[spmem:s3] =	stream.indirect.scatter.add.f32 [tilespmem:s11], [sflag:$0x1], $0x1, s18, s14, $0xb8;
	[tilespmem:$0x2B00] =	vst v63  }
0x1f: {  	s18 =	simm.s32 $0x200;
	_ =	swait.ge [sflag:s10], $0x80  }
.LBB2_2:
0x20: {  	s19 =	sshra.s32 s18, $0x2;
	[sflag:s10] =	ssyncset.done $0x0;
	p0 =	sne.s32 s18, $0x9E00  }
.Ltmp0:
0x21: {  	s19 =	sadd.s32 $0x280, s19;
	[sflag:s10] =	ssyncadd.s32 $0xFFFFFF80;
	(pc) =	sbr.rel @p0 .LBB2_2-.Ltmp0, $3  }
0x22: {  	[spmem:s3] =	stream.indirect.scatter.add.f32 [tilespmem:s11], [sflag:$0x1], $0x1, s19, s14, $0xb8;
	[tilespmem:$0x2B00] =	vst v63  }
0x23: {  	s18 =	sadd.s32 $0x200, s18;
	_ =	sdelay $0x1  }
0x24: {  	_ =	swait.ge [sflag:s10], $0x80  }
0x25: {  	[sflag:s10] =	ssyncset.done $0x0;
	s17 =	sadd.s32 $0x1, s17  }
0x26: {  	[sflag:s10] =	ssyncadd.s32 $0xFFFFFF80;
	p0 =	sne.s32 s17, s8  }
.Ltmp1:
0x27: {  	[bflag:$0x0] =	sbarrier.arrive $0xFFFF;
	(pc) =	sbr.rel @p0 .LBB2_1-.Ltmp1, $4  }
0x28: {  	[hbm:s7@s15], [sflag:s12] =	dma.strided [spmem:s13@s16], $0x50, s10, $0x10   }
0x29: {  	_ =	swait.ge [sflag:s10], $0x50  }
0x2a: {  	[sflag:s10] =	ssyncset.done $0x0  }
0x2b: {  	[sflag:s10] =	ssyncadd.s32 $0xFFFFFFB0  }
0x2c: {  	_ =	sfence.sel $0x180000  }
0x2d: {  	[bflag:$0x0] =	sbarrier.arrive $0xFFFF  }
0x2e: {  	p0 =	sne.s32 s1, $0x0;
	_ =	strace $0x90000047  }
0x2f: {  	s0 =	sadd.s32 @!p0 $0x100000, s0;
	[bflag:$0x2] =	sbarrier.arrive $0xFFFF  }
0x30: {  	[sflag:s0] =	ssyncadd.tile.s32 @!p0 $0x1;
	_ =	shalt  }
.Lfunc_end2:
_tile_overlayer_lowered:
.L_overlay_start_2:
0x31: {  	(tag) =	ssettag $0x2  }
0x32: {  	s0 =	rddreg [dreg:$0x0];
	s2 =	stileid.u32  }
0x33: {  	s1 =	rddreg [dreg:$0x1];
	p0 =	sne.s32 s2, $0x0  }
0x34: {  	s3 =	rddreg [dreg:$0x2];
	[bflag:$0x3] =	sbarrier.arrive $0xFFFF;
	s2 =	simm.s32 @!p0 $0x1C01  }
0x35: {  	[timem:s3], [sflag:s2] =	dma.local @!p0 [hbm:s0], s1  }
0x36: {  	s0 =	simm.s32 @!p0 $0x1  }
0x37: {  	_ =	swait.ge @!p0 [sflag:s0], s1  }
0x38: {  	s1 =	ssub.s32 @!p0 $0x0, s1;
	[sflag:s0] =	ssyncset.done @!p0 $0x0  }
0x39: {  	[sflag:s0] =	ssyncadd.s32 @!p0 s1  }
0x3a: {  	[bflag:$0x3] =	sbarrier.arrive $0xFFFF  }
0x3b: {  	_ =	shalt  }

// kernel: kernel.13.cloned.1.call-start
scs
__scs_entry_jumppad:
0x0: {  	(pc) =	sbr.rel $0x88, $3  }
0x1: {  	(tag) =	ssettag $0x0;
	lr =	simm.s32 $0x1  }
0x2: {  	[smem:$0x3F93] =	sst lr;
	_ =	strace $0xD0000000  }
0x3: {  	_ = 	snop  }
0x4: {  	_ = 	snop  }
0x5: {  	_ = 	snop  }
0x6: {  	_ = 	snop  }
0x7: {  	_ = 	snop  }
__scs_overlays_trampoline_lowered:
0x8: {  	[smem:$0x3FA2] =	sst s0  }
0x9: {  	[smem:$0x3FA3] =	sst s1  }
0xa: {  	[smem:$0x3FA4] =	sst s2  }
0xb: {  	[smem:$0x3FA5] =	sst s3  }
0xc: {  	[smem:$0x3FA6] =	sst s4  }
0xd: {  	[smem:$0x3FA7] =	sst s5  }
0xe: {  	[smem:$0x3FA8] =	sst s6  }
0xf: {  	[smem:$0x3FA9] =	sst s7  }
0x10: {  	[smem:$0x3FAA] =	sst s8  }
0x11: {  	[smem:$0x3FAB] =	sst s9;
	s0 =	simm.s32 @!p0 $0x0  }
0x12: {  	s1 =	sld [smem:$0x3F91];
	s0 =	simm.s32 @p0 $0x1  }
0x13: {  	[smem:$0x3FAC] =	sst s0;
	s0 =	simm.s32 @!p1 $0x0  }
0x14: {  	s2 =	sld [smem:$0x3F90];
	s0 =	simm.s32 @p1 $0x1  }
0x15: {  	[smem:$0x3FAD] =	sst s0;
	s0 =	simm.s32 @!p2 $0x0  }
0x16: {  	s3 =	sld [smem:$0x3FDB];
	s0 =	simm.s32 @p2 $0x1  }
0x17: {  	s4 =	simm.s32 $0x1BF5;
	[smem:$0x3FAF] =	sst s0  }
0x18: {  	s0 =	sld [smem:$0x3F92];
	_ =	swait.ge [sflag:s4], $0x0  }
0x19: {  	s7 =	sld [smem:$0x3F93]  }
0x1a: {  	s8 =	sadd.s32 $0xFFFFE003, lr  }
0x1b: {  	s9 =	sadd.s32 $0xFFFFFEF7, lr;
	s5 =	simm.s32 $0xFFFFFFFF;
	p2 =	slt.u32 s8, $0xFFFFF086  }
0x1c: {  	p1 =	slt.u32 s9, $0xF7A;
	s5 =	simm.s32 @!p2 $0x0  }
0x1d: {  	s5 =	simm.s32 @p1 $0x1;
	p0 =	seq.s32 s7, s2  }
0x1e: {  	s7 =	smul.u32 @!p0 $0xF7A, s2;
	p2 =	seq.s32 @!p0 s5, $0x0  }
0x1f: {  	s9 =	smul.u32 $0xF7A, s1;
	s8 =	simm.s32 @!p0 $0x1BF5;
	p2 =	por !p2, p0  }
0x20: {  	[sflag:s8] =	ssyncset.s32 @!p0 $0xFFFFF086;
	s6 =	sadd.s32 @!p0 s3, s7;
	s7 =	simm.s32 @!p0 $0x108  }
0x21: {  	s3 =	sadd.s32 s3, s9;
	s6 =	sadd.s32 @!p0 $0x88, s6;
	s7 =	simm.s32 @p2 $0x1082  }
0x22: {  	[simem:s7], [sflag:s8] =	dma.local @!p0 [hbm:s6], $0xF7A  }
0x23: {  	s9 =	sor.u32 $0xD0000000, s2;
	s6 =	simm.s32 $0x108;
	_ =	swait.ge @!p0 [sflag:s8], $0x0  }
0x24: {  	s3 =	sadd.s32 $0x88, s3;
	s6 =	simm.s32 @!p1 $0x1082;
	[sflag:s4] =	ssyncset.s32 $0xFFFFF086  }
0x25: {  	[simem:s6], [sflag:s4] =	dma.local [hbm:s3], $0xF7A  }
0x26: {  	[smem:$0x3F93] =	sst s1;
	(tag) =	ssettag s2;
	_ =	strace s9  }
0x27: {  	s1 =	sld [smem:$0x3FA3]  }
0x28: {  	s2 =	sld [smem:$0x3FA4]  }
0x29: {  	s4 =	sld [smem:$0x3FA6]  }
0x2a: {  	p0 =	seq.s32 s5, $0x0;
	s5 =	sld [smem:$0x3FA7]  }
0x2b: {  	s6 =	sld [smem:$0x3FA8]  }
0x2c: {  	s7 =	sld [smem:$0x3FA9]  }
0x2d: {  	s3 =	simm.s32 $0x108;
	s8 =	sld [smem:$0x3FAA]  }
0x2e: {  	s3 =	simm.s32 @!p0 $0x1082;
	s9 =	sld [smem:$0x3FAB]  }
0x2f: {  	lr =	sadd.s32 s0, s3;
	s0 =	sld [smem:$0x3FA2]  }
0x30: {  	s3 =	sld [smem:$0x3FA5]  }
0x31: {  	[smem:$0x3FAE] =	sst s10  }
0x32: {  	s10 =	sld [smem:$0x3FAC];
	_ =	sdelay $0x3  }
0x33: {  	p0 =	seq.s32 s10, $0x1;
	s10 =	sld [smem:$0x3FAE];
	_ =	sdelay $0x3  }
0x34: {  	[smem:$0x3FAE] =	sst s10  }
0x35: {  	s10 =	sld [smem:$0x3FAD];
	_ =	sdelay $0x3  }
0x36: {  	p1 =	seq.s32 s10, $0x1;
	s10 =	sld [smem:$0x3FAE];
	_ =	sdelay $0x3  }
0x37: {  	[smem:$0x3FAE] =	sst s10  }
0x38: {  	s10 =	sld [smem:$0x3FAF]  }
0x39: {  	_ = 	snop;
	(pc) =	sbr.ind lr, $3  }
0x3a: {  	_ = 	snop  }
0x3b: {  	_ = 	snop  }
0x3c: {  	p2 =	seq.s32 s10, $0x1;
	s10 =	sld [smem:$0x3FAE]  }
0x3d: {  	_ =	shalt  }
0x3e: {  	_ =	shalt  }
0x3f: {  	_ =	shalt  }
0x40: {  	_ =	shalt  }
0x41: {  	_ =	shalt  }
0x42: {  	_ =	shalt  }
0x43: {  	_ =	shalt  }
0x44: {  	_ =	shalt  }
0x45: {  	_ =	shalt  }
0x46: {  	_ =	shalt  }
0x47: {  	_ =	shalt  }
0x48: {  	_ =	shalt  }
0x49: {  	_ =	shalt  }
0x4a: {  	_ =	shalt  }
0x4b: {  	_ =	shalt  }
0x4c: {  	_ =	shalt  }
0x4d: {  	_ =	shalt  }
0x4e: {  	_ =	shalt  }
0x4f: {  	_ =	shalt  }
0x50: {  	_ =	shalt  }
0x51: {  	_ =	shalt  }
0x52: {  	_ =	shalt  }
0x53: {  	_ =	shalt  }
0x54: {  	_ =	shalt  }
0x55: {  	_ =	shalt  }
0x56: {  	_ =	shalt  }
0x57: {  	_ =	shalt  }
0x58: {  	_ =	shalt  }
0x59: {  	_ =	shalt  }
0x5a: {  	_ =	shalt  }
0x5b: {  	_ =	shalt  }
0x5c: {  	_ =	shalt  }
0x5d: {  	_ =	shalt  }
0x5e: {  	_ =	shalt  }
0x5f: {  	_ =	shalt  }
0x60: {  	_ =	shalt  }
0x61: {  	_ =	shalt  }
0x62: {  	_ =	shalt  }
0x63: {  	_ =	shalt  }
0x64: {  	_ =	shalt  }
0x65: {  	_ =	shalt  }
0x66: {  	_ =	shalt  }
0x67: {  	_ =	shalt  }
0x68: {  	_ =	shalt  }
0x69: {  	_ =	shalt  }
0x6a: {  	_ =	shalt  }
0x6b: {  	_ =	shalt  }
0x6c: {  	_ =	shalt  }
0x6d: {  	_ =	shalt  }
0x6e: {  	_ =	shalt  }
0x6f: {  	_ =	shalt  }
0x70: {  	_ =	shalt  }
0x71: {  	_ =	shalt  }
0x72: {  	_ =	shalt  }
0x73: {  	_ =	shalt  }
0x74: {  	_ =	shalt  }
0x75: {  	_ =	shalt  }
0x76: {  	_ =	shalt  }
0x77: {  	_ =	shalt  }
0x78: {  	_ =	shalt  }
0x79: {  	_ =	shalt  }
0x7a: {  	_ =	shalt  }
0x7b: {  	_ =	shalt  }
0x7c: {  	_ =	shalt  }
0x7d: {  	_ =	shalt  }
0x7e: {  	_ =	shalt  }
0x7f: {  	_ =	shalt  }
0x80: {  	_ =	shalt  }
0x81: {  	_ =	shalt  }
0x82: {  	_ =	shalt  }
0x83: {  	_ =	shalt  }
0x84: {  	_ =	shalt  }
0x85: {  	_ =	shalt  }
0x86: {  	_ =	shalt  }
0x87: {  	_ =	shalt  }
.Lfunc_end0:
.L_simem_size_0:
called_computation.1_lowered:
.L_overlay_start_0:
0x88: {  	s2 =	sld [smem:$0x3FD9]  }
0x89: {  	s3 =	sld [smem:$0x3FFE];
	_ =	sdelay $0x1  }
0x8a: {  	s1 =	srdreg.scid  }
0x8b: {  	s0 =	sand.u32 $0x1, s1  }
0x8c: {  	s16 =	sshll.u32 s0, $0xA;
	s2 =	sadd.s32 s3, s2  }
0x8d: {  	s2 =	sadd.s32 s2, s16  }
0x8e: {  	[smem:$0x3FBA] =	sst s2  }
0x8f: {  	_ = 	snop  }
0x90: {  	(tm) =	ssettm $0x1  }
0x91: {  	s17 =	sld [smem:$0x3FFB];
	_ =	sdelay $0x3  }
0x92: {  	_ =	strace s17  }
0x93: {  	s2 =	sld [smem:$0x3FFC];
	_ =	sdelay $0x3  }
0x94: {  	_ =	strace s2  }
0x95: {  	s2 =	sld [smem:$0x3FFD];
	_ =	sdelay $0x3  }
0x96: {  	_ =	strace s2  }
0x97: {  	_ =	strace $0x8FFFFFFF  }
0x98: {  	s18 =	sld [smem:$0x3FDB];
	_ =	sdelay $0x1  }
0x99: {  	s19 =	simm.s32 $_scs_section_size  }
0x9a: {  	s4 =	simm.s32 $_size__tile_overlayer_lowered;
	s5 =	simm.s32 $_tile_overlayer_lowered  }
0x9b: {  	s22 =	simm.s32 $0x1BFF;
	s21 =	sshll.u32 s5, $0x1;
	s2 =	sadd.s32 s19, s18  }
0x9c: {  	s6 =	simm.s32 $0x0;
	s20 =	sshll.u32 s4, $0x1;
	s4 =	sadd.s32 s21, s2  }
0x9d: {  	[timem:s6], [sflag:s22] =	dma.local [hbm:s4], s20  }
0x9e: {  	_ =	swait.ge [sflag:s22], s20  }
0x9f: {  	s3 =	ssub.s32 $0x0, s20;
	[sflag:s22] =	ssyncset.done $0x0  }
0xa0: {  	[sflag:s22] =	ssyncadd.s32 s3;
	_ =	sdelay $0x1  }
0xa1: {  	s23 =	simm.s32 $0x1B8B  }
0xa2: {  	_ =	swait.ge [sflag:s23], $0x1  }
0xa3: {  	[sflag:s23] =	ssyncset.done $0x0  }
0xa4: {  	s25 =	simm.s32 $0x1B8E;
	s24 =	sld [smem:$0x3FFE];
	[sflag:s23] =	ssyncadd.s32 $0xFFFFFFFF  }
0xa5: {  	s26 =	simm.s32 $execute0_lowered;
	[smem:$0x3FD2] =	sst s25  }
0xa6: {  	s4 =	sshll.u32 s26, $0x1;
	_ =	strace $0x80000049;
	[dreg:$0x1] =	wrdreg $0xFFFFFFFF  }
0xa7: {  	s28 =	simm.s32 $_size_execute0_lowered;
	s2 =	sadd.s32 s2, s4;
	[dreg:$0x0] =	wrdreg $0x0  }
0xa8: {  	s4 =	sshll.u32 s28, $0x1;
	[dreg:$0x2] =	wrdreg s2  }
0xa9: {  	[dreg:$0x3] =	wrdreg s4  }
0xaa: {  	[dreg:$0x4] =	wrdreg $0xC0  }
0xab: {  	_ =	task [dreg:s6], $0x5FFFF  }
0xac: {  	[dreg:$0x1] =	wrdreg $0xFFFFFFFF  }
0xad: {  	[dreg:$0x0] =	wrdreg $0x60  }
0xae: {  	[dreg:$0x2] =	wrdreg s24  }
0xaf: {  	[dreg:$0x3] =	wrdreg $0x0  }
0xb0: {  	[dreg:$0x4] =	wrdreg $0x9  }
0xb1: {  	_ =	task.clear_ibuf [dreg:s6], $0x5FFFF;
	_ =	strace $0x90000049  }
0xb2: {  	s29 =	simm.s32 $0x9;
	_ =	strace $0x8000004B  }
0xb3: {  	_ =	swait.ge [sflag:s29], $0x1  }
0xb4: {  	[sflag:s29] =	ssyncadd.s32 $0xFFFFFFFF  }
0xb5: {  	_ =	strace $0x9000004B  }
0xb6: {  	_ =	sfence  }
0xb7: {  	s30 =	sld [smem:$0x0];
	_ =	sdelay $0x2  }
0xb8: {  	s31 =	sshll.u32 s1, $0xD;
	s1 =	sshrl.u32 s1, $0x2  }
0xb9: {  	s3 =	sand.u32 $0x4000, s31;
	s1 =	sadd.s32 s1, s30  }
0xba: {  	s0 =	sor.u32 s3, s0;
	s1 =	sshll.u32 s1, $0x11  }
0xbb: {  	s0 =	sor.u32 s1, s0  }
0xbc: {  	s0 =	sadd.s32 $0x8F2B, s0  }
0xbd: {  	[sflag:s0] =	ssyncadd.remote.s32 $0x1  }
0xbe: {  	_ =	sfence.sel $0xFFFF  }
0xbf: {  	[dreg:$0x0] =	wrdreg $0xFFFFFFFF;
	(pc) =	sbr.abs _section_cstart, $3  }
0xc0: {  	[dreg:$0x1] =	wrdreg $0xFFFFFFFF  }
0xc1: {  	_ =	task.clear_ibuf [dreg:s6], $0x2FFFF;
	_ =	strace $0x9FFFFFFF  }
0xc2: {  	(tm) =	ssettm $0x7FFFFFFF  }
0xc3: {  	_ =	shalt  }
tec
execute0_lowered:
.L_overlay_start_1:
0x0: {  	(tag) =	ssettag $0x1  }
0x1: {  	s0 =	rddreg [dreg:$0x0]  }
0x2: {  	s1 =	rddreg [dreg:$0x1];
	s3 =	simm.s32 $0x0;
	s2 =	srdreg.scid  }
0x3: {  	s10 =	stileid.u32;
	s12 =	simm.s32 $0x3;
	s13 =	simm.s32 $0x1C000  }
0x4: {  	s14 =	simm.s32 $0x13C00;
	s15 =	simm.s32 $0x80;
	s16 =	simm.s32 $0x14000  }
0x5: {  	s17 =	simm.s32 $0x1C080;
	s18 =	simm.s32 $0x18000;
	s19 =	simm.s32 $0x1  }
0x6: {  	s28 =	simm.s32 $0x1C280;
	s29 =	simm.s32 $0x13E00;
	s30 =	simm.s32 $0x13E80  }
0x7: {  	s31 =	simm.s32 $0x1C300;
	[smem:$0x7FF] =	sst s3;
	s4 =	smul.u32 $0x98, s10  }
0x8: {  	s2 =	sand.u32 $0x1, s2;
	s5 =	sshll.u32 s10, $0x3;
	s7 =	smul.u32 $0x13C00, s10  }
0x9: {  	s8 =	smul.u32 $0x4F000, s10;
	s23 =	sshll.u32 s10, $0x6;
	p0 =	seq.s32 s2, $0x0  }
0xa: {  	s5 =	sor.u32 $0x980, s5;
	s6 =	smul.u32 $0x13C000, s2;
	_ =	strace $0x8000004A  }
0xb: {  	s20 =	ssub.s32 $0x2, s2;
	s5 =	smov.u32 @p0 s4;
	s4 =	sadd.s32 $0x16E00, s0  }
0xc: {  	s9 =	sshrl.u32 s20, $0x1;
	s21 =	sshrl.u32 s8, $0x2;
	p0 =	sne.s32 s2, $0x0  }
0xd: {  	s2 =	simm.s32 $0x13F00;
	s5 =	sshll.u32 s5, $0x4;
	s6 =	sadd.s32 s7, s6  }
0xe: {  	s7 =	ssub.s32 s20, s9;
	s8 =	sadd.s32 s21, s1;
	s20 =	simm.s32 $0x2  }
0xf: {  	s21 =	simm.s32 $0x13C80;
	s5 =	sadd.s32 s5, s0;
	s6 =	sshrl.u32 s6, $0x3  }
0x10: {  	s24 =	smax.u32 s7, $0x1;
	s11 =	sshrl.u32 s8, $0x3;
	s7 =	simm.s32 $0x0  }
0x11: {  	s0 =	sadd.s32 s6, s0;
	s6 =	sor.u32 $0x1C03, s23;
	[dreg:$0x5] =	wrdreg s24  }
0x12: {  	s25 =	sadd.s32 $0x2200, s5;
	s26 =	sadd.s32 $0xCE00, s5;
	s23 =	simm.s32 $0x1C180  }
0x13: {  	s24 =	simm.s32 $0x13D00;
	s5 =	simm.s32 $0x13F80;
	[dreg:$0x6] =	wrdreg s25  }
0x14: {  	s22 =	sadd.s32 $0x65E00, s0;
	s0 =	sadd.s32 $0xB4E00, s0;
	[dreg:$0x7] =	wrdreg s26  }
0x15: {  	s25 =	simm.s32 $0x13D80;
	s26 =	simm.s32 $0x1C200;
	[dreg:$0x3] =	wrdreg s22  }
0x16: {  	[dreg:$0x4] =	wrdreg s0;
	s22 =	simm.s32 $0x1C100;
	s0 =	simm.s32 $0x1C380  }
.LBB2_1:
0x17: {  	s8 =	rddreg [dreg:$0x3]  }
0x18: {  	[spmem:s11], [sflag:s6] =	dma.local [hbm:s8], $0x2780  }
0x19: {  	_ =	swait.ge [sflag:s12], $0x2780  }
0x1a: {  	[sflag:s12] =	ssyncset.done $0x0  }
0x1b: {  	[sflag:s12] =	ssyncadd.s32 $0xFFFFD880  }
0x1c: {  	[bflag:$0x0] =	sbarrier.arrive $0xFFFF  }
0x1d: {  	s10 =	rddreg [dreg:$0x7]  }
0x1e: {  	s8 =	simm.s32 $0x0;
	s9 =	rddreg [dreg:$0x6]  }
.LBB2_2:
0x1f: {  	[tilespmem:s13], [sflag:$0x3] =	stream.linear.gather [hbm4b:s10+s3], $0x400, $0x38;
	[tilespmem:$0x1C400] =	vst v63  }
0x20: {  	_ =	swait.ge [sflag:s12], $0x400  }
0x21: {  	[sflag:s12] =	ssyncset.done $0x0  }
0x22: {  	[sflag:s12] =	ssyncadd.s32 $0xFFFFFC00  }
0x23: {  	[tilespmem:s14], [sflag:$0x3] =	stream.linear.gather [hbm4b:s9+s3], $0x400, $0x38;
	[tilespmem:$0x1C400] =	vst v63  }
0x24: {  	_ =	swait.ge [sflag:s12], $0x400  }
0x25: {  	[sflag:s12] =	ssyncset.done $0x0  }
0x26: {  	[sflag:s12] =	ssyncadd.s32 $0xFFFFFC00  }
0x27: {  	[tilespmem:s16], [sflag:$0x1] =	stream.indirect.gather [hbm4b:s4+s15], $0x80, s13, s15, $0xb8;
	[tilespmem:$0x1C400] =	vst v63  }
0x28: {  	_ = 	snop  }
0x29: {  	[tilespmem:s18], [sflag:$0x2] =	stream.indirect.gather [hbm4b:s4+s15], $0x80, s17, s15, $0xb8;
	[tilespmem:$0x1C400] =	vst v63  }
0x2a: {  	_ =	swait.ge [sflag:s19], $0x4000  }
0x2b: {  	[sflag:s19] =	ssyncset.done $0x0  }
0x2c: {  	[sflag:s19] =	ssyncadd.s32 $0xFFFFC000  }
0x2d: {  	[spmem:s1] =	stream.indirect.scatter.add.f32 [tilespmem:s16], [sflag:$0x3], $0x80, s14, s15, $0xb8;
	[tilespmem:$0x1C400] =	vst v63  }
0x2e: {  	_ =	swait.ge [sflag:s12], $0x4000  }
0x2f: {  	[sflag:s12] =	ssyncset.done $0x0  }
0x30: {  	[sflag:s12] =	ssyncadd.s32 $0xFFFFC000  }
0x31: {  	_ =	swait.ge [sflag:s20], $0x4000  }
0x32: {  	[sflag:s20] =	ssyncset.done $0x0  }
0x33: {  	[sflag:s20] =	ssyncadd.s32 $0xFFFFC000  }
0x34: {  	[spmem:s1] =	stream.indirect.scatter.add.f32 [tilespmem:s18], [sflag:$0x3], $0x80, s21, s15, $0xb8;
	[tilespmem:$0x1C400] =	vst v63  }
0x35: {  	_ =	swait.ge [sflag:s12], $0x4000  }
0x36: {  	[sflag:s12] =	ssyncset.done $0x0  }
0x37: {  	[sflag:s12] =	ssyncadd.s32 $0xFFFFC000  }
0x38: {  	[tilespmem:s16], [sflag:$0x1] =	stream.indirect.gather [hbm4b:s4+s15], $0x80, s22, s15, $0xb8;
	[tilespmem:$0x1C400] =	vst v63  }
0x39: {  	_ = 	snop  }
0x3a: {  	[tilespmem:s18], [sflag:$0x2] =	stream.indirect.gather [hbm4b:s4+s15], $0x80, s23, s15, $0xb8;
	[tilespmem:$0x1C400] =	vst v63  }
0x3b: {  	_ =	swait.ge [sflag:s19], $0x4000  }
0x3c: {  	[sflag:s19] =	ssyncset.done $0x0  }
0x3d: {  	[sflag:s19] =	ssyncadd.s32 $0xFFFFC000  }
0x3e: {  	[spmem:s1] =	stream.indirect.scatter.add.f32 [tilespmem:s16], [sflag:$0x3], $0x80, s24, s15, $0xb8;
	[tilespmem:$0x1C400] =	vst v63  }
0x3f: {  	_ =	swait.ge [sflag:s12], $0x4000  }
0x40: {  	[sflag:s12] =	ssyncset.done $0x0  }
0x41: {  	[sflag:s12] =	ssyncadd.s32 $0xFFFFC000  }
0x42: {  	_ =	swait.ge [sflag:s20], $0x4000  }
0x43: {  	[sflag:s20] =	ssyncset.done $0x0  }
0x44: {  	[sflag:s20] =	ssyncadd.s32 $0xFFFFC000  }
0x45: {  	[spmem:s1] =	stream.indirect.scatter.add.f32 [tilespmem:s18], [sflag:$0x3], $0x80, s25, s15, $0xb8;
	[tilespmem:$0x1C400] =	vst v63  }
0x46: {  	_ =	swait.ge [sflag:s12], $0x4000  }
0x47: {  	[sflag:s12] =	ssyncset.done $0x0  }
0x48: {  	[sflag:s12] =	ssyncadd.s32 $0xFFFFC000  }
0x49: {  	[tilespmem:s16], [sflag:$0x1] =	stream.indirect.gather [hbm4b:s4+s15], $0x80, s26, s15, $0xb8;
	[tilespmem:$0x1C400] =	vst v63  }
0x4a: {  	_ = 	snop  }
0x4b: {  	[tilespmem:s18], [sflag:$0x2] =	stream.indirect.gather [hbm4b:s4+s15], $0x80, s28, s15, $0xb8;
	[tilespmem:$0x1C400] =	vst v63  }
0x4c: {  	_ =	swait.ge [sflag:s19], $0x4000  }
0x4d: {  	[sflag:s19] =	ssyncset.done $0x0  }
0x4e: {  	[sflag:s19] =	ssyncadd.s32 $0xFFFFC000  }
0x4f: {  	[spmem:s1] =	stream.indirect.scatter.add.f32 [tilespmem:s16], [sflag:$0x3], $0x80, s29, s15, $0xb8;
	[tilespmem:$0x1C400] =	vst v63  }
0x50: {  	_ =	swait.ge [sflag:s12], $0x4000  }
0x51: {  	[sflag:s12] =	ssyncset.done $0x0  }
0x52: {  	[sflag:s12] =	ssyncadd.s32 $0xFFFFC000  }
0x53: {  	_ =	swait.ge [sflag:s20], $0x4000  }
0x54: {  	[sflag:s20] =	ssyncset.done $0x0  }
0x55: {  	[sflag:s20] =	ssyncadd.s32 $0xFFFFC000  }
0x56: {  	[spmem:s1] =	stream.indirect.scatter.add.f32 [tilespmem:s18], [sflag:$0x3], $0x80, s30, s15, $0xb8;
	[tilespmem:$0x1C400] =	vst v63  }
0x57: {  	_ =	swait.ge [sflag:s12], $0x4000  }
0x58: {  	[sflag:s12] =	ssyncset.done $0x0  }
0x59: {  	[sflag:s12] =	ssyncadd.s32 $0xFFFFC000  }
0x5a: {  	[tilespmem:s16], [sflag:$0x1] =	stream.indirect.gather [hbm4b:s4+s15], $0x80, s31, s15, $0xb8;
	[tilespmem:$0x1C400] =	vst v63  }
0x5b: {  	_ = 	snop  }
0x5c: {  	[tilespmem:s18], [sflag:$0x2] =	stream.indirect.gather [hbm4b:s4+s15], $0x80, s0, s15, $0xb8;
	[tilespmem:$0x1C400] =	vst v63  }
0x5d: {  	_ =	swait.ge [sflag:s19], $0x4000  }
0x5e: {  	[sflag:s19] =	ssyncset.done $0x0  }
0x5f: {  	[sflag:s19] =	ssyncadd.s32 $0xFFFFC000  }
0x60: {  	[spmem:s1] =	stream.indirect.scatter.add.f32 [tilespmem:s16], [sflag:$0x3], $0x80, s2, s15, $0xb8;
	[tilespmem:$0x1C400] =	vst v63  }
0x61: {  	_ =	swait.ge [sflag:s12], $0x4000  }
0x62: {  	[sflag:s12] =	ssyncset.done $0x0  }
0x63: {  	[sflag:s12] =	ssyncadd.s32 $0xFFFFC000  }
0x64: {  	p1 =	slt.u32 @!p0 s8, $0x12;
	_ =	swait.ge [sflag:s20], $0x4000  }
0x65: {  	p1 =	por p0, !p1;
	[sflag:s20] =	ssyncset.done $0x0  }
.Ltmp0:
0x66: {  	[sflag:s20] =	ssyncadd.s32 $0xFFFFC000;
	(pc) =	sbr.rel @!p1 .LBB2_2-.Ltmp0, $4  }
0x67: {  	[spmem:s1] =	stream.indirect.scatter.add.f32 [tilespmem:s18], [sflag:$0x3], $0x80, s5, s15, $0xb8;
	[tilespmem:$0x1C400] =	vst v63  }
0x68: {  	_ =	swait.ge [sflag:s12], $0x4000  }
0x69: {  	s8 =	sadd.s32 $0x1, s8;
	[sflag:s12] =	ssyncset.done $0x0  }
0x6a: {  	s10 =	sadd.s32 $0x80, s10;
	s9 =	sadd.s32 $0x80, s9;
	[sflag:s12] =	ssyncadd.s32 $0xFFFFC000  }
0x6b: {  	[bflag:$0x0] =	sbarrier.arrive $0xFFFF  }
0x6c: {  	s8 =	rddreg [dreg:$0x4]  }
0x6d: {  	[hbm:s8], [sflag:s6] =	dma.local [spmem:s11], $0x2780  }
0x6e: {  	_ =	swait.ge [sflag:s12], $0x2780  }
0x6f: {  	s7 =	sadd.s32 $0x1, s7;
	s10 =	rddreg [dreg:$0x5]  }
0x70: {  	p1 =	sne.s32 s7, s10  }
.Ltmp1:
0x71: {  	_ = 	snop;
	(pc) =	sbr.rel @p1 .LBB2_1-.Ltmp1, $3  }
0x72: {  	_ =	sdelay $0x1  }
0x73: {  	[sflag:s12] =	ssyncset.done $0x0  }
0x74: {  	[sflag:s12] =	ssyncadd.s32 $0xFFFFD880  }
0x75: {  	_ =	sfence.sel $0x180000  }
0x76: {  	[bflag:$0x0] =	sbarrier.arrive $0xFFFF  }
0x77: {  	_ =	strace $0x9000004A  }
0x78: {  	s0 =	stileid.u32;
	[bflag:$0x2] =	sbarrier.arrive $0xFFFF  }
0x79: {  	p0 =	sne.s32 s0, $0x0;
	s0 =	rddreg [dreg:$0x2]  }
0x7a: {  	s0 =	sadd.s32 @!p0 $0x100000, s0  }
0x7b: {  	[sflag:s0] =	ssyncadd.tile.s32 @!p0 $0x1;
	_ =	shalt  }
.Lfunc_end2:
_tile_overlayer_lowered:
.L_overlay_start_2:
0x7c: {  	(tag) =	ssettag $0x2  }
0x7d: {  	s0 =	rddreg [dreg:$0x0];
	s2 =	stileid.u32  }
0x7e: {  	s1 =	rddreg [dreg:$0x1];
	p0 =	sne.s32 s2, $0x0  }
0x7f: {  	s3 =	rddreg [dreg:$0x2];
	[bflag:$0x3] =	sbarrier.arrive $0xFFFF;
	s2 =	simm.s32 @!p0 $0x1C03  }
0x80: {  	[timem:s3], [sflag:s2] =	dma.local @!p0 [hbm:s0], s1  }
0x81: {  	s0 =	simm.s32 @!p0 $0x3  }
0x82: {  	_ =	swait.ge @!p0 [sflag:s0], s1  }
0x83: {  	s1 =	ssub.s32 @!p0 $0x0, s1;
	[sflag:s0] =	ssyncset.done @!p0 $0x0  }
0x84: {  	[sflag:s0] =	ssyncadd.s32 @!p0 s1  }
0x85: {  	[bflag:$0x3] =	sbarrier.arrive $0xFFFF  }
0x86: {  	_ =	shalt  }

// kernel: kernel.16.cloned.1.call-start
scs
__scs_entry_jumppad:
0x0: {  	(pc) =	sbr.rel $0x88, $3  }
0x1: {  	(tag) =	ssettag $0x0;
	lr =	simm.s32 $0x1  }
0x2: {  	[smem:$0x3F93] =	sst lr;
	_ =	strace $0xD0000000  }
0x3: {  	_ = 	snop  }
0x4: {  	_ = 	snop  }
0x5: {  	_ = 	snop  }
0x6: {  	_ = 	snop  }
0x7: {  	_ = 	snop  }
__scs_overlays_trampoline_lowered:
0x8: {  	[smem:$0x3FA2] =	sst s0  }
0x9: {  	[smem:$0x3FA3] =	sst s1  }
0xa: {  	[smem:$0x3FA4] =	sst s2  }
0xb: {  	[smem:$0x3FA5] =	sst s3  }
0xc: {  	[smem:$0x3FA6] =	sst s4  }
0xd: {  	[smem:$0x3FA7] =	sst s5  }
0xe: {  	[smem:$0x3FA8] =	sst s6  }
0xf: {  	[smem:$0x3FA9] =	sst s7  }
0x10: {  	[smem:$0x3FAA] =	sst s8  }
0x11: {  	[smem:$0x3FAB] =	sst s9;
	s0 =	simm.s32 @!p0 $0x0  }
0x12: {  	s1 =	sld [smem:$0x3F91];
	s0 =	simm.s32 @p0 $0x1  }
0x13: {  	[smem:$0x3FAC] =	sst s0;
	s0 =	simm.s32 @!p1 $0x0  }
0x14: {  	s2 =	sld [smem:$0x3F90];
	s0 =	simm.s32 @p1 $0x1  }
0x15: {  	[smem:$0x3FAD] =	sst s0;
	s0 =	simm.s32 @!p2 $0x0  }
0x16: {  	s3 =	sld [smem:$0x3FDB];
	s0 =	simm.s32 @p2 $0x1  }
0x17: {  	s4 =	simm.s32 $0x1BF5;
	[smem:$0x3FAF] =	sst s0  }
0x18: {  	s0 =	sld [smem:$0x3F92];
	_ =	swait.ge [sflag:s4], $0x0  }
0x19: {  	s7 =	sld [smem:$0x3F93]  }
0x1a: {  	s8 =	sadd.s32 $0xFFFFE003, lr  }
0x1b: {  	s9 =	sadd.s32 $0xFFFFFEF7, lr;
	s5 =	simm.s32 $0xFFFFFFFF;
	p2 =	slt.u32 s8, $0xFFFFF086  }
0x1c: {  	p1 =	slt.u32 s9, $0xF7A;
	s5 =	simm.s32 @!p2 $0x0  }
0x1d: {  	s5 =	simm.s32 @p1 $0x1;
	p0 =	seq.s32 s7, s2  }
0x1e: {  	s7 =	smul.u32 @!p0 $0xF7A, s2;
	p2 =	seq.s32 @!p0 s5, $0x0  }
0x1f: {  	s9 =	smul.u32 $0xF7A, s1;
	s8 =	simm.s32 @!p0 $0x1BF5;
	p2 =	por !p2, p0  }
0x20: {  	[sflag:s8] =	ssyncset.s32 @!p0 $0xFFFFF086;
	s6 =	sadd.s32 @!p0 s3, s7;
	s7 =	simm.s32 @!p0 $0x108  }
0x21: {  	s3 =	sadd.s32 s3, s9;
	s6 =	sadd.s32 @!p0 $0x88, s6;
	s7 =	simm.s32 @p2 $0x1082  }
0x22: {  	[simem:s7], [sflag:s8] =	dma.local @!p0 [hbm:s6], $0xF7A  }
0x23: {  	s9 =	sor.u32 $0xD0000000, s2;
	s6 =	simm.s32 $0x108;
	_ =	swait.ge @!p0 [sflag:s8], $0x0  }
0x24: {  	s3 =	sadd.s32 $0x88, s3;
	s6 =	simm.s32 @!p1 $0x1082;
	[sflag:s4] =	ssyncset.s32 $0xFFFFF086  }
0x25: {  	[simem:s6], [sflag:s4] =	dma.local [hbm:s3], $0xF7A  }
0x26: {  	[smem:$0x3F93] =	sst s1;
	(tag) =	ssettag s2;
	_ =	strace s9  }
0x27: {  	s1 =	sld [smem:$0x3FA3]  }
0x28: {  	s2 =	sld [smem:$0x3FA4]  }
0x29: {  	s4 =	sld [smem:$0x3FA6]  }
0x2a: {  	p0 =	seq.s32 s5, $0x0;
	s5 =	sld [smem:$0x3FA7]  }
0x2b: {  	s6 =	sld [smem:$0x3FA8]  }
0x2c: {  	s7 =	sld [smem:$0x3FA9]  }
0x2d: {  	s3 =	simm.s32 $0x108;
	s8 =	sld [smem:$0x3FAA]  }
0x2e: {  	s3 =	simm.s32 @!p0 $0x1082;
	s9 =	sld [smem:$0x3FAB]  }
0x2f: {  	lr =	sadd.s32 s0, s3;
	s0 =	sld [smem:$0x3FA2]  }
0x30: {  	s3 =	sld [smem:$0x3FA5]  }
0x31: {  	[smem:$0x3FAE] =	sst s10  }
0x32: {  	s10 =	sld [smem:$0x3FAC];
	_ =	sdelay $0x3  }
0x33: {  	p0 =	seq.s32 s10, $0x1;
	s10 =	sld [smem:$0x3FAE];
	_ =	sdelay $0x3  }
0x34: {  	[smem:$0x3FAE] =	sst s10  }
0x35: {  	s10 =	sld [smem:$0x3FAD];
	_ =	sdelay $0x3  }
0x36: {  	p1 =	seq.s32 s10, $0x1;
	s10 =	sld [smem:$0x3FAE];
	_ =	sdelay $0x3  }
0x37: {  	[smem:$0x3FAE] =	sst s10  }
0x38: {  	s10 =	sld [smem:$0x3FAF]  }
0x39: {  	_ = 	snop;
	(pc) =	sbr.ind lr, $3  }
0x3a: {  	_ = 	snop  }
0x3b: {  	_ = 	snop  }
0x3c: {  	p2 =	seq.s32 s10, $0x1;
	s10 =	sld [smem:$0x3FAE]  }
0x3d: {  	_ =	shalt  }
0x3e: {  	_ =	shalt  }
0x3f: {  	_ =	shalt  }
0x40: {  	_ =	shalt  }
0x41: {  	_ =	shalt  }
0x42: {  	_ =	shalt  }
0x43: {  	_ =	shalt  }
0x44: {  	_ =	shalt  }
0x45: {  	_ =	shalt  }
0x46: {  	_ =	shalt  }
0x47: {  	_ =	shalt  }
0x48: {  	_ =	shalt  }
0x49: {  	_ =	shalt  }
0x4a: {  	_ =	shalt  }
0x4b: {  	_ =	shalt  }
0x4c: {  	_ =	shalt  }
0x4d: {  	_ =	shalt  }
0x4e: {  	_ =	shalt  }
0x4f: {  	_ =	shalt  }
0x50: {  	_ =	shalt  }
0x51: {  	_ =	shalt  }
0x52: {  	_ =	shalt  }
0x53: {  	_ =	shalt  }
0x54: {  	_ =	shalt  }
0x55: {  	_ =	shalt  }
0x56: {  	_ =	shalt  }
0x57: {  	_ =	shalt  }
0x58: {  	_ =	shalt  }
0x59: {  	_ =	shalt  }
0x5a: {  	_ =	shalt  }
0x5b: {  	_ =	shalt  }
0x5c: {  	_ =	shalt  }
0x5d: {  	_ =	shalt  }
0x5e: {  	_ =	shalt  }
0x5f: {  	_ =	shalt  }
0x60: {  	_ =	shalt  }
0x61: {  	_ =	shalt  }
0x62: {  	_ =	shalt  }
0x63: {  	_ =	shalt  }
0x64: {  	_ =	shalt  }
0x65: {  	_ =	shalt  }
0x66: {  	_ =	shalt  }
0x67: {  	_ =	shalt  }
0x68: {  	_ =	shalt  }
0x69: {  	_ =	shalt  }
0x6a: {  	_ =	shalt  }
0x6b: {  	_ =	shalt  }
0x6c: {  	_ =	shalt  }
0x6d: {  	_ =	shalt  }
0x6e: {  	_ =	shalt  }
0x6f: {  	_ =	shalt  }
0x70: {  	_ =	shalt  }
0x71: {  	_ =	shalt  }
0x72: {  	_ =	shalt  }
0x73: {  	_ =	shalt  }
0x74: {  	_ =	shalt  }
0x75: {  	_ =	shalt  }
0x76: {  	_ =	shalt  }
0x77: {  	_ =	shalt  }
0x78: {  	_ =	shalt  }
0x79: {  	_ =	shalt  }
0x7a: {  	_ =	shalt  }
0x7b: {  	_ =	shalt  }
0x7c: {  	_ =	shalt  }
0x7d: {  	_ =	shalt  }
0x7e: {  	_ =	shalt  }
0x7f: {  	_ =	shalt  }
0x80: {  	_ =	shalt  }
0x81: {  	_ =	shalt  }
0x82: {  	_ =	shalt  }
0x83: {  	_ =	shalt  }
0x84: {  	_ =	shalt  }
0x85: {  	_ =	shalt  }
0x86: {  	_ =	shalt  }
0x87: {  	_ =	shalt  }
.Lfunc_end0:
.L_simem_size_0:
called_computation.2_lowered:
.L_overlay_start_0:
0x88: {  	s2 =	sld [smem:$0x3FD9]  }
0x89: {  	s3 =	sld [smem:$0x3FFE];
	_ =	sdelay $0x1  }
0x8a: {  	s1 =	srdreg.scid  }
0x8b: {  	s0 =	sand.u32 $0x1, s1  }
0x8c: {  	s16 =	sshll.u32 s0, $0xA;
	s2 =	sadd.s32 s3, s2  }
0x8d: {  	s2 =	sadd.s32 s2, s16  }
0x8e: {  	[smem:$0x3FBA] =	sst s2  }
0x8f: {  	_ = 	snop  }
0x90: {  	(tm) =	ssettm $0x1  }
0x91: {  	s17 =	sld [smem:$0x3FFB];
	_ =	sdelay $0x3  }
0x92: {  	_ =	strace s17  }
0x93: {  	s2 =	sld [smem:$0x3FFC];
	_ =	sdelay $0x3  }
0x94: {  	_ =	strace s2  }
0x95: {  	s2 =	sld [smem:$0x3FFD];
	_ =	sdelay $0x3  }
0x96: {  	_ =	strace s2  }
0x97: {  	_ =	strace $0x8FFFFFFF  }
0x98: {  	s18 =	sld [smem:$0x3FDB];
	_ =	sdelay $0x1  }
0x99: {  	s19 =	simm.s32 $_scs_section_size  }
0x9a: {  	s4 =	simm.s32 $_size__tile_overlayer_lowered;
	s5 =	simm.s32 $_tile_overlayer_lowered  }
0x9b: {  	s22 =	simm.s32 $0x1BFF;
	s21 =	sshll.u32 s5, $0x1;
	s2 =	sadd.s32 s19, s18  }
0x9c: {  	s6 =	simm.s32 $0x0;
	s20 =	sshll.u32 s4, $0x1;
	s4 =	sadd.s32 s21, s2  }
0x9d: {  	[timem:s6], [sflag:s22] =	dma.local [hbm:s4], s20  }
0x9e: {  	_ =	swait.ge [sflag:s22], s20  }
0x9f: {  	s3 =	ssub.s32 $0x0, s20;
	[sflag:s22] =	ssyncset.done $0x0  }
0xa0: {  	[sflag:s22] =	ssyncadd.s32 s3;
	_ =	sdelay $0x1  }
0xa1: {  	s23 =	simm.s32 $0x1B8B  }
0xa2: {  	_ =	swait.ge [sflag:s23], $0x1  }
0xa3: {  	[sflag:s23] =	ssyncset.done $0x0  }
0xa4: {  	s25 =	simm.s32 $0x1B8E;
	s24 =	sld [smem:$0x3FFE];
	[sflag:s23] =	ssyncadd.s32 $0xFFFFFFFF  }
0xa5: {  	s26 =	simm.s32 $execute0_lowered;
	[smem:$0x3FD2] =	sst s25  }
0xa6: {  	s4 =	sshll.u32 s26, $0x1;
	_ =	strace $0x8000004C;
	[dreg:$0x1] =	wrdreg $0xFFFFFFFF  }
0xa7: {  	s28 =	simm.s32 $_size_execute0_lowered;
	s2 =	sadd.s32 s2, s4;
	[dreg:$0x0] =	wrdreg $0x0  }
0xa8: {  	s4 =	sshll.u32 s28, $0x1;
	[dreg:$0x2] =	wrdreg s2  }
0xa9: {  	[dreg:$0x3] =	wrdreg s4  }
0xaa: {  	[dreg:$0x4] =	wrdreg $0xC0  }
0xab: {  	_ =	task [dreg:s6], $0x5FFFF  }
0xac: {  	[dreg:$0x1] =	wrdreg $0xFFFFFFFF  }
0xad: {  	[dreg:$0x0] =	wrdreg $0x60  }
0xae: {  	[dreg:$0x2] =	wrdreg s24  }
0xaf: {  	[dreg:$0x3] =	wrdreg $0x0  }
0xb0: {  	[dreg:$0x4] =	wrdreg $0x9  }
0xb1: {  	_ =	task.clear_ibuf [dreg:s6], $0x5FFFF;
	_ =	strace $0x9000004C  }
0xb2: {  	s29 =	simm.s32 $0x9;
	_ =	strace $0x8000004E  }
0xb3: {  	_ =	swait.ge [sflag:s29], $0x1  }
0xb4: {  	[sflag:s29] =	ssyncadd.s32 $0xFFFFFFFF  }
0xb5: {  	_ =	strace $0x9000004E  }
0xb6: {  	_ =	sfence  }
0xb7: {  	s30 =	sld [smem:$0x0];
	_ =	sdelay $0x2  }
0xb8: {  	s31 =	sshll.u32 s1, $0xD;
	s1 =	sshrl.u32 s1, $0x2  }
0xb9: {  	s3 =	sand.u32 $0x4000, s31;
	s1 =	sadd.s32 s1, s30  }
0xba: {  	s0 =	sor.u32 s3, s0;
	s1 =	sshll.u32 s1, $0x11  }
0xbb: {  	s0 =	sor.u32 s1, s0  }
0xbc: {  	s0 =	sadd.s32 $0x8F2B, s0  }
0xbd: {  	[sflag:s0] =	ssyncadd.remote.s32 $0x1  }
0xbe: {  	_ =	sfence.sel $0xFFFF  }
0xbf: {  	[dreg:$0x0] =	wrdreg $0xFFFFFFFF;
	(pc) =	sbr.abs _section_cstart, $3  }
0xc0: {  	[dreg:$0x1] =	wrdreg $0xFFFFFFFF  }
0xc1: {  	_ =	task.clear_ibuf [dreg:s6], $0x2FFFF;
	_ =	strace $0x9FFFFFFF  }
0xc2: {  	(tm) =	ssettm $0x7FFFFFFF  }
0xc3: {  	_ =	shalt  }
tec
execute0_lowered:
.L_overlay_start_1:
0x0: {  	(tag) =	ssettag $0x1  }
0x1: {  	s0 =	rddreg [dreg:$0x0]  }
0x2: {  	s1 =	rddreg [dreg:$0x1];
	s3 =	simm.s32 $0x0;
	s2 =	srdreg.scid  }
0x3: {  	s10 =	stileid.u32;
	s12 =	simm.s32 $0x3;
	s13 =	simm.s32 $0x1C000  }
0x4: {  	s14 =	simm.s32 $0x13C00;
	s15 =	simm.s32 $0x80;
	s16 =	simm.s32 $0x14000  }
0x5: {  	s17 =	simm.s32 $0x1C080;
	s18 =	simm.s32 $0x18000;
	s19 =	simm.s32 $0x1  }
0x6: {  	s28 =	simm.s32 $0x1C280;
	s29 =	simm.s32 $0x13E00;
	s30 =	simm.s32 $0x13E80  }
0x7: {  	s31 =	simm.s32 $0x1C300;
	[smem:$0x7FF] =	sst s3;
	s4 =	smul.u32 $0x98, s10  }
0x8: {  	s2 =	sand.u32 $0x1, s2;
	s5 =	sshll.u32 s10, $0x3;
	s7 =	smul.u32 $0x13C00, s10  }
0x9: {  	s8 =	smul.u32 $0x4F000, s10;
	s23 =	sshll.u32 s10, $0x6;
	p0 =	seq.s32 s2, $0x0  }
0xa: {  	s5 =	sor.u32 $0x980, s5;
	s6 =	smul.u32 $0x13C000, s2;
	_ =	strace $0x8000004D  }
0xb: {  	s20 =	ssub.s32 $0x2, s2;
	s5 =	smov.u32 @p0 s4;
	s4 =	sadd.s32 $0x16E00, s0  }
0xc: {  	s9 =	sshrl.u32 s20, $0x1;
	s21 =	sshrl.u32 s8, $0x2;
	p0 =	sne.s32 s2, $0x0  }
0xd: {  	s2 =	simm.s32 $0x13F00;
	s5 =	sshll.u32 s5, $0x4;
	s6 =	sadd.s32 s7, s6  }
0xe: {  	s7 =	ssub.s32 s20, s9;
	s8 =	sadd.s32 s21, s1;
	s20 =	simm.s32 $0x2  }
0xf: {  	s21 =	simm.s32 $0x13C80;
	s5 =	sadd.s32 s5, s0;
	s6 =	sshrl.u32 s6, $0x3  }
0x10: {  	s24 =	smax.u32 s7, $0x1;
	s11 =	sshrl.u32 s8, $0x3;
	s7 =	simm.s32 $0x0  }
0x11: {  	s0 =	sadd.s32 s6, s0;
	s6 =	sor.u32 $0x1C03, s23;
	[dreg:$0x5] =	wrdreg s24  }
0x12: {  	s25 =	sadd.s32 $0x2200, s5;
	s26 =	sadd.s32 $0xCE00, s5;
	s23 =	simm.s32 $0x1C180  }
0x13: {  	s24 =	simm.s32 $0x13D00;
	s5 =	simm.s32 $0x13F80;
	[dreg:$0x6] =	wrdreg s25  }
0x14: {  	s22 =	sadd.s32 $0x65E00, s0;
	s0 =	sadd.s32 $0xB4E00, s0;
	[dreg:$0x7] =	wrdreg s26  }
0x15: {  	s25 =	simm.s32 $0x13D80;
	s26 =	simm.s32 $0x1C200;
	[dreg:$0x3] =	wrdreg s22  }
0x16: {  	[dreg:$0x4] =	wrdreg s0;
	s22 =	simm.s32 $0x1C100;
	s0 =	simm.s32 $0x1C380  }
.LBB2_1:
0x17: {  	s8 =	rddreg [dreg:$0x3]  }
0x18: {  	[spmem:s11], [sflag:s6] =	dma.local [hbm:s8], $0x2780  }
0x19: {  	_ =	swait.ge [sflag:s12], $0x2780  }
0x1a: {  	[sflag:s12] =	ssyncset.done $0x0  }
0x1b: {  	[sflag:s12] =	ssyncadd.s32 $0xFFFFD880  }
0x1c: {  	[bflag:$0x0] =	sbarrier.arrive $0xFFFF  }
0x1d: {  	s10 =	rddreg [dreg:$0x7]  }
0x1e: {  	s8 =	simm.s32 $0x0;
	s9 =	rddreg [dreg:$0x6]  }
.LBB2_2:
0x1f: {  	[tilespmem:s13], [sflag:$0x3] =	stream.linear.gather [hbm4b:s10+s3], $0x400, $0x38;
	[tilespmem:$0x1C400] =	vst v63  }
0x20: {  	_ =	swait.ge [sflag:s12], $0x400  }
0x21: {  	[sflag:s12] =	ssyncset.done $0x0  }
0x22: {  	[sflag:s12] =	ssyncadd.s32 $0xFFFFFC00  }
0x23: {  	[tilespmem:s14], [sflag:$0x3] =	stream.linear.gather [hbm4b:s9+s3], $0x400, $0x38;
	[tilespmem:$0x1C400] =	vst v63  }
0x24: {  	_ =	swait.ge [sflag:s12], $0x400  }
0x25: {  	[sflag:s12] =	ssyncset.done $0x0  }
0x26: {  	[sflag:s12] =	ssyncadd.s32 $0xFFFFFC00  }
0x27: {  	[tilespmem:s16], [sflag:$0x1] =	stream.indirect.gather [hbm4b:s4+s15], $0x80, s13, s15, $0xb8;
	[tilespmem:$0x1C400] =	vst v63  }
0x28: {  	_ = 	snop  }
0x29: {  	[tilespmem:s18], [sflag:$0x2] =	stream.indirect.gather [hbm4b:s4+s15], $0x80, s17, s15, $0xb8;
	[tilespmem:$0x1C400] =	vst v63  }
0x2a: {  	_ =	swait.ge [sflag:s19], $0x4000  }
0x2b: {  	[sflag:s19] =	ssyncset.done $0x0  }
0x2c: {  	[sflag:s19] =	ssyncadd.s32 $0xFFFFC000  }
0x2d: {  	[spmem:s1] =	stream.indirect.scatter.add.f32 [tilespmem:s16], [sflag:$0x3], $0x80, s14, s15, $0xb8;
	[tilespmem:$0x1C400] =	vst v63  }
0x2e: {  	_ =	swait.ge [sflag:s12], $0x4000  }
0x2f: {  	[sflag:s12] =	ssyncset.done $0x0  }
0x30: {  	[sflag:s12] =	ssyncadd.s32 $0xFFFFC000  }
0x31: {  	_ =	swait.ge [sflag:s20], $0x4000  }
0x32: {  	[sflag:s20] =	ssyncset.done $0x0  }
0x33: {  	[sflag:s20] =	ssyncadd.s32 $0xFFFFC000  }
0x34: {  	[spmem:s1] =	stream.indirect.scatter.add.f32 [tilespmem:s18], [sflag:$0x3], $0x80, s21, s15, $0xb8;
	[tilespmem:$0x1C400] =	vst v63  }
0x35: {  	_ =	swait.ge [sflag:s12], $0x4000  }
0x36: {  	[sflag:s12] =	ssyncset.done $0x0  }
0x37: {  	[sflag:s12] =	ssyncadd.s32 $0xFFFFC000  }
0x38: {  	[tilespmem:s16], [sflag:$0x1] =	stream.indirect.gather [hbm4b:s4+s15], $0x80, s22, s15, $0xb8;
	[tilespmem:$0x1C400] =	vst v63  }
0x39: {  	_ = 	snop  }
0x3a: {  	[tilespmem:s18], [sflag:$0x2] =	stream.indirect.gather [hbm4b:s4+s15], $0x80, s23, s15, $0xb8;
	[tilespmem:$0x1C400] =	vst v63  }
0x3b: {  	_ =	swait.ge [sflag:s19], $0x4000  }
0x3c: {  	[sflag:s19] =	ssyncset.done $0x0  }
0x3d: {  	[sflag:s19] =	ssyncadd.s32 $0xFFFFC000  }
0x3e: {  	[spmem:s1] =	stream.indirect.scatter.add.f32 [tilespmem:s16], [sflag:$0x3], $0x80, s24, s15, $0xb8;
	[tilespmem:$0x1C400] =	vst v63  }
0x3f: {  	_ =	swait.ge [sflag:s12], $0x4000  }
0x40: {  	[sflag:s12] =	ssyncset.done $0x0  }
0x41: {  	[sflag:s12] =	ssyncadd.s32 $0xFFFFC000  }
0x42: {  	_ =	swait.ge [sflag:s20], $0x4000  }
0x43: {  	[sflag:s20] =	ssyncset.done $0x0  }
0x44: {  	[sflag:s20] =	ssyncadd.s32 $0xFFFFC000  }
0x45: {  	[spmem:s1] =	stream.indirect.scatter.add.f32 [tilespmem:s18], [sflag:$0x3], $0x80, s25, s15, $0xb8;
	[tilespmem:$0x1C400] =	vst v63  }
0x46: {  	_ =	swait.ge [sflag:s12], $0x4000  }
0x47: {  	[sflag:s12] =	ssyncset.done $0x0  }
0x48: {  	[sflag:s12] =	ssyncadd.s32 $0xFFFFC000  }
0x49: {  	[tilespmem:s16], [sflag:$0x1] =	stream.indirect.gather [hbm4b:s4+s15], $0x80, s26, s15, $0xb8;
	[tilespmem:$0x1C400] =	vst v63  }
0x4a: {  	_ = 	snop  }
0x4b: {  	[tilespmem:s18], [sflag:$0x2] =	stream.indirect.gather [hbm4b:s4+s15], $0x80, s28, s15, $0xb8;
	[tilespmem:$0x1C400] =	vst v63  }
0x4c: {  	_ =	swait.ge [sflag:s19], $0x4000  }
0x4d: {  	[sflag:s19] =	ssyncset.done $0x0  }
0x4e: {  	[sflag:s19] =	ssyncadd.s32 $0xFFFFC000  }
0x4f: {  	[spmem:s1] =	stream.indirect.scatter.add.f32 [tilespmem:s16], [sflag:$0x3], $0x80, s29, s15, $0xb8;
	[tilespmem:$0x1C400] =	vst v63  }
0x50: {  	_ =	swait.ge [sflag:s12], $0x4000  }
0x51: {  	[sflag:s12] =	ssyncset.done $0x0  }
0x52: {  	[sflag:s12] =	ssyncadd.s32 $0xFFFFC000  }
0x53: {  	_ =	swait.ge [sflag:s20], $0x4000  }
0x54: {  	[sflag:s20] =	ssyncset.done $0x0  }
0x55: {  	[sflag:s20] =	ssyncadd.s32 $0xFFFFC000  }
0x56: {  	[spmem:s1] =	stream.indirect.scatter.add.f32 [tilespmem:s18], [sflag:$0x3], $0x80, s30, s15, $0xb8;
	[tilespmem:$0x1C400] =	vst v63  }
0x57: {  	_ =	swait.ge [sflag:s12], $0x4000  }
0x58: {  	[sflag:s12] =	ssyncset.done $0x0  }
0x59: {  	[sflag:s12] =	ssyncadd.s32 $0xFFFFC000  }
0x5a: {  	[tilespmem:s16], [sflag:$0x1] =	stream.indirect.gather [hbm4b:s4+s15], $0x80, s31, s15, $0xb8;
	[tilespmem:$0x1C400] =	vst v63  }
0x5b: {  	_ = 	snop  }
0x5c: {  	[tilespmem:s18], [sflag:$0x2] =	stream.indirect.gather [hbm4b:s4+s15], $0x80, s0, s15, $0xb8;
	[tilespmem:$0x1C400] =	vst v63  }
0x5d: {  	_ =	swait.ge [sflag:s19], $0x4000  }
0x5e: {  	[sflag:s19] =	ssyncset.done $0x0  }
0x5f: {  	[sflag:s19] =	ssyncadd.s32 $0xFFFFC000  }
0x60: {  	[spmem:s1] =	stream.indirect.scatter.add.f32 [tilespmem:s16], [sflag:$0x3], $0x80, s2, s15, $0xb8;
	[tilespmem:$0x1C400] =	vst v63  }
0x61: {  	_ =	swait.ge [sflag:s12], $0x4000  }
0x62: {  	[sflag:s12] =	ssyncset.done $0x0  }
0x63: {  	[sflag:s12] =	ssyncadd.s32 $0xFFFFC000  }
0x64: {  	p1 =	slt.u32 @!p0 s8, $0x12;
	_ =	swait.ge [sflag:s20], $0x4000  }
0x65: {  	p1 =	por p0, !p1;
	[sflag:s20] =	ssyncset.done $0x0  }
.Ltmp0:
0x66: {  	[sflag:s20] =	ssyncadd.s32 $0xFFFFC000;
	(pc) =	sbr.rel @!p1 .LBB2_2-.Ltmp0, $4  }
0x67: {  	[spmem:s1] =	stream.indirect.scatter.add.f32 [tilespmem:s18], [sflag:$0x3], $0x80, s5, s15, $0xb8;
	[tilespmem:$0x1C400] =	vst v63  }
0x68: {  	_ =	swait.ge [sflag:s12], $0x4000  }
0x69: {  	s8 =	sadd.s32 $0x1, s8;
	[sflag:s12] =	ssyncset.done $0x0  }
0x6a: {  	s10 =	sadd.s32 $0x80, s10;
	s9 =	sadd.s32 $0x80, s9;
	[sflag:s12] =	ssyncadd.s32 $0xFFFFC000  }
0x6b: {  	[bflag:$0x0] =	sbarrier.arrive $0xFFFF  }
0x6c: {  	s8 =	rddreg [dreg:$0x4]  }
0x6d: {  	[hbm:s8], [sflag:s6] =	dma.local [spmem:s11], $0x2780  }
0x6e: {  	_ =	swait.ge [sflag:s12], $0x2780  }
0x6f: {  	s7 =	sadd.s32 $0x1, s7;
	s10 =	rddreg [dreg:$0x5]  }
0x70: {  	p1 =	sne.s32 s7, s10  }
.Ltmp1:
0x71: {  	_ = 	snop;
	(pc) =	sbr.rel @p1 .LBB2_1-.Ltmp1, $3  }
0x72: {  	_ =	sdelay $0x1  }
0x73: {  	[sflag:s12] =	ssyncset.done $0x0  }
0x74: {  	[sflag:s12] =	ssyncadd.s32 $0xFFFFD880  }
0x75: {  	_ =	sfence.sel $0x180000  }
0x76: {  	[bflag:$0x0] =	sbarrier.arrive $0xFFFF  }
0x77: {  	_ =	strace $0x9000004D  }
0x78: {  	s0 =	stileid.u32;
	[bflag:$0x2] =	sbarrier.arrive $0xFFFF  }
0x79: {  	p0 =	sne.s32 s0, $0x0;
	s0 =	rddreg [dreg:$0x2]  }
0x7a: {  	s0 =	sadd.s32 @!p0 $0x100000, s0  }
0x7b: {  	[sflag:s0] =	ssyncadd.tile.s32 @!p0 $0x1;
	_ =	shalt  }
.Lfunc_end2:
_tile_overlayer_lowered:
.L_overlay_start_2:
0x7c: {  	(tag) =	ssettag $0x2  }
0x7d: {  	s0 =	rddreg [dreg:$0x0];
	s2 =	stileid.u32  }
0x7e: {  	s1 =	rddreg [dreg:$0x1];
	p0 =	sne.s32 s2, $0x0  }
0x7f: {  	s3 =	rddreg [dreg:$0x2];
	[bflag:$0x3] =	sbarrier.arrive $0xFFFF;
	s2 =	simm.s32 @!p0 $0x1C03  }
0x80: {  	[timem:s3], [sflag:s2] =	dma.local @!p0 [hbm:s0], s1  }
0x81: {  	s0 =	simm.s32 @!p0 $0x3  }
0x82: {  	_ =	swait.ge @!p0 [sflag:s0], s1  }
0x83: {  	s1 =	ssub.s32 @!p0 $0x0, s1;
	[sflag:s0] =	ssyncset.done @!p0 $0x0  }
0x84: {  	[sflag:s0] =	ssyncadd.s32 @!p0 s1  }
0x85: {  	[bflag:$0x3] =	sbarrier.arrive $0xFFFF  }
0x86: {  	_ =	shalt  }

// kernel: kernel.19.cloned.1.call-start
scs
__scs_entry_jumppad:
0x0: {  	(pc) =	sbr.rel $0x88, $3  }
0x1: {  	(tag) =	ssettag $0x0;
	lr =	simm.s32 $0x1  }
0x2: {  	[smem:$0x3F93] =	sst lr;
	_ =	strace $0xD0000000  }
0x3: {  	_ = 	snop  }
0x4: {  	_ = 	snop  }
0x5: {  	_ = 	snop  }
0x6: {  	_ = 	snop  }
0x7: {  	_ = 	snop  }
__scs_overlays_trampoline_lowered:
0x8: {  	[smem:$0x3FA2] =	sst s0  }
0x9: {  	[smem:$0x3FA3] =	sst s1  }
0xa: {  	[smem:$0x3FA4] =	sst s2  }
0xb: {  	[smem:$0x3FA5] =	sst s3  }
0xc: {  	[smem:$0x3FA6] =	sst s4  }
0xd: {  	[smem:$0x3FA7] =	sst s5  }
0xe: {  	[smem:$0x3FA8] =	sst s6  }
0xf: {  	[smem:$0x3FA9] =	sst s7  }
0x10: {  	[smem:$0x3FAA] =	sst s8  }
0x11: {  	[smem:$0x3FAB] =	sst s9;
	s0 =	simm.s32 @!p0 $0x0  }
0x12: {  	s1 =	sld [smem:$0x3F91];
	s0 =	simm.s32 @p0 $0x1  }
0x13: {  	[smem:$0x3FAC] =	sst s0;
	s0 =	simm.s32 @!p1 $0x0  }
0x14: {  	s2 =	sld [smem:$0x3F90];
	s0 =	simm.s32 @p1 $0x1  }
0x15: {  	[smem:$0x3FAD] =	sst s0;
	s0 =	simm.s32 @!p2 $0x0  }
0x16: {  	s3 =	sld [smem:$0x3FDB];
	s0 =	simm.s32 @p2 $0x1  }
0x17: {  	s4 =	simm.s32 $0x1BF5;
	[smem:$0x3FAF] =	sst s0  }
0x18: {  	s0 =	sld [smem:$0x3F92];
	_ =	swait.ge [sflag:s4], $0x0  }
0x19: {  	s7 =	sld [smem:$0x3F93]  }
0x1a: {  	s8 =	sadd.s32 $0xFFFFE003, lr  }
0x1b: {  	s9 =	sadd.s32 $0xFFFFFEF7, lr;
	s5 =	simm.s32 $0xFFFFFFFF;
	p2 =	slt.u32 s8, $0xFFFFF086  }
0x1c: {  	p1 =	slt.u32 s9, $0xF7A;
	s5 =	simm.s32 @!p2 $0x0  }
0x1d: {  	s5 =	simm.s32 @p1 $0x1;
	p0 =	seq.s32 s7, s2  }
0x1e: {  	s7 =	smul.u32 @!p0 $0xF7A, s2;
	p2 =	seq.s32 @!p0 s5, $0x0  }
0x1f: {  	s9 =	smul.u32 $0xF7A, s1;
	s8 =	simm.s32 @!p0 $0x1BF5;
	p2 =	por !p2, p0  }
0x20: {  	[sflag:s8] =	ssyncset.s32 @!p0 $0xFFFFF086;
	s6 =	sadd.s32 @!p0 s3, s7;
	s7 =	simm.s32 @!p0 $0x108  }
0x21: {  	s3 =	sadd.s32 s3, s9;
	s6 =	sadd.s32 @!p0 $0x88, s6;
	s7 =	simm.s32 @p2 $0x1082  }
0x22: {  	[simem:s7], [sflag:s8] =	dma.local @!p0 [hbm:s6], $0xF7A  }
0x23: {  	s9 =	sor.u32 $0xD0000000, s2;
	s6 =	simm.s32 $0x108;
	_ =	swait.ge @!p0 [sflag:s8], $0x0  }
0x24: {  	s3 =	sadd.s32 $0x88, s3;
	s6 =	simm.s32 @!p1 $0x1082;
	[sflag:s4] =	ssyncset.s32 $0xFFFFF086  }
0x25: {  	[simem:s6], [sflag:s4] =	dma.local [hbm:s3], $0xF7A  }
0x26: {  	[smem:$0x3F93] =	sst s1;
	(tag) =	ssettag s2;
	_ =	strace s9  }
0x27: {  	s1 =	sld [smem:$0x3FA3]  }
0x28: {  	s2 =	sld [smem:$0x3FA4]  }
0x29: {  	s4 =	sld [smem:$0x3FA6]  }
0x2a: {  	p0 =	seq.s32 s5, $0x0;
	s5 =	sld [smem:$0x3FA7]  }
0x2b: {  	s6 =	sld [smem:$0x3FA8]  }
0x2c: {  	s7 =	sld [smem:$0x3FA9]  }
0x2d: {  	s3 =	simm.s32 $0x108;
	s8 =	sld [smem:$0x3FAA]  }
0x2e: {  	s3 =	simm.s32 @!p0 $0x1082;
	s9 =	sld [smem:$0x3FAB]  }
0x2f: {  	lr =	sadd.s32 s0, s3;
	s0 =	sld [smem:$0x3FA2]  }
0x30: {  	s3 =	sld [smem:$0x3FA5]  }
0x31: {  	[smem:$0x3FAE] =	sst s10  }
0x32: {  	s10 =	sld [smem:$0x3FAC];
	_ =	sdelay $0x3  }
0x33: {  	p0 =	seq.s32 s10, $0x1;
	s10 =	sld [smem:$0x3FAE];
	_ =	sdelay $0x3  }
0x34: {  	[smem:$0x3FAE] =	sst s10  }
0x35: {  	s10 =	sld [smem:$0x3FAD];
	_ =	sdelay $0x3  }
0x36: {  	p1 =	seq.s32 s10, $0x1;
	s10 =	sld [smem:$0x3FAE];
	_ =	sdelay $0x3  }
0x37: {  	[smem:$0x3FAE] =	sst s10  }
0x38: {  	s10 =	sld [smem:$0x3FAF]  }
0x39: {  	_ = 	snop;
	(pc) =	sbr.ind lr, $3  }
0x3a: {  	_ = 	snop  }
0x3b: {  	_ = 	snop  }
0x3c: {  	p2 =	seq.s32 s10, $0x1;
	s10 =	sld [smem:$0x3FAE]  }
0x3d: {  	_ =	shalt  }
0x3e: {  	_ =	shalt  }
0x3f: {  	_ =	shalt  }
0x40: {  	_ =	shalt  }
0x41: {  	_ =	shalt  }
0x42: {  	_ =	shalt  }
0x43: {  	_ =	shalt  }
0x44: {  	_ =	shalt  }
0x45: {  	_ =	shalt  }
0x46: {  	_ =	shalt  }
0x47: {  	_ =	shalt  }
0x48: {  	_ =	shalt  }
0x49: {  	_ =	shalt  }
0x4a: {  	_ =	shalt  }
0x4b: {  	_ =	shalt  }
0x4c: {  	_ =	shalt  }
0x4d: {  	_ =	shalt  }
0x4e: {  	_ =	shalt  }
0x4f: {  	_ =	shalt  }
0x50: {  	_ =	shalt  }
0x51: {  	_ =	shalt  }
0x52: {  	_ =	shalt  }
0x53: {  	_ =	shalt  }
0x54: {  	_ =	shalt  }
0x55: {  	_ =	shalt  }
0x56: {  	_ =	shalt  }
0x57: {  	_ =	shalt  }
0x58: {  	_ =	shalt  }
0x59: {  	_ =	shalt  }
0x5a: {  	_ =	shalt  }
0x5b: {  	_ =	shalt  }
0x5c: {  	_ =	shalt  }
0x5d: {  	_ =	shalt  }
0x5e: {  	_ =	shalt  }
0x5f: {  	_ =	shalt  }
0x60: {  	_ =	shalt  }
0x61: {  	_ =	shalt  }
0x62: {  	_ =	shalt  }
0x63: {  	_ =	shalt  }
0x64: {  	_ =	shalt  }
0x65: {  	_ =	shalt  }
0x66: {  	_ =	shalt  }
0x67: {  	_ =	shalt  }
0x68: {  	_ =	shalt  }
0x69: {  	_ =	shalt  }
0x6a: {  	_ =	shalt  }
0x6b: {  	_ =	shalt  }
0x6c: {  	_ =	shalt  }
0x6d: {  	_ =	shalt  }
0x6e: {  	_ =	shalt  }
0x6f: {  	_ =	shalt  }
0x70: {  	_ =	shalt  }
0x71: {  	_ =	shalt  }
0x72: {  	_ =	shalt  }
0x73: {  	_ =	shalt  }
0x74: {  	_ =	shalt  }
0x75: {  	_ =	shalt  }
0x76: {  	_ =	shalt  }
0x77: {  	_ =	shalt  }
0x78: {  	_ =	shalt  }
0x79: {  	_ =	shalt  }
0x7a: {  	_ =	shalt  }
0x7b: {  	_ =	shalt  }
0x7c: {  	_ =	shalt  }
0x7d: {  	_ =	shalt  }
0x7e: {  	_ =	shalt  }
0x7f: {  	_ =	shalt  }
0x80: {  	_ =	shalt  }
0x81: {  	_ =	shalt  }
0x82: {  	_ =	shalt  }
0x83: {  	_ =	shalt  }
0x84: {  	_ =	shalt  }
0x85: {  	_ =	shalt  }
0x86: {  	_ =	shalt  }
0x87: {  	_ =	shalt  }
.Lfunc_end0:
.L_simem_size_0:
called_computation.3_lowered:
.L_overlay_start_0:
0x88: {  	s2 =	sld [smem:$0x3FD9]  }
0x89: {  	s3 =	sld [smem:$0x3FFE];
	_ =	sdelay $0x1  }
0x8a: {  	s1 =	srdreg.scid  }
0x8b: {  	s0 =	sand.u32 $0x1, s1  }
0x8c: {  	s16 =	sshll.u32 s0, $0xA;
	s2 =	sadd.s32 s3, s2  }
0x8d: {  	s2 =	sadd.s32 s2, s16  }
0x8e: {  	[smem:$0x3FBA] =	sst s2  }
0x8f: {  	_ = 	snop  }
0x90: {  	(tm) =	ssettm $0x1  }
0x91: {  	s17 =	sld [smem:$0x3FFB];
	_ =	sdelay $0x3  }
0x92: {  	_ =	strace s17  }
0x93: {  	s2 =	sld [smem:$0x3FFC];
	_ =	sdelay $0x3  }
0x94: {  	_ =	strace s2  }
0x95: {  	s2 =	sld [smem:$0x3FFD];
	_ =	sdelay $0x3  }
0x96: {  	_ =	strace s2  }
0x97: {  	_ =	strace $0x8FFFFFFF  }
0x98: {  	s18 =	sld [smem:$0x3FDB];
	_ =	sdelay $0x1  }
0x99: {  	s19 =	simm.s32 $_scs_section_size  }
0x9a: {  	s4 =	simm.s32 $_size__tile_overlayer_lowered;
	s5 =	simm.s32 $_tile_overlayer_lowered  }
0x9b: {  	s22 =	simm.s32 $0x1BFF;
	s21 =	sshll.u32 s5, $0x1;
	s2 =	sadd.s32 s19, s18  }
0x9c: {  	s6 =	simm.s32 $0x0;
	s20 =	sshll.u32 s4, $0x1;
	s4 =	sadd.s32 s21, s2  }
0x9d: {  	[timem:s6], [sflag:s22] =	dma.local [hbm:s4], s20  }
0x9e: {  	_ =	swait.ge [sflag:s22], s20  }
0x9f: {  	s3 =	ssub.s32 $0x0, s20;
	[sflag:s22] =	ssyncset.done $0x0  }
0xa0: {  	[sflag:s22] =	ssyncadd.s32 s3;
	_ =	sdelay $0x1  }
0xa1: {  	s23 =	simm.s32 $0x1B8B  }
0xa2: {  	_ =	swait.ge [sflag:s23], $0x1  }
0xa3: {  	[sflag:s23] =	ssyncset.done $0x0  }
0xa4: {  	s25 =	simm.s32 $0x1B8E;
	s24 =	sld [smem:$0x3FFE];
	[sflag:s23] =	ssyncadd.s32 $0xFFFFFFFF  }
0xa5: {  	s26 =	simm.s32 $execute0_lowered;
	[smem:$0x3FD2] =	sst s25  }
0xa6: {  	s4 =	sshll.u32 s26, $0x1;
	_ =	strace $0x8000004F;
	[dreg:$0x1] =	wrdreg $0xFFFFFFFF  }
0xa7: {  	s28 =	simm.s32 $_size_execute0_lowered;
	s2 =	sadd.s32 s2, s4;
	[dreg:$0x0] =	wrdreg $0x0  }
0xa8: {  	s4 =	sshll.u32 s28, $0x1;
	[dreg:$0x2] =	wrdreg s2  }
0xa9: {  	[dreg:$0x3] =	wrdreg s4  }
0xaa: {  	[dreg:$0x4] =	wrdreg $0xC0  }
0xab: {  	_ =	task [dreg:s6], $0x5FFFF  }
0xac: {  	[dreg:$0x1] =	wrdreg $0xFFFFFFFF  }
0xad: {  	[dreg:$0x0] =	wrdreg $0x60  }
0xae: {  	[dreg:$0x2] =	wrdreg s24  }
0xaf: {  	[dreg:$0x3] =	wrdreg $0x0  }
0xb0: {  	[dreg:$0x4] =	wrdreg $0x9  }
0xb1: {  	_ =	task.clear_ibuf [dreg:s6], $0x5FFFF;
	_ =	strace $0x9000004F  }
0xb2: {  	s29 =	simm.s32 $0x9;
	_ =	strace $0x80000051  }
0xb3: {  	_ =	swait.ge [sflag:s29], $0x1  }
0xb4: {  	[sflag:s29] =	ssyncadd.s32 $0xFFFFFFFF  }
0xb5: {  	_ =	strace $0x90000051  }
0xb6: {  	_ =	sfence  }
0xb7: {  	s30 =	sld [smem:$0x0];
	_ =	sdelay $0x2  }
0xb8: {  	s31 =	sshll.u32 s1, $0xD;
	s1 =	sshrl.u32 s1, $0x2  }
0xb9: {  	s3 =	sand.u32 $0x4000, s31;
	s1 =	sadd.s32 s1, s30  }
0xba: {  	s0 =	sor.u32 s3, s0;
	s1 =	sshll.u32 s1, $0x11  }
0xbb: {  	s0 =	sor.u32 s1, s0  }
0xbc: {  	s0 =	sadd.s32 $0x8F2B, s0  }
0xbd: {  	[sflag:s0] =	ssyncadd.remote.s32 $0x1  }
0xbe: {  	_ =	sfence.sel $0xFFFF  }
0xbf: {  	[dreg:$0x0] =	wrdreg $0xFFFFFFFF;
	(pc) =	sbr.abs _section_cstart, $3  }
0xc0: {  	[dreg:$0x1] =	wrdreg $0xFFFFFFFF  }
0xc1: {  	_ =	task.clear_ibuf [dreg:s6], $0x2FFFF;
	_ =	strace $0x9FFFFFFF  }
0xc2: {  	(tm) =	ssettm $0x7FFFFFFF  }
0xc3: {  	_ =	shalt  }
tec
execute0_lowered:
.L_overlay_start_1:
0x0: {  	(tag) =	ssettag $0x1  }
0x1: {  	s0 =	rddreg [dreg:$0x0]  }
0x2: {  	s1 =	rddreg [dreg:$0x1];
	s3 =	simm.s32 $0x0;
	s2 =	srdreg.scid  }
0x3: {  	s10 =	stileid.u32;
	s12 =	simm.s32 $0x3;
	s13 =	simm.s32 $0x1C000  }
0x4: {  	s14 =	simm.s32 $0x13C00;
	s15 =	simm.s32 $0x80;
	s16 =	simm.s32 $0x14000  }
0x5: {  	s17 =	simm.s32 $0x1C080;
	s18 =	simm.s32 $0x18000;
	s19 =	simm.s32 $0x1  }
0x6: {  	s28 =	simm.s32 $0x1C280;
	s29 =	simm.s32 $0x13E00;
	s30 =	simm.s32 $0x13E80  }
0x7: {  	s31 =	simm.s32 $0x1C300;
	[smem:$0x7FF] =	sst s3;
	s4 =	smul.u32 $0x98, s10  }
0x8: {  	s2 =	sand.u32 $0x1, s2;
	s5 =	sshll.u32 s10, $0x3;
	s7 =	smul.u32 $0x13C00, s10  }
0x9: {  	s8 =	smul.u32 $0x4F000, s10;
	s23 =	sshll.u32 s10, $0x6;
	p0 =	seq.s32 s2, $0x0  }
0xa: {  	s5 =	sor.u32 $0x980, s5;
	s6 =	smul.u32 $0x13C000, s2;
	_ =	strace $0x80000050  }
0xb: {  	s20 =	ssub.s32 $0x2, s2;
	s5 =	smov.u32 @p0 s4;
	s4 =	sadd.s32 $0x16E00, s0  }
0xc: {  	s9 =	sshrl.u32 s20, $0x1;
	s21 =	sshrl.u32 s8, $0x2;
	p0 =	sne.s32 s2, $0x0  }
0xd: {  	s2 =	simm.s32 $0x13F00;
	s5 =	sshll.u32 s5, $0x4;
	s6 =	sadd.s32 s7, s6  }
0xe: {  	s7 =	ssub.s32 s20, s9;
	s8 =	sadd.s32 s21, s1;
	s20 =	simm.s32 $0x2  }
0xf: {  	s21 =	simm.s32 $0x13C80;
	s5 =	sadd.s32 s5, s0;
	s6 =	sshrl.u32 s6, $0x3  }
0x10: {  	s24 =	smax.u32 s7, $0x1;
	s11 =	sshrl.u32 s8, $0x3;
	s7 =	simm.s32 $0x0  }
0x11: {  	s0 =	sadd.s32 s6, s0;
	s6 =	sor.u32 $0x1C03, s23;
	[dreg:$0x5] =	wrdreg s24  }
0x12: {  	s25 =	sadd.s32 $0x2200, s5;
	s26 =	sadd.s32 $0xCE00, s5;
	s23 =	simm.s32 $0x1C180  }
0x13: {  	s24 =	simm.s32 $0x13D00;
	s5 =	simm.s32 $0x13F80;
	[dreg:$0x6] =	wrdreg s25  }
0x14: {  	s22 =	sadd.s32 $0x65E00, s0;
	s0 =	sadd.s32 $0xB4E00, s0;
	[dreg:$0x7] =	wrdreg s26  }
0x15: {  	s25 =	simm.s32 $0x13D80;
	s26 =	simm.s32 $0x1C200;
	[dreg:$0x3] =	wrdreg s22  }
0x16: {  	[dreg:$0x4] =	wrdreg s0;
	s22 =	simm.s32 $0x1C100;
	s0 =	simm.s32 $0x1C380  }
.LBB2_1:
0x17: {  	s8 =	rddreg [dreg:$0x3]  }
0x18: {  	[spmem:s11], [sflag:s6] =	dma.local [hbm:s8], $0x2780  }
0x19: {  	_ =	swait.ge [sflag:s12], $0x2780  }
0x1a: {  	[sflag:s12] =	ssyncset.done $0x0  }
0x1b: {  	[sflag:s12] =	ssyncadd.s32 $0xFFFFD880  }
0x1c: {  	[bflag:$0x0] =	sbarrier.arrive $0xFFFF  }
0x1d: {  	s10 =	rddreg [dreg:$0x7]  }
0x1e: {  	s8 =	simm.s32 $0x0;
	s9 =	rddreg [dreg:$0x6]  }
.LBB2_2:
0x1f: {  	[tilespmem:s13], [sflag:$0x3] =	stream.linear.gather [hbm4b:s10+s3], $0x400, $0x38;
	[tilespmem:$0x1C400] =	vst v63  }
0x20: {  	_ =	swait.ge [sflag:s12], $0x400  }
0x21: {  	[sflag:s12] =	ssyncset.done $0x0  }
0x22: {  	[sflag:s12] =	ssyncadd.s32 $0xFFFFFC00  }
0x23: {  	[tilespmem:s14], [sflag:$0x3] =	stream.linear.gather [hbm4b:s9+s3], $0x400, $0x38;
	[tilespmem:$0x1C400] =	vst v63  }
0x24: {  	_ =	swait.ge [sflag:s12], $0x400  }
0x25: {  	[sflag:s12] =	ssyncset.done $0x0  }
0x26: {  	[sflag:s12] =	ssyncadd.s32 $0xFFFFFC00  }
0x27: {  	[tilespmem:s16], [sflag:$0x1] =	stream.indirect.gather [hbm4b:s4+s15], $0x80, s13, s15, $0xb8;
	[tilespmem:$0x1C400] =	vst v63  }
0x28: {  	_ = 	snop  }
0x29: {  	[tilespmem:s18], [sflag:$0x2] =	stream.indirect.gather [hbm4b:s4+s15], $0x80, s17, s15, $0xb8;
	[tilespmem:$0x1C400] =	vst v63  }
0x2a: {  	_ =	swait.ge [sflag:s19], $0x4000  }
0x2b: {  	[sflag:s19] =	ssyncset.done $0x0  }
0x2c: {  	[sflag:s19] =	ssyncadd.s32 $0xFFFFC000  }
0x2d: {  	[spmem:s1] =	stream.indirect.scatter.add.f32 [tilespmem:s16], [sflag:$0x3], $0x80, s14, s15, $0xb8;
	[tilespmem:$0x1C400] =	vst v63  }
0x2e: {  	_ =	swait.ge [sflag:s12], $0x4000  }
0x2f: {  	[sflag:s12] =	ssyncset.done $0x0  }
0x30: {  	[sflag:s12] =	ssyncadd.s32 $0xFFFFC000  }
0x31: {  	_ =	swait.ge [sflag:s20], $0x4000  }
0x32: {  	[sflag:s20] =	ssyncset.done $0x0  }
0x33: {  	[sflag:s20] =	ssyncadd.s32 $0xFFFFC000  }
0x34: {  	[spmem:s1] =	stream.indirect.scatter.add.f32 [tilespmem:s18], [sflag:$0x3], $0x80, s21, s15, $0xb8;
	[tilespmem:$0x1C400] =	vst v63  }
0x35: {  	_ =	swait.ge [sflag:s12], $0x4000  }
0x36: {  	[sflag:s12] =	ssyncset.done $0x0  }
0x37: {  	[sflag:s12] =	ssyncadd.s32 $0xFFFFC000  }
0x38: {  	[tilespmem:s16], [sflag:$0x1] =	stream.indirect.gather [hbm4b:s4+s15], $0x80, s22, s15, $0xb8;
	[tilespmem:$0x1C400] =	vst v63  }
0x39: {  	_ = 	snop  }
0x3a: {  	[tilespmem:s18], [sflag:$0x2] =	stream.indirect.gather [hbm4b:s4+s15], $0x80, s23, s15, $0xb8;
	[tilespmem:$0x1C400] =	vst v63  }
0x3b: {  	_ =	swait.ge [sflag:s19], $0x4000  }
0x3c: {  	[sflag:s19] =	ssyncset.done $0x0  }
0x3d: {  	[sflag:s19] =	ssyncadd.s32 $0xFFFFC000  }
0x3e: {  	[spmem:s1] =	stream.indirect.scatter.add.f32 [tilespmem:s16], [sflag:$0x3], $0x80, s24, s15, $0xb8;
	[tilespmem:$0x1C400] =	vst v63  }
0x3f: {  	_ =	swait.ge [sflag:s12], $0x4000  }
0x40: {  	[sflag:s12] =	ssyncset.done $0x0  }
0x41: {  	[sflag:s12] =	ssyncadd.s32 $0xFFFFC000  }
0x42: {  	_ =	swait.ge [sflag:s20], $0x4000  }
0x43: {  	[sflag:s20] =	ssyncset.done $0x0  }
0x44: {  	[sflag:s20] =	ssyncadd.s32 $0xFFFFC000  }
0x45: {  	[spmem:s1] =	stream.indirect.scatter.add.f32 [tilespmem:s18], [sflag:$0x3], $0x80, s25, s15, $0xb8;
	[tilespmem:$0x1C400] =	vst v63  }
0x46: {  	_ =	swait.ge [sflag:s12], $0x4000  }
0x47: {  	[sflag:s12] =	ssyncset.done $0x0  }
0x48: {  	[sflag:s12] =	ssyncadd.s32 $0xFFFFC000  }
0x49: {  	[tilespmem:s16], [sflag:$0x1] =	stream.indirect.gather [hbm4b:s4+s15], $0x80, s26, s15, $0xb8;
	[tilespmem:$0x1C400] =	vst v63  }
0x4a: {  	_ = 	snop  }
0x4b: {  	[tilespmem:s18], [sflag:$0x2] =	stream.indirect.gather [hbm4b:s4+s15], $0x80, s28, s15, $0xb8;
	[tilespmem:$0x1C400] =	vst v63  }
0x4c: {  	_ =	swait.ge [sflag:s19], $0x4000  }
0x4d: {  	[sflag:s19] =	ssyncset.done $0x0  }
0x4e: {  	[sflag:s19] =	ssyncadd.s32 $0xFFFFC000  }
0x4f: {  	[spmem:s1] =	stream.indirect.scatter.add.f32 [tilespmem:s16], [sflag:$0x3], $0x80, s29, s15, $0xb8;
	[tilespmem:$0x1C400] =	vst v63  }
0x50: {  	_ =	swait.ge [sflag:s12], $0x4000  }
0x51: {  	[sflag:s12] =	ssyncset.done $0x0  }
0x52: {  	[sflag:s12] =	ssyncadd.s32 $0xFFFFC000  }
0x53: {  	_ =	swait.ge [sflag:s20], $0x4000  }
0x54: {  	[sflag:s20] =	ssyncset.done $0x0  }
0x55: {  	[sflag:s20] =	ssyncadd.s32 $0xFFFFC000  }
0x56: {  	[spmem:s1] =	stream.indirect.scatter.add.f32 [tilespmem:s18], [sflag:$0x3], $0x80, s30, s15, $0xb8;
	[tilespmem:$0x1C400] =	vst v63  }
0x57: {  	_ =	swait.ge [sflag:s12], $0x4000  }
0x58: {  	[sflag:s12] =	ssyncset.done $0x0  }
0x59: {  	[sflag:s12] =	ssyncadd.s32 $0xFFFFC000  }
0x5a: {  	[tilespmem:s16], [sflag:$0x1] =	stream.indirect.gather [hbm4b:s4+s15], $0x80, s31, s15, $0xb8;
	[tilespmem:$0x1C400] =	vst v63  }
0x5b: {  	_ = 	snop  }
0x5c: {  	[tilespmem:s18], [sflag:$0x2] =	stream.indirect.gather [hbm4b:s4+s15], $0x80, s0, s15, $0xb8;
	[tilespmem:$0x1C400] =	vst v63  }
0x5d: {  	_ =	swait.ge [sflag:s19], $0x4000  }
0x5e: {  	[sflag:s19] =	ssyncset.done $0x0  }
0x5f: {  	[sflag:s19] =	ssyncadd.s32 $0xFFFFC000  }
0x60: {  	[spmem:s1] =	stream.indirect.scatter.add.f32 [tilespmem:s16], [sflag:$0x3], $0x80, s2, s15, $0xb8;
	[tilespmem:$0x1C400] =	vst v63  }
0x61: {  	_ =	swait.ge [sflag:s12], $0x4000  }
0x62: {  	[sflag:s12] =	ssyncset.done $0x0  }
0x63: {  	[sflag:s12] =	ssyncadd.s32 $0xFFFFC000  }
0x64: {  	p1 =	slt.u32 @!p0 s8, $0x12;
	_ =	swait.ge [sflag:s20], $0x4000  }
0x65: {  	p1 =	por p0, !p1;
	[sflag:s20] =	ssyncset.done $0x0  }
.Ltmp0:
0x66: {  	[sflag:s20] =	ssyncadd.s32 $0xFFFFC000;
	(pc) =	sbr.rel @!p1 .LBB2_2-.Ltmp0, $4  }
0x67: {  	[spmem:s1] =	stream.indirect.scatter.add.f32 [tilespmem:s18], [sflag:$0x3], $0x80, s5, s15, $0xb8;
	[tilespmem:$0x1C400] =	vst v63  }
0x68: {  	_ =	swait.ge [sflag:s12], $0x4000  }
0x69: {  	s8 =	sadd.s32 $0x1, s8;
	[sflag:s12] =	ssyncset.done $0x0  }
0x6a: {  	s10 =	sadd.s32 $0x80, s10;
	s9 =	sadd.s32 $0x80, s9;
	[sflag:s12] =	ssyncadd.s32 $0xFFFFC000  }
0x6b: {  	[bflag:$0x0] =	sbarrier.arrive $0xFFFF  }
0x6c: {  	s8 =	rddreg [dreg:$0x4]  }
0x6d: {  	[hbm:s8], [sflag:s6] =	dma.local [spmem:s11], $0x2780  }
0x6e: {  	_ =	swait.ge [sflag:s12], $0x2780  }
0x6f: {  	s7 =	sadd.s32 $0x1, s7;
	s10 =	rddreg [dreg:$0x5]  }
0x70: {  	p1 =	sne.s32 s7, s10  }
.Ltmp1:
0x71: {  	_ = 	snop;
	(pc) =	sbr.rel @p1 .LBB2_1-.Ltmp1, $3  }
0x72: {  	_ =	sdelay $0x1  }
0x73: {  	[sflag:s12] =	ssyncset.done $0x0  }
0x74: {  	[sflag:s12] =	ssyncadd.s32 $0xFFFFD880  }
0x75: {  	_ =	sfence.sel $0x180000  }
0x76: {  	[bflag:$0x0] =	sbarrier.arrive $0xFFFF  }
0x77: {  	_ =	strace $0x90000050  }
0x78: {  	s0 =	stileid.u32;
	[bflag:$0x2] =	sbarrier.arrive $0xFFFF  }
0x79: {  	p0 =	sne.s32 s0, $0x0;
	s0 =	rddreg [dreg:$0x2]  }
0x7a: {  	s0 =	sadd.s32 @!p0 $0x100000, s0  }
0x7b: {  	[sflag:s0] =	ssyncadd.tile.s32 @!p0 $0x1;
	_ =	shalt  }
.Lfunc_end2:
_tile_overlayer_lowered:
.L_overlay_start_2:
0x7c: {  	(tag) =	ssettag $0x2  }
0x7d: {  	s0 =	rddreg [dreg:$0x0];
	s2 =	stileid.u32  }
0x7e: {  	s1 =	rddreg [dreg:$0x1];
	p0 =	sne.s32 s2, $0x0  }
0x7f: {  	s3 =	rddreg [dreg:$0x2];
	[bflag:$0x3] =	sbarrier.arrive $0xFFFF;
	s2 =	simm.s32 @!p0 $0x1C03  }
0x80: {  	[timem:s3], [sflag:s2] =	dma.local @!p0 [hbm:s0], s1  }
0x81: {  	s0 =	simm.s32 @!p0 $0x3  }
0x82: {  	_ =	swait.ge @!p0 [sflag:s0], s1  }
0x83: {  	s1 =	ssub.s32 @!p0 $0x0, s1;
	[sflag:s0] =	ssyncset.done @!p0 $0x0  }
0x84: {  	[sflag:s0] =	ssyncadd.s32 @!p0 s1  }
0x85: {  	[bflag:$0x3] =	sbarrier.arrive $0xFFFF  }
0x86: {  	_ =	shalt  }

</sc_bundles>
